<compile_context>
chip_gen: v7x
topology: tpu7x:2x2x1
jax: 0.10.2.dev20260603
libtpu: 0.0.44.dev20260713+nightly
codegen_flags: <defaults>
</compile_context>

<pallas_src>
import functools

import jax
import jax.numpy as jnp
from jax import lax
from jax.experimental import pallas as pl
from jax.experimental.pallas import tpu as pltpu
from jax.experimental.pallas import tpu_sc as plsc

N = 10000
E = 320000
D = 128
G = 64

NC = 2
NS = 16
NT = NC * NS

NPAD = 10240
EPAD = 327680
CH = 128
NCH = EPAD // NT // CH
NPT = NPAD // NT
NPS = NPAD // NS
EPT = NCH * CH
BN = 1024


def _mesh():
    return plsc.VectorSubcoreMesh(core_axis_name="c", subcore_axis_name="s")


def _sc_gather_deg(x3, col3, ew3, emb):

    @functools.partial(
        pl.kernel,
        mesh=_mesh(),
        out_type=(
            jax.ShapeDtypeStruct((NPAD, D), jnp.float32),
            jax.ShapeDtypeStruct((NC, NPAD, 16), jnp.float32),
        ),
        scratch_types=[
            pltpu.VMEM((5, 64), jnp.int32),
            pltpu.VMEM((64, D), jnp.float32),
            pltpu.VMEM((64, D), jnp.float32),
            pltpu.VMEM((SUP, CH), jnp.int32),
            pltpu.VMEM((SUP * CH,), jnp.float32),
            pltpu.VMEM((CH, 16), jnp.float32),
            pltpu.VMEM_SHARED((NPAD, 16), jnp.float32),
        ],
        compiler_params=pltpu.CompilerParams(needs_layout_passes=False),
    )
    def k(x_hbm, col_hbm, ew_hbm, emb_hbm, h_out, deg_out,
          xall, ga, gb, colall, ewall, ewrow, deg_sh):
        c = lax.axis_index("c")
        s = lax.axis_index("s")
        tid = c * NS + s

        def zrow(i, _):
            ewrow[i, :] = jnp.zeros((16,), jnp.float32)
            return 0
        lax.fori_loop(0, CH, zrow, 0)
        for i in range(NPS // CH):
            pltpu.sync_copy(ewrow, deg_sh.at[pl.ds(s * NPS + i * CH, CH)])
        plsc.subcore_barrier()

        pltpu.sync_copy(x_hbm.at[tid], xall)
        for t in range(5):
            pltpu.sync_copy(emb_hbm.at[xall.at[t]], ga)
            pltpu.sync_copy(ga, h_out.at[pl.ds(tid * NPT + t * 64, 64)])

        def super_chunk(ss, _):
            pltpu.sync_copy(col_hbm.at[tid, ss], colall)
            pltpu.sync_copy(ew_hbm.at[tid, ss], ewall)

            def chunk(t, _):
                def srow(j, _):
                    fi = jnp.zeros((16,), jnp.int32) + (t * CH + j)
                    ewrow[j, :] = plsc.load_gather(ewall, [fi])
                    return 0
                lax.fori_loop(0, CH, srow, 0)
                pltpu.sync_copy(ewrow, deg_sh.at[colall.at[t]], add=True)
                return 0
            lax.fori_loop(0, SUP, chunk, 0)
            return 0
        lax.fori_loop(0, NSUP, super_chunk, 0)

        plsc.subcore_barrier()
        pltpu.sync_copy(deg_sh.at[pl.ds(s * NPS, NPS)],
                        deg_out.at[c, pl.ds(s * NPS, NPS)])

    return k(x3, col3, ew3, emb)


SUP = 20
NSUP = NCH // SUP


def _sc_edge_agg(hlp, row3, col3, ew3):

    @functools.partial(
        pl.kernel,
        mesh=_mesh(),
        out_type=jax.ShapeDtypeStruct((NC, NPAD, D), jnp.float32),
        scratch_types=[
            pltpu.VMEM((SUP, CH), jnp.int32),
            pltpu.VMEM((SUP, CH), jnp.int32),
            pltpu.VMEM((SUP * CH,), jnp.float32),
            pltpu.VMEM((CH, D), jnp.float32),
            pltpu.VMEM((CH, D), jnp.float32),
            pltpu.VMEM_SHARED((NPAD, D), jnp.float32),
        ],
        compiler_params=pltpu.CompilerParams(needs_layout_passes=False),
    )
    def k(hlp_hbm, row_hbm, col_hbm, ew_hbm, out_hbm,
          rowsup, colsup, ewsup, rows_a, rows_b, agg_sh):
        c = lax.axis_index("c")
        s = lax.axis_index("s")
        tid = c * NS + s

        def zrow(i, _):
            for kk in range(D // 16):
                rows_a[i, pl.ds(16 * kk, 16)] = jnp.zeros((16,), jnp.float32)
            return 0
        lax.fori_loop(0, CH, zrow, 0)
        for i in range(NPS // CH):
            pltpu.sync_copy(rows_a, agg_sh.at[pl.ds(s * NPS + i * CH, CH)])
        plsc.subcore_barrier()

        def scale(rows, t):
            @plsc.parallel_loop(0, CH, unroll=4)
            def _(j):
                fi = jnp.zeros((16,), jnp.int32) + (t * CH + j)
                sv = plsc.load_gather(ewsup, [fi])
                for kk in range(D // 16):
                    rows[j, pl.ds(16 * kk, 16)] = (
                        rows[j, pl.ds(16 * kk, 16)] * sv)

        def super_chunk(ss, _):
            pltpu.sync_copy(row_hbm.at[tid, ss], rowsup)
            pltpu.sync_copy(col_hbm.at[tid, ss], colsup)
            pltpu.sync_copy(ew_hbm.at[tid, ss], ewsup)

            def chunk(t, _):
                pltpu.sync_copy(hlp_hbm.at[rowsup.at[t]], rows_a)
                scale(rows_a, t)
                pltpu.sync_copy(rows_a, agg_sh.at[colsup.at[t]], add=True)
                return 0
            lax.fori_loop(0, SUP, chunk, 0)
            return 0
        lax.fori_loop(0, NSUP, super_chunk, 0)

        plsc.subcore_barrier()
        pltpu.sync_copy(agg_sh.at[pl.ds(s * NPS, NPS)],
                        out_hbm.at[c, pl.ds(s * NPS, NPS)])

    return k(hlp, row3, col3, ew3)


def _dis_block(degpair):
    deg = 1.0 + degpair[0, :, 0:1] + degpair[1, :, 0:1]
    return lax.rsqrt(deg)


def _ln_block(h, g, b):
    mu = jnp.mean(h, axis=-1, keepdims=True)
    var = jnp.mean((h - mu) ** 2, axis=-1, keepdims=True)
    return (h - mu) / jnp.sqrt(var + 1e-5) * g + b


def _mm(a, b):
    return lax.dot_general(a, b, (((1,), (0,)), ((), ())),
                           precision=lax.Precision.HIGHEST,
                           preferred_element_type=jnp.float32)


def _tc_ln_mm(hgat, degpair, g1, b1, W1):
    def body(h_ref, deg_ref, g_ref, b_ref, w_ref, o_ref):
        dis = _dis_block(deg_ref[...])
        hn = _ln_block(h_ref[...], g_ref[...], b_ref[...])
        o_ref[...] = dis * _mm(hn, w_ref[...])

    return pl.pallas_call(
        body,
        grid=(NPAD // BN,),
        in_specs=[
            pl.BlockSpec((BN, D), lambda i: (i, 0)),
            pl.BlockSpec((NC, BN, 16), lambda i: (0, i, 0)),
            pl.BlockSpec((1, D), lambda i: (0, 0)),
            pl.BlockSpec((1, D), lambda i: (0, 0)),
            pl.BlockSpec((D, D), lambda i: (0, 0)),
        ],
        out_specs=pl.BlockSpec((BN, D), lambda i: (i, 0)),
        out_shape=jax.ShapeDtypeStruct((NPAD, D), jnp.float32),
    )(hgat, degpair, g1, b1, W1)


def _tc_combine_ln_mm(aggpair, hlp, degpair, bias, g2, b2, W2):
    def body(a_ref, hlp_ref, deg_ref, bias_ref, g_ref, b_ref, w_ref, o_ref):
        dis = _dis_block(deg_ref[...])
        a = a_ref[0] + a_ref[1] + hlp_ref[...]
        h2 = jnp.maximum(dis * a + bias_ref[...], 0.0)
        hn = _ln_block(h2, g_ref[...], b_ref[...])
        o_ref[...] = dis * _mm(hn, w_ref[...])

    return pl.pallas_call(
        body,
        grid=(NPAD // BN,),
        in_specs=[
            pl.BlockSpec((NC, BN, D), lambda i: (0, i, 0)),
            pl.BlockSpec((BN, D), lambda i: (i, 0)),
            pl.BlockSpec((NC, BN, 16), lambda i: (0, i, 0)),
            pl.BlockSpec((1, D), lambda i: (0, 0)),
            pl.BlockSpec((1, D), lambda i: (0, 0)),
            pl.BlockSpec((1, D), lambda i: (0, 0)),
            pl.BlockSpec((D, D), lambda i: (0, 0)),
        ],
        out_specs=pl.BlockSpec((BN, D), lambda i: (i, 0)),
        out_shape=jax.ShapeDtypeStruct((NPAD, D), jnp.float32),
    )(aggpair, hlp, degpair, bias, g2, b2, W2)


def _tc_pool_mlp(aggpair, hlp, degpair, bias, batchf, mW1p, mb1p, mW2p, mb2p):
    nb = NPAD // BN

    def body(a_ref, hlp_ref, deg_ref, bias_ref, bt_ref,
             w1_ref, c1_ref, w2_ref, c2_ref, o_ref, pool_ref, cnt_ref):
        i = pl.program_id(0)

        @pl.when(i == 0)
        def _():
            pool_ref[...] = jnp.zeros_like(pool_ref)
            cnt_ref[...] = jnp.zeros_like(cnt_ref)

        dis = _dis_block(deg_ref[...])
        a = a_ref[0] + a_ref[1] + hlp_ref[...]
        h3 = jnp.maximum(dis * a + bias_ref[...], 0.0)

        bt = bt_ref[0]
        gid = lax.broadcasted_iota(jnp.int32, (G, BN), 0)
        onehot = jnp.where(gid == bt, 1.0, 0.0)
        pool_ref[...] += _mm(onehot, h3)
        cnt_ref[...] += jnp.sum(onehot, axis=1, keepdims=True)

        @pl.when(i == nb - 1)
        def _():
            gavg = pool_ref[...] / jnp.maximum(cnt_ref[...], 1.0)
            z = jnp.maximum(_mm(gavg, w1_ref[...]) + c1_ref[...], 0.0)
            o_ref[...] = _mm(z, w2_ref[...]) + c2_ref[...]

    return pl.pallas_call(
        body,
        grid=(nb,),
        in_specs=[
            pl.BlockSpec((NC, BN, D), lambda i: (0, i, 0)),
            pl.BlockSpec((BN, D), lambda i: (i, 0)),
            pl.BlockSpec((NC, BN, 16), lambda i: (0, i, 0)),
            pl.BlockSpec((1, D), lambda i: (0, 0)),
            pl.BlockSpec((1, 1, BN), lambda i: (i, 0, 0)),
            pl.BlockSpec((D, D), lambda i: (0, 0)),
            pl.BlockSpec((1, D), lambda i: (0, 0)),
            pl.BlockSpec((D, D), lambda i: (0, 0)),
            pl.BlockSpec((1, D), lambda i: (0, 0)),
        ],
        out_specs=pl.BlockSpec((G, D), lambda i: (0, 0)),
        out_shape=jax.ShapeDtypeStruct((G, D), jnp.float32),
        scratch_shapes=[
            pltpu.VMEM((G, D), jnp.float32),
            pltpu.VMEM((G, 1), jnp.float32),
        ],
    )(aggpair, hlp, degpair, bias, batchf, mW1p, mb1p, mW2p, mb2p)


def kernel(x, edge_index, edge_attr, batch, emb, ln1_g, ln1_b, W1, b1,
           ln2_g, ln2_b, W2, b2, mW1, mb1, mW2, mb2):
    i32 = jnp.int32
    f32 = jnp.float32

    xspread = jnp.arange(NPAD - N, dtype=i32) % emb.shape[0]
    x3 = jnp.concatenate([x.astype(i32), xspread]).reshape(NT, 5, 64)
    row = edge_index[0].astype(i32)
    col = edge_index[1].astype(i32)
    epad = EPAD - E
    spread = jnp.arange(epad, dtype=i32) % N
    row3 = jnp.concatenate([row, spread]).reshape(NT, NSUP, SUP, CH)
    col3 = jnp.concatenate([col, spread]).reshape(NT, NSUP, SUP, CH)
    ew3 = jnp.concatenate(
        [edge_attr.astype(f32), jnp.zeros((epad,), f32)]
    ).reshape(NT, NSUP, SUP * CH)
    batchf = jnp.concatenate(
        [batch.astype(i32), jnp.full((NPAD - N,), 65536, i32)]
    ).reshape(NPAD // BN, 1, BN)

    g1 = ln1_g.reshape(1, D)
    c1 = ln1_b.reshape(1, D)
    g2 = ln2_g.reshape(1, D)
    c2 = ln2_b.reshape(1, D)
    b1r = b1.reshape(1, D)
    b2r = b2.reshape(1, D)
    mW1p = jnp.pad(mW1, ((0, 0), (0, D - mW1.shape[1])))
    mb1p = jnp.pad(mb1, (0, D - mb1.shape[0])).reshape(1, D)
    mW2p = jnp.pad(mW2, ((0, D - mW2.shape[0]), (0, D - mW2.shape[1])))
    mb2p = jnp.pad(mb2, (0, D - mb2.shape[0])).reshape(1, D)

    hgat, degpair = _sc_gather_deg(x3, col3, ew3, emb)
    hl1p = _tc_ln_mm(hgat, degpair, g1, c1, W1)
    agg1 = _sc_edge_agg(hl1p, row3, col3, ew3)
    hl2p = _tc_combine_ln_mm(agg1, hl1p, degpair, b1r, g2, c2, W2)
    agg2 = _sc_edge_agg(hl2p, row3, col3, ew3)
    outp = _tc_pool_mlp(agg2, hl2p, degpair, b2r, batchf,
                        mW1p, mb1p, mW2p, mb2p)
    return outp[:, :mW2.shape[1]]

# --- scband reference (transcript-rebuilt; emitter-appended) ---
"""Pipeline reference for scband-weighted-gcn-46626164965918 (READ-ONLY COPY).

The authoritative reference and input builder live on the scoring server;
editing this copy changes nothing except your own understanding.
"""

import jax, jax.numpy as jnp
import numpy as np

N = 10000
E = 320000
V = 100000
D = 128
H = 128
G = 64


def _layer_norm(x, g, b):
    mu = jnp.mean(x, axis=-1, keepdims=True)
    var = jnp.var(x, axis=-1, keepdims=True)
    return (x - mu) / jnp.sqrt(var + 1e-5) * g + b


def _gcn_conv(h, ei, ew, W, b, n):
    # PyG GCNConv with edge_weight: gcn_norm with self-loops already appended
    row, col = ei[0], ei[1]
    deg = jax.ops.segment_sum(ew, col, num_segments=n)
    dis = jnp.where(deg > 0, jax.lax.rsqrt(jnp.where(deg > 0, deg, 1.0)), 0.0)
    norm = dis[row] * ew * dis[col]
    hl = h @ W
    msg = hl[row] * norm[:, None]
    agg = jax.ops.segment_sum(msg, col, num_segments=n)
    return agg + b


def setup_inputs(seed: int = 0) -> dict:
    key = jax.random.key(seed)
    ks = jax.random.split(key, 12)
    x = jax.random.randint(ks[0], (N,), 0, V)
    edge_index = jax.random.randint(ks[1], (2, E), 0, N)
    edge_attr = jax.random.uniform(ks[2], (E,), dtype=jnp.float32)
    batch = jnp.sort(jax.random.randint(ks[3], (N,), 0, G))
    emb = jax.random.normal(ks[4], (V, D), dtype=jnp.float32) * 0.02
    ln1_g = jnp.ones((D,), jnp.float32)
    ln1_b = jnp.zeros((D,), jnp.float32)
    W1 = jax.random.normal(ks[5], (D, H), dtype=jnp.float32) * (1.0 / np.sqrt(D))
    b1 = jnp.zeros((H,), jnp.float32)
    ln2_g = jnp.ones((H,), jnp.float32)
    ln2_b = jnp.zeros((H,), jnp.float32)
    W2 = jax.random.normal(ks[6], (H, H), dtype=jnp.float32) * (1.0 / np.sqrt(H))
    b2 = jnp.zeros((H,), jnp.float32)
    mW1 = jax.random.normal(ks[7], (H, H // 2), dtype=jnp.float32) * (1.0 / np.sqrt(H))
    mb1 = jnp.zeros((H // 2,), jnp.float32)
    mW2 = jax.random.normal(ks[8], (H // 2, 2), dtype=jnp.float32) * (1.0 / np.sqrt(H // 2))
    mb2 = jnp.zeros((2,), jnp.float32)
    return {"x": x, "edge_index": edge_index, "edge_attr": edge_attr, "batch": batch,
            "emb": emb, "ln1_g": ln1_g, "ln1_b": ln1_b, "W1": W1, "b1": b1,
            "ln2_g": ln2_g, "ln2_b": ln2_b, "W2": W2, "b2": b2,
            "mW1": mW1, "mb1": mb1, "mW2": mW2, "mb2": mb2}


def reference(x, edge_index, edge_attr, batch, emb, ln1_g, ln1_b, W1, b1,
              ln2_g, ln2_b, W2, b2, mW1, mb1, mW2, mb2):
    n = x.shape[0]
    h = emb[x]  # embedding lookup (dropout is identity in eval)
    loops = jnp.arange(n, dtype=edge_index.dtype)
    ei = jnp.concatenate([edge_index, jnp.stack([loops, loops])], axis=1)
    ew = jnp.concatenate([edge_attr.reshape(-1), jnp.ones((n,), edge_attr.dtype)])
    h = _layer_norm(h, ln1_g, ln1_b)
    h = jax.nn.relu(_gcn_conv(h, ei, ew, W1, b1, n))
    h = _layer_norm(h, ln2_g, ln2_b)
    h = jax.nn.relu(_gcn_conv(h, ei, ew, W2, b2, n))
    counts = jax.ops.segment_sum(jnp.ones((n,), h.dtype), batch, num_segments=G)
    g = jax.ops.segment_sum(h, batch, num_segments=G) / jnp.maximum(counts, 1.0)[:, None]
    z = jax.nn.relu(g @ mW1 + mb1)
    return z @ mW2 + mb2

if __name__ == "__main__":
    import jax
    _d = setup_inputs()
    print(jax.jit(kernel)(*tuple(_d.values())))

</pallas_src>

<mosaic_0001>
#map = affine_map<(d0, d1) -> (0, 0)>
#map1 = affine_map<(d0, d1) -> (0, 0, 0, 0)>
#map2 = affine_map<(d0, d1) -> (0, 0, 0)>
module attributes {stable_mosaic.version = 14 : i64} {
  func.func @k(%arg0: i32, %arg1: i32, %arg2: memref<10240x128xf32, #tpu.memory_space<hbm>>, %arg3: memref<32x4x20x128xi32, #tpu.memory_space<hbm>>, %arg4: memref<32x4x20x128xi32, #tpu.memory_space<hbm>>, %arg5: memref<32x4x2560xf32, #tpu.memory_space<hbm>>, %arg6: memref<2x10240x128xf32, #tpu.memory_space<hbm>>, %arg7: memref<20x128xi32, #tpu.memory_space<vmem>>, %arg8: memref<20x128xi32, #tpu.memory_space<vmem>>, %arg9: memref<2560xf32, #tpu.memory_space<vmem>>, %arg10: memref<128x128xf32, #tpu.memory_space<vmem>>, %arg11: memref<128x128xf32, #tpu.memory_space<vmem>>, %arg12: memref<10240x128xf32, #tpu.memory_space<vmem_shared>>) attributes {dimension_semantics = [#tpu.dimension_semantics<core_parallel>, #tpu.dimension_semantics<subcore_parallel>], iteration_bounds = array<i64: 2, 16>, scalar_prefetch = 0 : i64, scratch_operands = 6 : i64, tpu.core_type = #tpu.core_type<sc_vector_subcore>, window_params = [{transform_indices = #map}, {transform_indices = #map1}, {transform_indices = #map1}, {transform_indices = #map2}, {transform_indices = #map2}]} {
    %mul3A = arith.constant 16 : i32
    %mul3A_0 = arith.muli %arg0, %mul3A : i32
    %add3A = arith.addi %mul3A_0, %arg1 : i32
    %scan3A = arith.constant 0 : i32
    %scan3A_1 = arith.constant 0 : i32
    %scan3A_2 = arith.constant 128 : i32
    %scan3A_3 = arith.addi %scan3A_1, %scan3A_2 : i32
    %scan3A_4 = arith.constant 1 : i32
    %scan3A_5 = scf.for %scan3A_39 = %scan3A_1 to %scan3A_3 step %scan3A_4 iter_args(%scan3A_40 = %scan3A) -> (i32)  : i32 {
      %broadcast_in_dim3A = arith.constant 0.000000e+00 : f32
      %broadcast_in_dim3A_41 = vector.broadcast %broadcast_in_dim3A : f32 to vector<16xf32>
      %swap3A = arith.index_cast %scan3A_39 : i32 to index
      %swap3A_42 = arith.constant 0 : index
      %swap3A_43 = tpu.vector_load %arg10[%swap3A, %swap3A_42] {strides = array<i32>} : memref<128x128xf32, #tpu.memory_space<vmem>>, vector<16xf32>,
      tpu.vector_store %arg10[%swap3A, %swap3A_42], %broadcast_in_dim3A_41 {strides = array<i32>} : memref<128x128xf32, #tpu.memory_space<vmem>>, vector<16xf32>,
      %broadcast_in_dim3A_44 = arith.constant 0.000000e+00 : f32
      %broadcast_in_dim3A_45 = vector.broadcast %broadcast_in_dim3A_44 : f32 to vector<16xf32>
      %swap3A_46 = arith.index_cast %scan3A_39 : i32 to index
      %swap3A_47 = arith.constant 16 : index
      %swap3A_48 = tpu.vector_load %arg10[%swap3A_46, %swap3A_47] {strides = array<i32>} : memref<128x128xf32, #tpu.memory_space<vmem>>, vector<16xf32>,
      tpu.vector_store %arg10[%swap3A_46, %swap3A_47], %broadcast_in_dim3A_45 {strides = array<i32>} : memref<128x128xf32, #tpu.memory_space<vmem>>, vector<16xf32>,
      %broadcast_in_dim3A_49 = arith.constant 0.000000e+00 : f32
      %broadcast_in_dim3A_50 = vector.broadcast %broadcast_in_dim3A_49 : f32 to vector<16xf32>
      %swap3A_51 = arith.index_cast %scan3A_39 : i32 to index
      %swap3A_52 = arith.constant 32 : index
      %swap3A_53 = tpu.vector_load %arg10[%swap3A_51, %swap3A_52] {strides = array<i32>} : memref<128x128xf32, #tpu.memory_space<vmem>>, vector<16xf32>,
      tpu.vector_store %arg10[%swap3A_51, %swap3A_52], %broadcast_in_dim3A_50 {strides = array<i32>} : memref<128x128xf32, #tpu.memory_space<vmem>>, vector<16xf32>,
      %broadcast_in_dim3A_54 = arith.constant 0.000000e+00 : f32
      %broadcast_in_dim3A_55 = vector.broadcast %broadcast_in_dim3A_54 : f32 to vector<16xf32>
      %swap3A_56 = arith.index_cast %scan3A_39 : i32 to index
      %swap3A_57 = arith.constant 48 : index
      %swap3A_58 = tpu.vector_load %arg10[%swap3A_56, %swap3A_57] {strides = array<i32>} : memref<128x128xf32, #tpu.memory_space<vmem>>, vector<16xf32>,
      tpu.vector_store %arg10[%swap3A_56, %swap3A_57], %broadcast_in_dim3A_55 {strides = array<i32>} : memref<128x128xf32, #tpu.memory_space<vmem>>, vector<16xf32>,
      %broadcast_in_dim3A_59 = arith.constant 0.000000e+00 : f32
      %broadcast_in_dim3A_60 = vector.broadcast %broadcast_in_dim3A_59 : f32 to vector<16xf32>
      %swap3A_61 = arith.index_cast %scan3A_39 : i32 to index
      %swap3A_62 = arith.constant 64 : index
      %swap3A_63 = tpu.vector_load %arg10[%swap3A_61, %swap3A_62] {strides = array<i32>} : memref<128x128xf32, #tpu.memory_space<vmem>>, vector<16xf32>,
      tpu.vector_store %arg10[%swap3A_61, %swap3A_62], %broadcast_in_dim3A_60 {strides = array<i32>} : memref<128x128xf32, #tpu.memory_space<vmem>>, vector<16xf32>,
      %broadcast_in_dim3A_64 = arith.constant 0.000000e+00 : f32
      %broadcast_in_dim3A_65 = vector.broadcast %broadcast_in_dim3A_64 : f32 to vector<16xf32>
      %swap3A_66 = arith.index_cast %scan3A_39 : i32 to index
      %swap3A_67 = arith.constant 80 : index
      %swap3A_68 = tpu.vector_load %arg10[%swap3A_66, %swap3A_67] {strides = array<i32>} : memref<128x128xf32, #tpu.memory_space<vmem>>, vector<16xf32>,
      tpu.vector_store %arg10[%swap3A_66, %swap3A_67], %broadcast_in_dim3A_65 {strides = array<i32>} : memref<128x128xf32, #tpu.memory_space<vmem>>, vector<16xf32>,
      %broadcast_in_dim3A_69 = arith.constant 0.000000e+00 : f32
      %broadcast_in_dim3A_70 = vector.broadcast %broadcast_in_dim3A_69 : f32 to vector<16xf32>
      %swap3A_71 = arith.index_cast %scan3A_39 : i32 to index
      %swap3A_72 = arith.constant 96 : index
      %swap3A_73 = tpu.vector_load %arg10[%swap3A_71, %swap3A_72] {strides = array<i32>} : memref<128x128xf32, #tpu.memory_space<vmem>>, vector<16xf32>,
      tpu.vector_store %arg10[%swap3A_71, %swap3A_72], %broadcast_in_dim3A_70 {strides = array<i32>} : memref<128x128xf32, #tpu.memory_space<vmem>>, vector<16xf32>,
      %broadcast_in_dim3A_74 = arith.constant 0.000000e+00 : f32
      %broadcast_in_dim3A_75 = vector.broadcast %broadcast_in_dim3A_74 : f32 to vector<16xf32>
      %swap3A_76 = arith.index_cast %scan3A_39 : i32 to index
      %swap3A_77 = arith.constant 112 : index
      %swap3A_78 = tpu.vector_load %arg10[%swap3A_76, %swap3A_77] {strides = array<i32>} : memref<128x128xf32, #tpu.memory_space<vmem>>, vector<16xf32>,
      tpu.vector_store %arg10[%swap3A_76, %swap3A_77], %broadcast_in_dim3A_75 {strides = array<i32>} : memref<128x128xf32, #tpu.memory_space<vmem>>, vector<16xf32>,
      %scan3A_79 = arith.constant 0 : i32
      scf.yield %scan3A_79 : i32
    }
    %scan3A_6 = arith.constant 128 : i32
    %mul3A_7 = arith.constant 640 : i32
    %mul3A_8 = arith.muli %arg1, %mul3A_7 : i32
    %add3A_9 = arith.constant 0 : i32
    %add3A_10 = arith.addi %mul3A_8, %add3A_9 : i32
    "tpu.region"() ({
      %run_scoped3A = tpu.sem_alloc : memref<!tpu.dma_semaphore, #tpu.memory_space<semaphore_mem>>
      %dma_start3A = arith.constant 0 : i32
      %dma_start3A_39 = tpu.memref_slice %arg12[%add3A_10, %dma_start3A] : memref<10240x128xf32, #tpu.memory_space<vmem_shared>> -> memref<128x128xf32, #tpu.memory_space<vmem_shared>>
      %dma_start3A_40 = arith.constant 0 : i32
      %dma_start3A_41 = tpu.memref_slice %arg12[%add3A_10, %dma_start3A_40] : memref<10240x128xf32, #tpu.memory_space<vmem_shared>> -> memref<128x128xf32, #tpu.memory_space<vmem_shared>>
      tpu.enqueue_dma source(%arg10 : memref<128x128xf32, #tpu.memory_space<vmem>>) target(%dma_start3A_41 : memref<128x128xf32, #tpu.memory_space<vmem_shared>>) target_semaphore(%run_scoped3A : memref<!tpu.dma_semaphore, #tpu.memory_space<semaphore_mem>>)
      %dma_wait3A = arith.constant 0 : i32
      %dma_wait3A_42 = tpu.memref_slice %arg12[%add3A_10, %dma_wait3A] : memref<10240x128xf32, #tpu.memory_space<vmem_shared>> -> memref<128x128xf32, #tpu.memory_space<vmem_shared>>
      %dma_wait3A_43 = arith.constant 0 : i32
      %dma_wait3A_44 = tpu.memref_slice %arg12[%add3A_10, %dma_wait3A_43] : memref<10240x128xf32, #tpu.memory_space<vmem_shared>> -> memref<128x128xf32, #tpu.memory_space<vmem_shared>>
      tpu.wait_dma2 semaphore(%run_scoped3A : memref<!tpu.dma_semaphore, #tpu.memory_space<semaphore_mem>>) src(%arg10 : memref<128x128xf32, #tpu.memory_space<vmem>>) dst(%dma_wait3A_44 : memref<128x128xf32, #tpu.memory_space<vmem_shared>>)
      tpu.yield
    }) : () -> ()
    %mul3A_11 = arith.constant 640 : i32
    %mul3A_12 = arith.muli %arg1, %mul3A_11 : i32
    %add3A_13 = arith.constant 128 : i32
    %add3A_14 = arith.addi %mul3A_12, %add3A_13 : i32
    "tpu.region"() ({
      %run_scoped3A = tpu.sem_alloc : memref<!tpu.dma_semaphore, #tpu.memory_space<semaphore_mem>>
      %dma_start3A = arith.constant 0 : i32
      %dma_start3A_39 = tpu.memref_slice %arg12[%add3A_14, %dma_start3A] : memref<10240x128xf32, #tpu.memory_space<vmem_shared>> -> memref<128x128xf32, #tpu.memory_space<vmem_shared>>
      %dma_start3A_40 = arith.constant 0 : i32
      %dma_start3A_41 = tpu.memref_slice %arg12[%add3A_14, %dma_start3A_40] : memref<10240x128xf32, #tpu.memory_space<vmem_shared>> -> memref<128x128xf32, #tpu.memory_space<vmem_shared>>
      tpu.enqueue_dma source(%arg10 : memref<128x128xf32, #tpu.memory_space<vmem>>) target(%dma_start3A_41 : memref<128x128xf32, #tpu.memory_space<vmem_shared>>) target_semaphore(%run_scoped3A : memref<!tpu.dma_semaphore, #tpu.memory_space<semaphore_mem>>)
      %dma_wait3A = arith.constant 0 : i32
      %dma_wait3A_42 = tpu.memref_slice %arg12[%add3A_14, %dma_wait3A] : memref<10240x128xf32, #tpu.memory_space<vmem_shared>> -> memref<128x128xf32, #tpu.memory_space<vmem_shared>>
      %dma_wait3A_43 = arith.constant 0 : i32
      %dma_wait3A_44 = tpu.memref_slice %arg12[%add3A_14, %dma_wait3A_43] : memref<10240x128xf32, #tpu.memory_space<vmem_shared>> -> memref<128x128xf32, #tpu.memory_space<vmem_shared>>
      tpu.wait_dma2 semaphore(%run_scoped3A : memref<!tpu.dma_semaphore, #tpu.memory_space<semaphore_mem>>) src(%arg10 : memref<128x128xf32, #tpu.memory_space<vmem>>) dst(%dma_wait3A_44 : memref<128x128xf32, #tpu.memory_space<vmem_shared>>)
      tpu.yield
    }) : () -> ()
    %mul3A_15 = arith.constant 640 : i32
    %mul3A_16 = arith.muli %arg1, %mul3A_15 : i32
    %add3A_17 = arith.constant 256 : i32
    %add3A_18 = arith.addi %mul3A_16, %add3A_17 : i32
    "tpu.region"() ({
      %run_scoped3A = tpu.sem_alloc : memref<!tpu.dma_semaphore, #tpu.memory_space<semaphore_mem>>
      %dma_start3A = arith.constant 0 : i32
      %dma_start3A_39 = tpu.memref_slice %arg12[%add3A_18, %dma_start3A] : memref<10240x128xf32, #tpu.memory_space<vmem_shared>> -> memref<128x128xf32, #tpu.memory_space<vmem_shared>>
      %dma_start3A_40 = arith.constant 0 : i32
      %dma_start3A_41 = tpu.memref_slice %arg12[%add3A_18, %dma_start3A_40] : memref<10240x128xf32, #tpu.memory_space<vmem_shared>> -> memref<128x128xf32, #tpu.memory_space<vmem_shared>>
      tpu.enqueue_dma source(%arg10 : memref<128x128xf32, #tpu.memory_space<vmem>>) target(%dma_start3A_41 : memref<128x128xf32, #tpu.memory_space<vmem_shared>>) target_semaphore(%run_scoped3A : memref<!tpu.dma_semaphore, #tpu.memory_space<semaphore_mem>>)
      %dma_wait3A = arith.constant 0 : i32
      %dma_wait3A_42 = tpu.memref_slice %arg12[%add3A_18, %dma_wait3A] : memref<10240x128xf32, #tpu.memory_space<vmem_shared>> -> memref<128x128xf32, #tpu.memory_space<vmem_shared>>
      %dma_wait3A_43 = arith.constant 0 : i32
      %dma_wait3A_44 = tpu.memref_slice %arg12[%add3A_18, %dma_wait3A_43] : memref<10240x128xf32, #tpu.memory_space<vmem_shared>> -> memref<128x128xf32, #tpu.memory_space<vmem_shared>>
      tpu.wait_dma2 semaphore(%run_scoped3A : memref<!tpu.dma_semaphore, #tpu.memory_space<semaphore_mem>>) src(%arg10 : memref<128x128xf32, #tpu.memory_space<vmem>>) dst(%dma_wait3A_44 : memref<128x128xf32, #tpu.memory_space<vmem_shared>>)
      tpu.yield
    }) : () -> ()
    %mul3A_19 = arith.constant 640 : i32
    %mul3A_20 = arith.muli %arg1, %mul3A_19 : i32
    %add3A_21 = arith.constant 384 : i32
    %add3A_22 = arith.addi %mul3A_20, %add3A_21 : i32
    "tpu.region"() ({
      %run_scoped3A = tpu.sem_alloc : memref<!tpu.dma_semaphore, #tpu.memory_space<semaphore_mem>>
      %dma_start3A = arith.constant 0 : i32
      %dma_start3A_39 = tpu.memref_slice %arg12[%add3A_22, %dma_start3A] : memref<10240x128xf32, #tpu.memory_space<vmem_shared>> -> memref<128x128xf32, #tpu.memory_space<vmem_shared>>
      %dma_start3A_40 = arith.constant 0 : i32
      %dma_start3A_41 = tpu.memref_slice %arg12[%add3A_22, %dma_start3A_40] : memref<10240x128xf32, #tpu.memory_space<vmem_shared>> -> memref<128x128xf32, #tpu.memory_space<vmem_shared>>
      tpu.enqueue_dma source(%arg10 : memref<128x128xf32, #tpu.memory_space<vmem>>) target(%dma_start3A_41 : memref<128x128xf32, #tpu.memory_space<vmem_shared>>) target_semaphore(%run_scoped3A : memref<!tpu.dma_semaphore, #tpu.memory_space<semaphore_mem>>)
      %dma_wait3A = arith.constant 0 : i32
      %dma_wait3A_42 = tpu.memref_slice %arg12[%add3A_22, %dma_wait3A] : memref<10240x128xf32, #tpu.memory_space<vmem_shared>> -> memref<128x128xf32, #tpu.memory_space<vmem_shared>>
      %dma_wait3A_43 = arith.constant 0 : i32
      %dma_wait3A_44 = tpu.memref_slice %arg12[%add3A_22, %dma_wait3A_43] : memref<10240x128xf32, #tpu.memory_space<vmem_shared>> -> memref<128x128xf32, #tpu.memory_space<vmem_shared>>
      tpu.wait_dma2 semaphore(%run_scoped3A : memref<!tpu.dma_semaphore, #tpu.memory_space<semaphore_mem>>) src(%arg10 : memref<128x128xf32, #tpu.memory_space<vmem>>) dst(%dma_wait3A_44 : memref<128x128xf32, #tpu.memory_space<vmem_shared>>)
      tpu.yield
    }) : () -> ()
    %mul3A_23 = arith.constant 640 : i32
    %mul3A_24 = arith.muli %arg1, %mul3A_23 : i32
    %add3A_25 = arith.constant 512 : i32
    %add3A_26 = arith.addi %mul3A_24, %add3A_25 : i32
    "tpu.region"() ({
      %run_scoped3A = tpu.sem_alloc : memref<!tpu.dma_semaphore, #tpu.memory_space<semaphore_mem>>
      %dma_start3A = arith.constant 0 : i32
      %dma_start3A_39 = tpu.memref_slice %arg12[%add3A_26, %dma_start3A] : memref<10240x128xf32, #tpu.memory_space<vmem_shared>> -> memref<128x128xf32, #tpu.memory_space<vmem_shared>>
      %dma_start3A_40 = arith.constant 0 : i32
      %dma_start3A_41 = tpu.memref_slice %arg12[%add3A_26, %dma_start3A_40] : memref<10240x128xf32, #tpu.memory_space<vmem_shared>> -> memref<128x128xf32, #tpu.memory_space<vmem_shared>>
      tpu.enqueue_dma source(%arg10 : memref<128x128xf32, #tpu.memory_space<vmem>>) target(%dma_start3A_41 : memref<128x128xf32, #tpu.memory_space<vmem_shared>>) target_semaphore(%run_scoped3A : memref<!tpu.dma_semaphore, #tpu.memory_space<semaphore_mem>>)
      %dma_wait3A = arith.constant 0 : i32
      %dma_wait3A_42 = tpu.memref_slice %arg12[%add3A_26, %dma_wait3A] : memref<10240x128xf32, #tpu.memory_space<vmem_shared>> -> memref<128x128xf32, #tpu.memory_space<vmem_shared>>
      %dma_wait3A_43 = arith.constant 0 : i32
      %dma_wait3A_44 = tpu.memref_slice %arg12[%add3A_26, %dma_wait3A_43] : memref<10240x128xf32, #tpu.memory_space<vmem_shared>> -> memref<128x128xf32, #tpu.memory_space<vmem_shared>>
      tpu.wait_dma2 semaphore(%run_scoped3A : memref<!tpu.dma_semaphore, #tpu.memory_space<semaphore_mem>>) src(%arg10 : memref<128x128xf32, #tpu.memory_space<vmem>>) dst(%dma_wait3A_44 : memref<128x128xf32, #tpu.memory_space<vmem_shared>>)
      tpu.yield
    }) : () -> ()
    %barrier3A = arith.constant 0 : index
    tpu.barrier barrier_id(%barrier3A)
    %scan3A_27 = arith.constant 0 : i32
    %scan3A_28 = arith.constant 0 : i32
    %scan3A_29 = arith.constant 4 : i32
    %scan3A_30 = arith.addi %scan3A_28, %scan3A_29 : i32
    %scan3A_31 = arith.constant 1 : i32
    %scan3A_32 = scf.for %scan3A_39 = %scan3A_28 to %scan3A_30 step %scan3A_31 iter_args(%scan3A_40 = %scan3A_27) -> (i32)  : i32 {
      "tpu.region"() ({
        %run_scoped3A = tpu.sem_alloc : memref<!tpu.dma_semaphore, #tpu.memory_space<semaphore_mem>>
        %dma_start3A = arith.constant 0 : i32
        %dma_start3A_49 = arith.constant 0 : i32
        %dma_start3A_50 = tpu.memref_slice %arg3[%add3A, %scan3A_39, %dma_start3A, %dma_start3A_49] : memref<32x4x20x128xi32, #tpu.memory_space<hbm>> -> memref<1x1x20x128xi32, #tpu.memory_space<hbm>>
        %dma_start3A_51 = tpu.memref_squeeze %dma_start3A_50 : memref<1x1x20x128xi32, #tpu.memory_space<hbm>> -> memref<20x128xi32, #tpu.memory_space<hbm>>
        %dma_start3A_52 = arith.constant 0 : i32
        %dma_start3A_53 = arith.constant 0 : i32
        %dma_start3A_54 = tpu.memref_slice %arg3[%add3A, %scan3A_39, %dma_start3A_52, %dma_start3A_53] : memref<32x4x20x128xi32, #tpu.memory_space<hbm>> -> memref<1x1x20x128xi32, #tpu.memory_space<hbm>>
        %dma_start3A_55 = tpu.memref_squeeze %dma_start3A_54 : memref<1x1x20x128xi32, #tpu.memory_space<hbm>> -> memref<20x128xi32, #tpu.memory_space<hbm>>
        tpu.enqueue_dma source(%dma_start3A_55 : memref<20x128xi32, #tpu.memory_space<hbm>>) target(%arg7 : memref<20x128xi32, #tpu.memory_space<vmem>>) target_semaphore(%run_scoped3A : memref<!tpu.dma_semaphore, #tpu.memory_space<semaphore_mem>>)
        %dma_wait3A = arith.constant 0 : i32
        %dma_wait3A_56 = arith.constant 0 : i32
        %dma_wait3A_57 = tpu.memref_slice %arg3[%add3A, %scan3A_39, %dma_wait3A, %dma_wait3A_56] : memref<32x4x20x128xi32, #tpu.memory_space<hbm>> -> memref<1x1x20x128xi32, #tpu.memory_space<hbm>>
        %dma_wait3A_58 = tpu.memref_squeeze %dma_wait3A_57 : memref<1x1x20x128xi32, #tpu.memory_space<hbm>> -> memref<20x128xi32, #tpu.memory_space<hbm>>
        %dma_wait3A_59 = arith.constant 0 : i32
        %dma_wait3A_60 = arith.constant 0 : i32
        %dma_wait3A_61 = tpu.memref_slice %arg3[%add3A, %scan3A_39, %dma_wait3A_59, %dma_wait3A_60] : memref<32x4x20x128xi32, #tpu.memory_space<hbm>> -> memref<1x1x20x128xi32, #tpu.memory_space<hbm>>
        %dma_wait3A_62 = tpu.memref_squeeze %dma_wait3A_61 : memref<1x1x20x128xi32, #tpu.memory_space<hbm>> -> memref<20x128xi32, #tpu.memory_space<hbm>>
        tpu.wait_dma2 semaphore(%run_scoped3A : memref<!tpu.dma_semaphore, #tpu.memory_space<semaphore_mem>>) src(%dma_wait3A_62 : memref<20x128xi32, #tpu.memory_space<hbm>>) dst(%arg7 : memref<20x128xi32, #tpu.memory_space<vmem>>)
        tpu.yield
      }) : () -> ()
      "tpu.region"() ({
        %run_scoped3A = tpu.sem_alloc : memref<!tpu.dma_semaphore, #tpu.memory_space<semaphore_mem>>
        %dma_start3A = arith.constant 0 : i32
        %dma_start3A_49 = arith.constant 0 : i32
        %dma_start3A_50 = tpu.memref_slice %arg4[%add3A, %scan3A_39, %dma_start3A, %dma_start3A_49] : memref<32x4x20x128xi32, #tpu.memory_space<hbm>> -> memref<1x1x20x128xi32, #tpu.memory_space<hbm>>
        %dma_start3A_51 = tpu.memref_squeeze %dma_start3A_50 : memref<1x1x20x128xi32, #tpu.memory_space<hbm>> -> memref<20x128xi32, #tpu.memory_space<hbm>>
        %dma_start3A_52 = arith.constant 0 : i32
        %dma_start3A_53 = arith.constant 0 : i32
        %dma_start3A_54 = tpu.memref_slice %arg4[%add3A, %scan3A_39, %dma_start3A_52, %dma_start3A_53] : memref<32x4x20x128xi32, #tpu.memory_space<hbm>> -> memref<1x1x20x128xi32, #tpu.memory_space<hbm>>
        %dma_start3A_55 = tpu.memref_squeeze %dma_start3A_54 : memref<1x1x20x128xi32, #tpu.memory_space<hbm>> -> memref<20x128xi32, #tpu.memory_space<hbm>>
        tpu.enqueue_dma source(%dma_start3A_55 : memref<20x128xi32, #tpu.memory_space<hbm>>) target(%arg8 : memref<20x128xi32, #tpu.memory_space<vmem>>) target_semaphore(%run_scoped3A : memref<!tpu.dma_semaphore, #tpu.memory_space<semaphore_mem>>)
        %dma_wait3A = arith.constant 0 : i32
        %dma_wait3A_56 = arith.constant 0 : i32
        %dma_wait3A_57 = tpu.memref_slice %arg4[%add3A, %scan3A_39, %dma_wait3A, %dma_wait3A_56] : memref<32x4x20x128xi32, #tpu.memory_space<hbm>> -> memref<1x1x20x128xi32, #tpu.memory_space<hbm>>
        %dma_wait3A_58 = tpu.memref_squeeze %dma_wait3A_57 : memref<1x1x20x128xi32, #tpu.memory_space<hbm>> -> memref<20x128xi32, #tpu.memory_space<hbm>>
        %dma_wait3A_59 = arith.constant 0 : i32
        %dma_wait3A_60 = arith.constant 0 : i32
        %dma_wait3A_61 = tpu.memref_slice %arg4[%add3A, %scan3A_39, %dma_wait3A_59, %dma_wait3A_60] : memref<32x4x20x128xi32, #tpu.memory_space<hbm>> -> memref<1x1x20x128xi32, #tpu.memory_space<hbm>>
        %dma_wait3A_62 = tpu.memref_squeeze %dma_wait3A_61 : memref<1x1x20x128xi32, #tpu.memory_space<hbm>> -> memref<20x128xi32, #tpu.memory_space<hbm>>
        tpu.wait_dma2 semaphore(%run_scoped3A : memref<!tpu.dma_semaphore, #tpu.memory_space<semaphore_mem>>) src(%dma_wait3A_62 : memref<20x128xi32, #tpu.memory_space<hbm>>) dst(%arg8 : memref<20x128xi32, #tpu.memory_space<vmem>>)
        tpu.yield
      }) : () -> ()
      "tpu.region"() ({
        %run_scoped3A = tpu.sem_alloc : memref<!tpu.dma_semaphore, #tpu.memory_space<semaphore_mem>>
        %dma_start3A = arith.constant 0 : i32
        %dma_start3A_49 = tpu.memref_slice %arg5[%add3A, %scan3A_39, %dma_start3A] : memref<32x4x2560xf32, #tpu.memory_space<hbm>> -> memref<1x1x2560xf32, #tpu.memory_space<hbm>>
        %dma_start3A_50 = tpu.memref_squeeze %dma_start3A_49 : memref<1x1x2560xf32, #tpu.memory_space<hbm>> -> memref<2560xf32, #tpu.memory_space<hbm>>
        %dma_start3A_51 = arith.constant 0 : i32
        %dma_start3A_52 = tpu.memref_slice %arg5[%add3A, %scan3A_39, %dma_start3A_51] : memref<32x4x2560xf32, #tpu.memory_space<hbm>> -> memref<1x1x2560xf32, #tpu.memory_space<hbm>>
        %dma_start3A_53 = tpu.memref_squeeze %dma_start3A_52 : memref<1x1x2560xf32, #tpu.memory_space<hbm>> -> memref<2560xf32, #tpu.memory_space<hbm>>
        tpu.enqueue_dma source(%dma_start3A_53 : memref<2560xf32, #tpu.memory_space<hbm>>) target(%arg9 : memref<2560xf32, #tpu.memory_space<vmem>>) target_semaphore(%run_scoped3A : memref<!tpu.dma_semaphore, #tpu.memory_space<semaphore_mem>>)
        %dma_wait3A = arith.constant 0 : i32
        %dma_wait3A_54 = tpu.memref_slice %arg5[%add3A, %scan3A_39, %dma_wait3A] : memref<32x4x2560xf32, #tpu.memory_space<hbm>> -> memref<1x1x2560xf32, #tpu.memory_space<hbm>>
        %dma_wait3A_55 = tpu.memref_squeeze %dma_wait3A_54 : memref<1x1x2560xf32, #tpu.memory_space<hbm>> -> memref<2560xf32, #tpu.memory_space<hbm>>
        %dma_wait3A_56 = arith.constant 0 : i32
        %dma_wait3A_57 = tpu.memref_slice %arg5[%add3A, %scan3A_39, %dma_wait3A_56] : memref<32x4x2560xf32, #tpu.memory_space<hbm>> -> memref<1x1x2560xf32, #tpu.memory_space<hbm>>
        %dma_wait3A_58 = tpu.memref_squeeze %dma_wait3A_57 : memref<1x1x2560xf32, #tpu.memory_space<hbm>> -> memref<2560xf32, #tpu.memory_space<hbm>>
        tpu.wait_dma2 semaphore(%run_scoped3A : memref<!tpu.dma_semaphore, #tpu.memory_space<semaphore_mem>>) src(%dma_wait3A_58 : memref<2560xf32, #tpu.memory_space<hbm>>) dst(%arg9 : memref<2560xf32, #tpu.memory_space<vmem>>)
        tpu.yield
      }) : () -> ()
      %scan3A_41 = arith.constant 0 : i32
      %scan3A_42 = arith.constant 0 : i32
      %scan3A_43 = arith.constant 20 : i32
      %scan3A_44 = arith.addi %scan3A_42, %scan3A_43 : i32
      %scan3A_45 = arith.constant 1 : i32
      %scan3A_46 = scf.for %scan3A_49 = %scan3A_42 to %scan3A_44 step %scan3A_45 iter_args(%scan3A_50 = %scan3A_41) -> (i32)  : i32 {
        "tpu.region"() ({
          %run_scoped3A = tpu.sem_alloc : memref<!tpu.dma_semaphore, #tpu.memory_space<semaphore_mem>>
          %dma_start3A = arith.constant 0 : i32
          %dma_start3A_54 = tpu.memref_slice %arg7[%scan3A_49, %dma_start3A] : memref<20x128xi32, #tpu.memory_space<vmem>> -> memref<1x128xi32, #tpu.memory_space<vmem>>
          %dma_start3A_55 = tpu.memref_squeeze %dma_start3A_54 : memref<1x128xi32, #tpu.memory_space<vmem>> -> memref<128xi32, #tpu.memory_space<vmem>>
          %dma_start3A_56 = arith.constant 0 : i32
          %dma_start3A_57 = arith.constant 0 : i32
          %dma_start3A_58 = tpu.memref_slice %arg2[%dma_start3A_56, %dma_start3A_57] : memref<10240x128xf32, #tpu.memory_space<hbm>> -> memref<10240x128xf32, #tpu.memory_space<hbm>>
          tpu.enqueue_indirect_dma source(%dma_start3A_58 : memref<10240x128xf32, #tpu.memory_space<hbm>>) target(%arg10 : memref<128x128xf32, #tpu.memory_space<vmem>>) offsets(%dma_start3A_55 : memref<128xi32, #tpu.memory_space<vmem>>) semaphore(%run_scoped3A : memref<!tpu.dma_semaphore, #tpu.memory_space<semaphore_mem>>)
          %dma_wait3A = arith.constant 0 : i32
          %dma_wait3A_59 = tpu.memref_slice %arg7[%scan3A_49, %dma_wait3A] : memref<20x128xi32, #tpu.memory_space<vmem>> -> memref<1x128xi32, #tpu.memory_space<vmem>>
          %dma_wait3A_60 = tpu.memref_squeeze %dma_wait3A_59 : memref<1x128xi32, #tpu.memory_space<vmem>> -> memref<128xi32, #tpu.memory_space<vmem>>
          %dma_wait3A_61 = arith.constant 0 : i32
          %dma_wait3A_62 = arith.constant 0 : i32
          %dma_wait3A_63 = tpu.memref_slice %arg2[%dma_wait3A_61, %dma_wait3A_62] : memref<10240x128xf32, #tpu.memory_space<hbm>> -> memref<10240x128xf32, #tpu.memory_space<hbm>>
          tpu.wait_indirect_dma semaphore(%run_scoped3A : memref<!tpu.dma_semaphore, #tpu.memory_space<semaphore_mem>>) src(%dma_wait3A_63 : memref<10240x128xf32, #tpu.memory_space<hbm>>) dst(%arg10 : memref<128x128xf32, #tpu.memory_space<vmem>>)
          tpu.yield
        }) : () -> ()
        %parallel_loop3A = arith.constant 0 : i32
        %parallel_loop3A_51 = arith.constant 128 : i32
        %parallel_loop3A_52 = arith.constant 1 : i32
        scf.for %parallel_loop3A_54 = %parallel_loop3A to %parallel_loop3A_51 step %parallel_loop3A_52  : i32 {
          %parallel_loop3A_55 = arith.constant 0 : i32
          %parallel_loop3A_56 = vector.broadcast %parallel_loop3A_55 : i32 to vector<16xi32>
          %parallel_loop3A_57 = arith.constant 128 : i32
          %parallel_loop3A_58 = arith.muli %scan3A_49, %parallel_loop3A_57 : i32
          %parallel_loop3A_59 = arith.addi %parallel_loop3A_58, %parallel_loop3A_54 : i32
          %parallel_loop3A_60 = vector.broadcast %parallel_loop3A_59 : i32 to vector<16xi32>
          %parallel_loop3A_61 = arith.addi %parallel_loop3A_56, %parallel_loop3A_60 : vector<16xi32>
          %parallel_loop3A_62 = tpu.vector_load_idx %arg9[%parallel_loop3A_61] : memref<2560xf32, #tpu.memory_space<vmem>>[vector<16xi32>], vector<16xf32>,
          %parallel_loop3A_63 = arith.index_cast %parallel_loop3A_54 : i32 to index
          %parallel_loop3A_64 = arith.constant 0 : index
          %parallel_loop3A_65 = tpu.vector_load %arg10[%parallel_loop3A_63, %parallel_loop3A_64] {strides = array<i32>} : memref<128x128xf32, #tpu.memory_space<vmem>>, vector<16xf32>,
          %parallel_loop3A_66 = arith.mulf %parallel_loop3A_65, %parallel_loop3A_62 : vector<16xf32>
          %parallel_loop3A_67 = arith.index_cast %parallel_loop3A_54 : i32 to index
          %parallel_loop3A_68 = arith.constant 0 : index
          %parallel_loop3A_69 = tpu.vector_load %arg10[%parallel_loop3A_67, %parallel_loop3A_68] {strides = array<i32>} : memref<128x128xf32, #tpu.memory_space<vmem>>, vector<16xf32>,
          tpu.vector_store %arg10[%parallel_loop3A_67, %parallel_loop3A_68], %parallel_loop3A_66 {strides = array<i32>} : memref<128x128xf32, #tpu.memory_space<vmem>>, vector<16xf32>,
          %parallel_loop3A_70 = arith.index_cast %parallel_loop3A_54 : i32 to index
          %parallel_loop3A_71 = arith.constant 16 : index
          %parallel_loop3A_72 = tpu.vector_load %arg10[%parallel_loop3A_70, %parallel_loop3A_71] {strides = array<i32>} : memref<128x128xf32, #tpu.memory_space<vmem>>, vector<16xf32>,
          %parallel_loop3A_73 = arith.mulf %parallel_loop3A_72, %parallel_loop3A_62 : vector<16xf32>
          %parallel_loop3A_74 = arith.index_cast %parallel_loop3A_54 : i32 to index
          %parallel_loop3A_75 = arith.constant 16 : index
          %parallel_loop3A_76 = tpu.vector_load %arg10[%parallel_loop3A_74, %parallel_loop3A_75] {strides = array<i32>} : memref<128x128xf32, #tpu.memory_space<vmem>>, vector<16xf32>,
          tpu.vector_store %arg10[%parallel_loop3A_74, %parallel_loop3A_75], %parallel_loop3A_73 {strides = array<i32>} : memref<128x128xf32, #tpu.memory_space<vmem>>, vector<16xf32>,
          %parallel_loop3A_77 = arith.index_cast %parallel_loop3A_54 : i32 to index
          %parallel_loop3A_78 = arith.constant 32 : index
          %parallel_loop3A_79 = tpu.vector_load %arg10[%parallel_loop3A_77, %parallel_loop3A_78] {strides = array<i32>} : memref<128x128xf32, #tpu.memory_space<vmem>>, vector<16xf32>,
          %parallel_loop3A_80 = arith.mulf %parallel_loop3A_79, %parallel_loop3A_62 : vector<16xf32>
          %parallel_loop3A_81 = arith.index_cast %parallel_loop3A_54 : i32 to index
          %parallel_loop3A_82 = arith.constant 32 : index
          %parallel_loop3A_83 = tpu.vector_load %arg10[%parallel_loop3A_81, %parallel_loop3A_82] {strides = array<i32>} : memref<128x128xf32, #tpu.memory_space<vmem>>, vector<16xf32>,
          tpu.vector_store %arg10[%parallel_loop3A_81, %parallel_loop3A_82], %parallel_loop3A_80 {strides = array<i32>} : memref<128x128xf32, #tpu.memory_space<vmem>>, vector<16xf32>,
          %parallel_loop3A_84 = arith.index_cast %parallel_loop3A_54 : i32 to index
          %parallel_loop3A_85 = arith.constant 48 : index
          %parallel_loop3A_86 = tpu.vector_load %arg10[%parallel_loop3A_84, %parallel_loop3A_85] {strides = array<i32>} : memref<128x128xf32, #tpu.memory_space<vmem>>, vector<16xf32>,
          %parallel_loop3A_87 = arith.mulf %parallel_loop3A_86, %parallel_loop3A_62 : vector<16xf32>
          %parallel_loop3A_88 = arith.index_cast %parallel_loop3A_54 : i32 to index
          %parallel_loop3A_89 = arith.constant 48 : index
          %parallel_loop3A_90 = tpu.vector_load %arg10[%parallel_loop3A_88, %parallel_loop3A_89] {strides = array<i32>} : memref<128x128xf32, #tpu.memory_space<vmem>>, vector<16xf32>,
          tpu.vector_store %arg10[%parallel_loop3A_88, %parallel_loop3A_89], %parallel_loop3A_87 {strides = array<i32>} : memref<128x128xf32, #tpu.memory_space<vmem>>, vector<16xf32>,
          %parallel_loop3A_91 = arith.index_cast %parallel_loop3A_54 : i32 to index
          %parallel_loop3A_92 = arith.constant 64 : index
          %parallel_loop3A_93 = tpu.vector_load %arg10[%parallel_loop3A_91, %parallel_loop3A_92] {strides = array<i32>} : memref<128x128xf32, #tpu.memory_space<vmem>>, vector<16xf32>,
          %parallel_loop3A_94 = arith.mulf %parallel_loop3A_93, %parallel_loop3A_62 : vector<16xf32>
          %parallel_loop3A_95 = arith.index_cast %parallel_loop3A_54 : i32 to index
          %parallel_loop3A_96 = arith.constant 64 : index
          %parallel_loop3A_97 = tpu.vector_load %arg10[%parallel_loop3A_95, %parallel_loop3A_96] {strides = array<i32>} : memref<128x128xf32, #tpu.memory_space<vmem>>, vector<16xf32>,
          tpu.vector_store %arg10[%parallel_loop3A_95, %parallel_loop3A_96], %parallel_loop3A_94 {strides = array<i32>} : memref<128x128xf32, #tpu.memory_space<vmem>>, vector<16xf32>,
          %parallel_loop3A_98 = arith.index_cast %parallel_loop3A_54 : i32 to index
          %parallel_loop3A_99 = arith.constant 80 : index
          %parallel_loop3A_100 = tpu.vector_load %arg10[%parallel_loop3A_98, %parallel_loop3A_99] {strides = array<i32>} : memref<128x128xf32, #tpu.memory_space<vmem>>, vector<16xf32>,
          %parallel_loop3A_101 = arith.mulf %parallel_loop3A_100, %parallel_loop3A_62 : vector<16xf32>
          %parallel_loop3A_102 = arith.index_cast %parallel_loop3A_54 : i32 to index
          %parallel_loop3A_103 = arith.constant 80 : index
          %parallel_loop3A_104 = tpu.vector_load %arg10[%parallel_loop3A_102, %parallel_loop3A_103] {strides = array<i32>} : memref<128x128xf32, #tpu.memory_space<vmem>>, vector<16xf32>,
          tpu.vector_store %arg10[%parallel_loop3A_102, %parallel_loop3A_103], %parallel_loop3A_101 {strides = array<i32>} : memref<128x128xf32, #tpu.memory_space<vmem>>, vector<16xf32>,
          %parallel_loop3A_105 = arith.index_cast %parallel_loop3A_54 : i32 to index
          %parallel_loop3A_106 = arith.constant 96 : index
          %parallel_loop3A_107 = tpu.vector_load %arg10[%parallel_loop3A_105, %parallel_loop3A_106] {strides = array<i32>} : memref<128x128xf32, #tpu.memory_space<vmem>>, vector<16xf32>,
          %parallel_loop3A_108 = arith.mulf %parallel_loop3A_107, %parallel_loop3A_62 : vector<16xf32>
          %parallel_loop3A_109 = arith.index_cast %parallel_loop3A_54 : i32 to index
          %parallel_loop3A_110 = arith.constant 96 : index
          %parallel_loop3A_111 = tpu.vector_load %arg10[%parallel_loop3A_109, %parallel_loop3A_110] {strides = array<i32>} : memref<128x128xf32, #tpu.memory_space<vmem>>, vector<16xf32>,
          tpu.vector_store %arg10[%parallel_loop3A_109, %parallel_loop3A_110], %parallel_loop3A_108 {strides = array<i32>} : memref<128x128xf32, #tpu.memory_space<vmem>>, vector<16xf32>,
          %parallel_loop3A_112 = arith.index_cast %parallel_loop3A_54 : i32 to index
          %parallel_loop3A_113 = arith.constant 112 : index
          %parallel_loop3A_114 = tpu.vector_load %arg10[%parallel_loop3A_112, %parallel_loop3A_113] {strides = array<i32>} : memref<128x128xf32, #tpu.memory_space<vmem>>, vector<16xf32>,
          %parallel_loop3A_115 = arith.mulf %parallel_loop3A_114, %parallel_loop3A_62 : vector<16xf32>
          %parallel_loop3A_116 = arith.index_cast %parallel_loop3A_54 : i32 to index
          %parallel_loop3A_117 = arith.constant 112 : index
          %parallel_loop3A_118 = tpu.vector_load %arg10[%parallel_loop3A_116, %parallel_loop3A_117] {strides = array<i32>} : memref<128x128xf32, #tpu.memory_space<vmem>>, vector<16xf32>,
          tpu.vector_store %arg10[%parallel_loop3A_116, %parallel_loop3A_117], %parallel_loop3A_115 {strides = array<i32>} : memref<128x128xf32, #tpu.memory_space<vmem>>, vector<16xf32>,
        } {sc.loop_unroll_factor = 4 : i64, sc.parallel_access}
        "tpu.region"() ({
          %run_scoped3A = tpu.sem_alloc : memref<!tpu.dma_semaphore, #tpu.memory_space<semaphore_mem>>
          %dma_start3A = arith.constant 0 : i32
          %dma_start3A_54 = tpu.memref_slice %arg8[%scan3A_49, %dma_start3A] : memref<20x128xi32, #tpu.memory_space<vmem>> -> memref<1x128xi32, #tpu.memory_space<vmem>>
          %dma_start3A_55 = tpu.memref_squeeze %dma_start3A_54 : memref<1x128xi32, #tpu.memory_space<vmem>> -> memref<128xi32, #tpu.memory_space<vmem>>
          %dma_start3A_56 = arith.constant 0 : i32
          %dma_start3A_57 = arith.constant 0 : i32
          %dma_start3A_58 = tpu.memref_slice %arg12[%dma_start3A_56, %dma_start3A_57] : memref<10240x128xf32, #tpu.memory_space<vmem_shared>> -> memref<10240x128xf32, #tpu.memory_space<vmem_shared>>
          tpu.enqueue_indirect_dma source(%arg10 : memref<128x128xf32, #tpu.memory_space<vmem>>) target(%dma_start3A_58 : memref<10240x128xf32, #tpu.memory_space<vmem_shared>>) offsets(%dma_start3A_55 : memref<128xi32, #tpu.memory_space<vmem>>) semaphore(%run_scoped3A : memref<!tpu.dma_semaphore, #tpu.memory_space<semaphore_mem>>) {add = true}
          %dma_wait3A = arith.constant 0 : i32
          %dma_wait3A_59 = tpu.memref_slice %arg8[%scan3A_49, %dma_wait3A] : memref<20x128xi32, #tpu.memory_space<vmem>> -> memref<1x128xi32, #tpu.memory_space<vmem>>
          %dma_wait3A_60 = tpu.memref_squeeze %dma_wait3A_59 : memref<1x128xi32, #tpu.memory_space<vmem>> -> memref<128xi32, #tpu.memory_space<vmem>>
          %dma_wait3A_61 = arith.constant 0 : i32
          %dma_wait3A_62 = arith.constant 0 : i32
          %dma_wait3A_63 = tpu.memref_slice %arg12[%dma_wait3A_61, %dma_wait3A_62] : memref<10240x128xf32, #tpu.memory_space<vmem_shared>> -> memref<10240x128xf32, #tpu.memory_space<vmem_shared>>
          tpu.wait_indirect_dma semaphore(%run_scoped3A : memref<!tpu.dma_semaphore, #tpu.memory_space<semaphore_mem>>) src(%arg10 : memref<128x128xf32, #tpu.memory_space<vmem>>) dst(%dma_wait3A_63 : memref<10240x128xf32, #tpu.memory_space<vmem_shared>>)
          tpu.yield
        }) : () -> ()
        %scan3A_53 = arith.constant 0 : i32
        scf.yield %scan3A_53 : i32
      }
      %scan3A_47 = arith.constant 20 : i32
      %scan3A_48 = arith.constant 0 : i32
      scf.yield %scan3A_48 : i32
    }
    %scan3A_33 = arith.constant 4 : i32
    %barrier3A_34 = arith.constant 0 : index
    tpu.barrier barrier_id(%barrier3A_34)
    %mul3A_35 = arith.constant 640 : i32
    %mul3A_36 = arith.muli %arg1, %mul3A_35 : i32
    %mul3A_37 = arith.constant 640 : i32
    %mul3A_38 = arith.muli %arg1, %mul3A_37 : i32
    "tpu.region"() ({
      %run_scoped3A = tpu.sem_alloc : memref<!tpu.dma_semaphore, #tpu.memory_space<semaphore_mem>>
      %dma_start3A = arith.constant 0 : i32
      %dma_start3A_39 = tpu.memref_slice %arg6[%arg0, %mul3A_38, %dma_start3A] : memref<2x10240x128xf32, #tpu.memory_space<hbm>> -> memref<1x640x128xf32, #tpu.memory_space<hbm>>
      %dma_start3A_40 = tpu.memref_squeeze %dma_start3A_39 : memref<1x640x128xf32, #tpu.memory_space<hbm>> -> memref<640x128xf32, #tpu.memory_space<hbm>>
      %dma_start3A_41 = arith.constant 0 : i32
      %dma_start3A_42 = tpu.memref_slice %arg12[%mul3A_36, %dma_start3A_41] : memref<10240x128xf32, #tpu.memory_space<vmem_shared>> -> memref<640x128xf32, #tpu.memory_space<vmem_shared>>
      tpu.enqueue_dma source(%dma_start3A_42 : memref<640x128xf32, #tpu.memory_space<vmem_shared>>) target(%dma_start3A_40 : memref<640x128xf32, #tpu.memory_space<hbm>>) target_semaphore(%run_scoped3A : memref<!tpu.dma_semaphore, #tpu.memory_space<semaphore_mem>>)
      %dma_wait3A = arith.constant 0 : i32
      %dma_wait3A_43 = tpu.memref_slice %arg6[%arg0, %mul3A_38, %dma_wait3A] : memref<2x10240x128xf32, #tpu.memory_space<hbm>> -> memref<1x640x128xf32, #tpu.memory_space<hbm>>
      %dma_wait3A_44 = tpu.memref_squeeze %dma_wait3A_43 : memref<1x640x128xf32, #tpu.memory_space<hbm>> -> memref<640x128xf32, #tpu.memory_space<hbm>>
      %dma_wait3A_45 = arith.constant 0 : i32
      %dma_wait3A_46 = tpu.memref_slice %arg12[%mul3A_36, %dma_wait3A_45] : memref<10240x128xf32, #tpu.memory_space<vmem_shared>> -> memref<640x128xf32, #tpu.memory_space<vmem_shared>>
      tpu.wait_dma2 semaphore(%run_scoped3A : memref<!tpu.dma_semaphore, #tpu.memory_space<semaphore_mem>>) src(%dma_wait3A_46 : memref<640x128xf32, #tpu.memory_space<vmem_shared>>) dst(%dma_wait3A_44 : memref<640x128xf32, #tpu.memory_space<hbm>>)
      tpu.yield
    }) : () -> ()
    return
  }
}

#map = affine_map<(d0, d1) -> (0, 0, 0)>
#map1 = affine_map<(d0, d1) -> (0, 0, 0, 0)>
#map2 = affine_map<(d0, d1) -> (0, 0)>
module attributes {stable_mosaic.version = 14 : i64} {
  func.func @k(%arg0: i32, %arg1: i32, %arg2: memref<32x5x64xi32, #tpu.memory_space<hbm>>, %arg3: memref<32x4x20x128xi32, #tpu.memory_space<hbm>>, %arg4: memref<32x4x2560xf32, #tpu.memory_space<hbm>>, %arg5: memref<100000x128xf32, #tpu.memory_space<hbm>>, %arg6: memref<10240x128xf32, #tpu.memory_space<hbm>>, %arg7: memref<2x10240x16xf32, #tpu.memory_space<hbm>>, %arg8: memref<5x64xi32, #tpu.memory_space<vmem>>, %arg9: memref<64x128xf32, #tpu.memory_space<vmem>>, %arg10: memref<64x128xf32, #tpu.memory_space<vmem>>, %arg11: memref<20x128xi32, #tpu.memory_space<vmem>>, %arg12: memref<2560xf32, #tpu.memory_space<vmem>>, %arg13: memref<128x16xf32, #tpu.memory_space<vmem>>, %arg14: memref<10240x16xf32, #tpu.memory_space<vmem_shared>>) attributes {dimension_semantics = [#tpu.dimension_semantics<core_parallel>, #tpu.dimension_semantics<subcore_parallel>], iteration_bounds = array<i64: 2, 16>, scalar_prefetch = 0 : i64, scratch_operands = 7 : i64, tpu.core_type = #tpu.core_type<sc_vector_subcore>, window_params = [{transform_indices = #map}, {transform_indices = #map1}, {transform_indices = #map}, {transform_indices = #map2}, {transform_indices = #map2}, {transform_indices = #map}]} {
    %mul3A = arith.constant 16 : i32
    %mul3A_0 = arith.muli %arg0, %mul3A : i32
    %add3A = arith.addi %mul3A_0, %arg1 : i32
    %scan3A = arith.constant 0 : i32
    %scan3A_1 = arith.constant 0 : i32
    %scan3A_2 = arith.constant 128 : i32
    %scan3A_3 = arith.addi %scan3A_1, %scan3A_2 : i32
    %scan3A_4 = arith.constant 1 : i32
    %scan3A_5 = scf.for %scan3A_63 = %scan3A_1 to %scan3A_3 step %scan3A_4 iter_args(%scan3A_64 = %scan3A) -> (i32)  : i32 {
      %broadcast_in_dim3A = arith.constant 0.000000e+00 : f32
      %broadcast_in_dim3A_65 = vector.broadcast %broadcast_in_dim3A : f32 to vector<16xf32>
      %swap3A = arith.index_cast %scan3A_63 : i32 to index
      %swap3A_66 = arith.constant 0 : index
      %swap3A_67 = tpu.vector_load %arg13[%swap3A, %swap3A_66] {strides = array<i32>} : memref<128x16xf32, #tpu.memory_space<vmem>>, vector<16xf32>,
      tpu.vector_store %arg13[%swap3A, %swap3A_66], %broadcast_in_dim3A_65 {strides = array<i32>} : memref<128x16xf32, #tpu.memory_space<vmem>>, vector<16xf32>,
      %scan3A_68 = arith.constant 0 : i32
      scf.yield %scan3A_68 : i32
    }
    %scan3A_6 = arith.constant 128 : i32
    %mul3A_7 = arith.constant 640 : i32
    %mul3A_8 = arith.muli %arg1, %mul3A_7 : i32
    %add3A_9 = arith.constant 0 : i32
    %add3A_10 = arith.addi %mul3A_8, %add3A_9 : i32
    "tpu.region"() ({
      %run_scoped3A_63 = tpu.sem_alloc : memref<!tpu.dma_semaphore, #tpu.memory_space<semaphore_mem>>
      %dma_start3A = arith.constant 0 : i32
      %dma_start3A_64 = tpu.memref_slice %arg14[%add3A_10, %dma_start3A] : memref<10240x16xf32, #tpu.memory_space<vmem_shared>> -> memref<128x16xf32, #tpu.memory_space<vmem_shared>>
      %dma_start3A_65 = arith.constant 0 : i32
      %dma_start3A_66 = tpu.memref_slice %arg14[%add3A_10, %dma_start3A_65] : memref<10240x16xf32, #tpu.memory_space<vmem_shared>> -> memref<128x16xf32, #tpu.memory_space<vmem_shared>>
      tpu.enqueue_dma source(%arg13 : memref<128x16xf32, #tpu.memory_space<vmem>>) target(%dma_start3A_66 : memref<128x16xf32, #tpu.memory_space<vmem_shared>>) target_semaphore(%run_scoped3A_63 : memref<!tpu.dma_semaphore, #tpu.memory_space<semaphore_mem>>)
      %dma_wait3A = arith.constant 0 : i32
      %dma_wait3A_67 = tpu.memref_slice %arg14[%add3A_10, %dma_wait3A] : memref<10240x16xf32, #tpu.memory_space<vmem_shared>> -> memref<128x16xf32, #tpu.memory_space<vmem_shared>>
      %dma_wait3A_68 = arith.constant 0 : i32
      %dma_wait3A_69 = tpu.memref_slice %arg14[%add3A_10, %dma_wait3A_68] : memref<10240x16xf32, #tpu.memory_space<vmem_shared>> -> memref<128x16xf32, #tpu.memory_space<vmem_shared>>
      tpu.wait_dma2 semaphore(%run_scoped3A_63 : memref<!tpu.dma_semaphore, #tpu.memory_space<semaphore_mem>>) src(%arg13 : memref<128x16xf32, #tpu.memory_space<vmem>>) dst(%dma_wait3A_69 : memref<128x16xf32, #tpu.memory_space<vmem_shared>>)
      tpu.yield
    }) : () -> ()
    %mul3A_11 = arith.constant 640 : i32
    %mul3A_12 = arith.muli %arg1, %mul3A_11 : i32
    %add3A_13 = arith.constant 128 : i32
    %add3A_14 = arith.addi %mul3A_12, %add3A_13 : i32
    "tpu.region"() ({
      %run_scoped3A_63 = tpu.sem_alloc : memref<!tpu.dma_semaphore, #tpu.memory_space<semaphore_mem>>
      %dma_start3A = arith.constant 0 : i32
      %dma_start3A_64 = tpu.memref_slice %arg14[%add3A_14, %dma_start3A] : memref<10240x16xf32, #tpu.memory_space<vmem_shared>> -> memref<128x16xf32, #tpu.memory_space<vmem_shared>>
      %dma_start3A_65 = arith.constant 0 : i32
      %dma_start3A_66 = tpu.memref_slice %arg14[%add3A_14, %dma_start3A_65] : memref<10240x16xf32, #tpu.memory_space<vmem_shared>> -> memref<128x16xf32, #tpu.memory_space<vmem_shared>>
      tpu.enqueue_dma source(%arg13 : memref<128x16xf32, #tpu.memory_space<vmem>>) target(%dma_start3A_66 : memref<128x16xf32, #tpu.memory_space<vmem_shared>>) target_semaphore(%run_scoped3A_63 : memref<!tpu.dma_semaphore, #tpu.memory_space<semaphore_mem>>)
      %dma_wait3A = arith.constant 0 : i32
      %dma_wait3A_67 = tpu.memref_slice %arg14[%add3A_14, %dma_wait3A] : memref<10240x16xf32, #tpu.memory_space<vmem_shared>> -> memref<128x16xf32, #tpu.memory_space<vmem_shared>>
      %dma_wait3A_68 = arith.constant 0 : i32
      %dma_wait3A_69 = tpu.memref_slice %arg14[%add3A_14, %dma_wait3A_68] : memref<10240x16xf32, #tpu.memory_space<vmem_shared>> -> memref<128x16xf32, #tpu.memory_space<vmem_shared>>
      tpu.wait_dma2 semaphore(%run_scoped3A_63 : memref<!tpu.dma_semaphore, #tpu.memory_space<semaphore_mem>>) src(%arg13 : memref<128x16xf32, #tpu.memory_space<vmem>>) dst(%dma_wait3A_69 : memref<128x16xf32, #tpu.memory_space<vmem_shared>>)
      tpu.yield
    }) : () -> ()
    %mul3A_15 = arith.constant 640 : i32
    %mul3A_16 = arith.muli %arg1, %mul3A_15 : i32
    %add3A_17 = arith.constant 256 : i32
    %add3A_18 = arith.addi %mul3A_16, %add3A_17 : i32
    "tpu.region"() ({
      %run_scoped3A_63 = tpu.sem_alloc : memref<!tpu.dma_semaphore, #tpu.memory_space<semaphore_mem>>
      %dma_start3A = arith.constant 0 : i32
      %dma_start3A_64 = tpu.memref_slice %arg14[%add3A_18, %dma_start3A] : memref<10240x16xf32, #tpu.memory_space<vmem_shared>> -> memref<128x16xf32, #tpu.memory_space<vmem_shared>>
      %dma_start3A_65 = arith.constant 0 : i32
      %dma_start3A_66 = tpu.memref_slice %arg14[%add3A_18, %dma_start3A_65] : memref<10240x16xf32, #tpu.memory_space<vmem_shared>> -> memref<128x16xf32, #tpu.memory_space<vmem_shared>>
      tpu.enqueue_dma source(%arg13 : memref<128x16xf32, #tpu.memory_space<vmem>>) target(%dma_start3A_66 : memref<128x16xf32, #tpu.memory_space<vmem_shared>>) target_semaphore(%run_scoped3A_63 : memref<!tpu.dma_semaphore, #tpu.memory_space<semaphore_mem>>)
      %dma_wait3A = arith.constant 0 : i32
      %dma_wait3A_67 = tpu.memref_slice %arg14[%add3A_18, %dma_wait3A] : memref<10240x16xf32, #tpu.memory_space<vmem_shared>> -> memref<128x16xf32, #tpu.memory_space<vmem_shared>>
      %dma_wait3A_68 = arith.constant 0 : i32
      %dma_wait3A_69 = tpu.memref_slice %arg14[%add3A_18, %dma_wait3A_68] : memref<10240x16xf32, #tpu.memory_space<vmem_shared>> -> memref<128x16xf32, #tpu.memory_space<vmem_shared>>
      tpu.wait_dma2 semaphore(%run_scoped3A_63 : memref<!tpu.dma_semaphore, #tpu.memory_space<semaphore_mem>>) src(%arg13 : memref<128x16xf32, #tpu.memory_space<vmem>>) dst(%dma_wait3A_69 : memref<128x16xf32, #tpu.memory_space<vmem_shared>>)
      tpu.yield
    }) : () -> ()
    %mul3A_19 = arith.constant 640 : i32
    %mul3A_20 = arith.muli %arg1, %mul3A_19 : i32
    %add3A_21 = arith.constant 384 : i32
    %add3A_22 = arith.addi %mul3A_20, %add3A_21 : i32
    "tpu.region"() ({
      %run_scoped3A_63 = tpu.sem_alloc : memref<!tpu.dma_semaphore, #tpu.memory_space<semaphore_mem>>
      %dma_start3A = arith.constant 0 : i32
      %dma_start3A_64 = tpu.memref_slice %arg14[%add3A_22, %dma_start3A] : memref<10240x16xf32, #tpu.memory_space<vmem_shared>> -> memref<128x16xf32, #tpu.memory_space<vmem_shared>>
      %dma_start3A_65 = arith.constant 0 : i32
      %dma_start3A_66 = tpu.memref_slice %arg14[%add3A_22, %dma_start3A_65] : memref<10240x16xf32, #tpu.memory_space<vmem_shared>> -> memref<128x16xf32, #tpu.memory_space<vmem_shared>>
      tpu.enqueue_dma source(%arg13 : memref<128x16xf32, #tpu.memory_space<vmem>>) target(%dma_start3A_66 : memref<128x16xf32, #tpu.memory_space<vmem_shared>>) target_semaphore(%run_scoped3A_63 : memref<!tpu.dma_semaphore, #tpu.memory_space<semaphore_mem>>)
      %dma_wait3A = arith.constant 0 : i32
      %dma_wait3A_67 = tpu.memref_slice %arg14[%add3A_22, %dma_wait3A] : memref<10240x16xf32, #tpu.memory_space<vmem_shared>> -> memref<128x16xf32, #tpu.memory_space<vmem_shared>>
      %dma_wait3A_68 = arith.constant 0 : i32
      %dma_wait3A_69 = tpu.memref_slice %arg14[%add3A_22, %dma_wait3A_68] : memref<10240x16xf32, #tpu.memory_space<vmem_shared>> -> memref<128x16xf32, #tpu.memory_space<vmem_shared>>
      tpu.wait_dma2 semaphore(%run_scoped3A_63 : memref<!tpu.dma_semaphore, #tpu.memory_space<semaphore_mem>>) src(%arg13 : memref<128x16xf32, #tpu.memory_space<vmem>>) dst(%dma_wait3A_69 : memref<128x16xf32, #tpu.memory_space<vmem_shared>>)
      tpu.yield
    }) : () -> ()
    %mul3A_23 = arith.constant 640 : i32
    %mul3A_24 = arith.muli %arg1, %mul3A_23 : i32
    %add3A_25 = arith.constant 512 : i32
    %add3A_26 = arith.addi %mul3A_24, %add3A_25 : i32
    "tpu.region"() ({
      %run_scoped3A_63 = tpu.sem_alloc : memref<!tpu.dma_semaphore, #tpu.memory_space<semaphore_mem>>
      %dma_start3A = arith.constant 0 : i32
      %dma_start3A_64 = tpu.memref_slice %arg14[%add3A_26, %dma_start3A] : memref<10240x16xf32, #tpu.memory_space<vmem_shared>> -> memref<128x16xf32, #tpu.memory_space<vmem_shared>>
      %dma_start3A_65 = arith.constant 0 : i32
      %dma_start3A_66 = tpu.memref_slice %arg14[%add3A_26, %dma_start3A_65] : memref<10240x16xf32, #tpu.memory_space<vmem_shared>> -> memref<128x16xf32, #tpu.memory_space<vmem_shared>>
      tpu.enqueue_dma source(%arg13 : memref<128x16xf32, #tpu.memory_space<vmem>>) target(%dma_start3A_66 : memref<128x16xf32, #tpu.memory_space<vmem_shared>>) target_semaphore(%run_scoped3A_63 : memref<!tpu.dma_semaphore, #tpu.memory_space<semaphore_mem>>)
      %dma_wait3A = arith.constant 0 : i32
      %dma_wait3A_67 = tpu.memref_slice %arg14[%add3A_26, %dma_wait3A] : memref<10240x16xf32, #tpu.memory_space<vmem_shared>> -> memref<128x16xf32, #tpu.memory_space<vmem_shared>>
      %dma_wait3A_68 = arith.constant 0 : i32
      %dma_wait3A_69 = tpu.memref_slice %arg14[%add3A_26, %dma_wait3A_68] : memref<10240x16xf32, #tpu.memory_space<vmem_shared>> -> memref<128x16xf32, #tpu.memory_space<vmem_shared>>
      tpu.wait_dma2 semaphore(%run_scoped3A_63 : memref<!tpu.dma_semaphore, #tpu.memory_space<semaphore_mem>>) src(%arg13 : memref<128x16xf32, #tpu.memory_space<vmem>>) dst(%dma_wait3A_69 : memref<128x16xf32, #tpu.memory_space<vmem_shared>>)
      tpu.yield
    }) : () -> ()
    %barrier3A = arith.constant 0 : index
    tpu.barrier barrier_id(%barrier3A)
    "tpu.region"() ({
      %run_scoped3A_63 = tpu.sem_alloc : memref<!tpu.dma_semaphore, #tpu.memory_space<semaphore_mem>>
      %dma_start3A = arith.constant 0 : i32
      %dma_start3A_64 = arith.constant 0 : i32
      %dma_start3A_65 = tpu.memref_slice %arg2[%add3A, %dma_start3A, %dma_start3A_64] : memref<32x5x64xi32, #tpu.memory_space<hbm>> -> memref<1x5x64xi32, #tpu.memory_space<hbm>>
      %dma_start3A_66 = tpu.memref_squeeze %dma_start3A_65 : memref<1x5x64xi32, #tpu.memory_space<hbm>> -> memref<5x64xi32, #tpu.memory_space<hbm>>
      %dma_start3A_67 = arith.constant 0 : i32
      %dma_start3A_68 = arith.constant 0 : i32
      %dma_start3A_69 = tpu.memref_slice %arg2[%add3A, %dma_start3A_67, %dma_start3A_68] : memref<32x5x64xi32, #tpu.memory_space<hbm>> -> memref<1x5x64xi32, #tpu.memory_space<hbm>>
      %dma_start3A_70 = tpu.memref_squeeze %dma_start3A_69 : memref<1x5x64xi32, #tpu.memory_space<hbm>> -> memref<5x64xi32, #tpu.memory_space<hbm>>
      tpu.enqueue_dma source(%dma_start3A_70 : memref<5x64xi32, #tpu.memory_space<hbm>>) target(%arg8 : memref<5x64xi32, #tpu.memory_space<vmem>>) target_semaphore(%run_scoped3A_63 : memref<!tpu.dma_semaphore, #tpu.memory_space<semaphore_mem>>)
      %dma_wait3A = arith.constant 0 : i32
      %dma_wait3A_71 = arith.constant 0 : i32
      %dma_wait3A_72 = tpu.memref_slice %arg2[%add3A, %dma_wait3A, %dma_wait3A_71] : memref<32x5x64xi32, #tpu.memory_space<hbm>> -> memref<1x5x64xi32, #tpu.memory_space<hbm>>
      %dma_wait3A_73 = tpu.memref_squeeze %dma_wait3A_72 : memref<1x5x64xi32, #tpu.memory_space<hbm>> -> memref<5x64xi32, #tpu.memory_space<hbm>>
      %dma_wait3A_74 = arith.constant 0 : i32
      %dma_wait3A_75 = arith.constant 0 : i32
      %dma_wait3A_76 = tpu.memref_slice %arg2[%add3A, %dma_wait3A_74, %dma_wait3A_75] : memref<32x5x64xi32, #tpu.memory_space<hbm>> -> memref<1x5x64xi32, #tpu.memory_space<hbm>>
      %dma_wait3A_77 = tpu.memref_squeeze %dma_wait3A_76 : memref<1x5x64xi32, #tpu.memory_space<hbm>> -> memref<5x64xi32, #tpu.memory_space<hbm>>
      tpu.wait_dma2 semaphore(%run_scoped3A_63 : memref<!tpu.dma_semaphore, #tpu.memory_space<semaphore_mem>>) src(%dma_wait3A_77 : memref<5x64xi32, #tpu.memory_space<hbm>>) dst(%arg8 : memref<5x64xi32, #tpu.memory_space<vmem>>)
      tpu.yield
    }) : () -> ()
    %run_scoped3A = arith.constant 0 : i32
    "tpu.region"() ({
      %run_scoped3A_63 = tpu.sem_alloc : memref<!tpu.dma_semaphore, #tpu.memory_space<semaphore_mem>>
      %dma_start3A = arith.constant 0 : i32
      %dma_start3A_64 = tpu.memref_slice %arg8[%run_scoped3A, %dma_start3A] : memref<5x64xi32, #tpu.memory_space<vmem>> -> memref<1x64xi32, #tpu.memory_space<vmem>>
      %dma_start3A_65 = tpu.memref_squeeze %dma_start3A_64 : memref<1x64xi32, #tpu.memory_space<vmem>> -> memref<64xi32, #tpu.memory_space<vmem>>
      %dma_start3A_66 = arith.constant 0 : i32
      %dma_start3A_67 = arith.constant 0 : i32
      %dma_start3A_68 = tpu.memref_slice %arg5[%dma_start3A_66, %dma_start3A_67] : memref<100000x128xf32, #tpu.memory_space<hbm>> -> memref<100000x128xf32, #tpu.memory_space<hbm>>
      tpu.enqueue_indirect_dma source(%dma_start3A_68 : memref<100000x128xf32, #tpu.memory_space<hbm>>) target(%arg9 : memref<64x128xf32, #tpu.memory_space<vmem>>) offsets(%dma_start3A_65 : memref<64xi32, #tpu.memory_space<vmem>>) semaphore(%run_scoped3A_63 : memref<!tpu.dma_semaphore, #tpu.memory_space<semaphore_mem>>)
      %dma_wait3A = arith.constant 0 : i32
      %dma_wait3A_69 = tpu.memref_slice %arg8[%run_scoped3A, %dma_wait3A] : memref<5x64xi32, #tpu.memory_space<vmem>> -> memref<1x64xi32, #tpu.memory_space<vmem>>
      %dma_wait3A_70 = tpu.memref_squeeze %dma_wait3A_69 : memref<1x64xi32, #tpu.memory_space<vmem>> -> memref<64xi32, #tpu.memory_space<vmem>>
      %dma_wait3A_71 = arith.constant 0 : i32
      %dma_wait3A_72 = arith.constant 0 : i32
      %dma_wait3A_73 = tpu.memref_slice %arg5[%dma_wait3A_71, %dma_wait3A_72] : memref<100000x128xf32, #tpu.memory_space<hbm>> -> memref<100000x128xf32, #tpu.memory_space<hbm>>
      tpu.wait_indirect_dma semaphore(%run_scoped3A_63 : memref<!tpu.dma_semaphore, #tpu.memory_space<semaphore_mem>>) src(%dma_wait3A_73 : memref<100000x128xf32, #tpu.memory_space<hbm>>) dst(%arg9 : memref<64x128xf32, #tpu.memory_space<vmem>>)
      tpu.yield
    }) : () -> ()
    %mul3A_27 = arith.constant 320 : i32
    %mul3A_28 = arith.muli %add3A, %mul3A_27 : i32
    %add3A_29 = arith.constant 0 : i32
    %add3A_30 = arith.addi %mul3A_28, %add3A_29 : i32
    "tpu.region"() ({
      %run_scoped3A_63 = tpu.sem_alloc : memref<!tpu.dma_semaphore, #tpu.memory_space<semaphore_mem>>
      %dma_start3A = arith.constant 0 : i32
      %dma_start3A_64 = tpu.memref_slice %arg6[%add3A_30, %dma_start3A] : memref<10240x128xf32, #tpu.memory_space<hbm>> -> memref<64x128xf32, #tpu.memory_space<hbm>>
      %dma_start3A_65 = arith.constant 0 : i32
      %dma_start3A_66 = tpu.memref_slice %arg6[%add3A_30, %dma_start3A_65] : memref<10240x128xf32, #tpu.memory_space<hbm>> -> memref<64x128xf32, #tpu.memory_space<hbm>>
      tpu.enqueue_dma source(%arg9 : memref<64x128xf32, #tpu.memory_space<vmem>>) target(%dma_start3A_66 : memref<64x128xf32, #tpu.memory_space<hbm>>) target_semaphore(%run_scoped3A_63 : memref<!tpu.dma_semaphore, #tpu.memory_space<semaphore_mem>>)
      %dma_wait3A = arith.constant 0 : i32
      %dma_wait3A_67 = tpu.memref_slice %arg6[%add3A_30, %dma_wait3A] : memref<10240x128xf32, #tpu.memory_space<hbm>> -> memref<64x128xf32, #tpu.memory_space<hbm>>
      %dma_wait3A_68 = arith.constant 0 : i32
      %dma_wait3A_69 = tpu.memref_slice %arg6[%add3A_30, %dma_wait3A_68] : memref<10240x128xf32, #tpu.memory_space<hbm>> -> memref<64x128xf32, #tpu.memory_space<hbm>>
      tpu.wait_dma2 semaphore(%run_scoped3A_63 : memref<!tpu.dma_semaphore, #tpu.memory_space<semaphore_mem>>) src(%arg9 : memref<64x128xf32, #tpu.memory_space<vmem>>) dst(%dma_wait3A_69 : memref<64x128xf32, #tpu.memory_space<hbm>>)
      tpu.yield
    }) : () -> ()
    %run_scoped3A_31 = arith.constant 1 : i32
    "tpu.region"() ({
      %run_scoped3A_63 = tpu.sem_alloc : memref<!tpu.dma_semaphore, #tpu.memory_space<semaphore_mem>>
      %dma_start3A = arith.constant 0 : i32
      %dma_start3A_64 = tpu.memref_slice %arg8[%run_scoped3A_31, %dma_start3A] : memref<5x64xi32, #tpu.memory_space<vmem>> -> memref<1x64xi32, #tpu.memory_space<vmem>>
      %dma_start3A_65 = tpu.memref_squeeze %dma_start3A_64 : memref<1x64xi32, #tpu.memory_space<vmem>> -> memref<64xi32, #tpu.memory_space<vmem>>
      %dma_start3A_66 = arith.constant 0 : i32
      %dma_start3A_67 = arith.constant 0 : i32
      %dma_start3A_68 = tpu.memref_slice %arg5[%dma_start3A_66, %dma_start3A_67] : memref<100000x128xf32, #tpu.memory_space<hbm>> -> memref<100000x128xf32, #tpu.memory_space<hbm>>
      tpu.enqueue_indirect_dma source(%dma_start3A_68 : memref<100000x128xf32, #tpu.memory_space<hbm>>) target(%arg9 : memref<64x128xf32, #tpu.memory_space<vmem>>) offsets(%dma_start3A_65 : memref<64xi32, #tpu.memory_space<vmem>>) semaphore(%run_scoped3A_63 : memref<!tpu.dma_semaphore, #tpu.memory_space<semaphore_mem>>)
      %dma_wait3A = arith.constant 0 : i32
      %dma_wait3A_69 = tpu.memref_slice %arg8[%run_scoped3A_31, %dma_wait3A] : memref<5x64xi32, #tpu.memory_space<vmem>> -> memref<1x64xi32, #tpu.memory_space<vmem>>
      %dma_wait3A_70 = tpu.memref_squeeze %dma_wait3A_69 : memref<1x64xi32, #tpu.memory_space<vmem>> -> memref<64xi32, #tpu.memory_space<vmem>>
      %dma_wait3A_71 = arith.constant 0 : i32
      %dma_wait3A_72 = arith.constant 0 : i32
      %dma_wait3A_73 = tpu.memref_slice %arg5[%dma_wait3A_71, %dma_wait3A_72] : memref<100000x128xf32, #tpu.memory_space<hbm>> -> memref<100000x128xf32, #tpu.memory_space<hbm>>
      tpu.wait_indirect_dma semaphore(%run_scoped3A_63 : memref<!tpu.dma_semaphore, #tpu.memory_space<semaphore_mem>>) src(%dma_wait3A_73 : memref<100000x128xf32, #tpu.memory_space<hbm>>) dst(%arg9 : memref<64x128xf32, #tpu.memory_space<vmem>>)
      tpu.yield
    }) : () -> ()
    %mul3A_32 = arith.constant 320 : i32
    %mul3A_33 = arith.muli %add3A, %mul3A_32 : i32
    %add3A_34 = arith.constant 64 : i32
    %add3A_35 = arith.addi %mul3A_33, %add3A_34 : i32
    "tpu.region"() ({
      %run_scoped3A_63 = tpu.sem_alloc : memref<!tpu.dma_semaphore, #tpu.memory_space<semaphore_mem>>
      %dma_start3A = arith.constant 0 : i32
      %dma_start3A_64 = tpu.memref_slice %arg6[%add3A_35, %dma_start3A] : memref<10240x128xf32, #tpu.memory_space<hbm>> -> memref<64x128xf32, #tpu.memory_space<hbm>>
      %dma_start3A_65 = arith.constant 0 : i32
      %dma_start3A_66 = tpu.memref_slice %arg6[%add3A_35, %dma_start3A_65] : memref<10240x128xf32, #tpu.memory_space<hbm>> -> memref<64x128xf32, #tpu.memory_space<hbm>>
      tpu.enqueue_dma source(%arg9 : memref<64x128xf32, #tpu.memory_space<vmem>>) target(%dma_start3A_66 : memref<64x128xf32, #tpu.memory_space<hbm>>) target_semaphore(%run_scoped3A_63 : memref<!tpu.dma_semaphore, #tpu.memory_space<semaphore_mem>>)
      %dma_wait3A = arith.constant 0 : i32
      %dma_wait3A_67 = tpu.memref_slice %arg6[%add3A_35, %dma_wait3A] : memref<10240x128xf32, #tpu.memory_space<hbm>> -> memref<64x128xf32, #tpu.memory_space<hbm>>
      %dma_wait3A_68 = arith.constant 0 : i32
      %dma_wait3A_69 = tpu.memref_slice %arg6[%add3A_35, %dma_wait3A_68] : memref<10240x128xf32, #tpu.memory_space<hbm>> -> memref<64x128xf32, #tpu.memory_space<hbm>>
      tpu.wait_dma2 semaphore(%run_scoped3A_63 : memref<!tpu.dma_semaphore, #tpu.memory_space<semaphore_mem>>) src(%arg9 : memref<64x128xf32, #tpu.memory_space<vmem>>) dst(%dma_wait3A_69 : memref<64x128xf32, #tpu.memory_space<hbm>>)
      tpu.yield
    }) : () -> ()
    %run_scoped3A_36 = arith.constant 2 : i32
    "tpu.region"() ({
      %run_scoped3A_63 = tpu.sem_alloc : memref<!tpu.dma_semaphore, #tpu.memory_space<semaphore_mem>>
      %dma_start3A = arith.constant 0 : i32
      %dma_start3A_64 = tpu.memref_slice %arg8[%run_scoped3A_36, %dma_start3A] : memref<5x64xi32, #tpu.memory_space<vmem>> -> memref<1x64xi32, #tpu.memory_space<vmem>>
      %dma_start3A_65 = tpu.memref_squeeze %dma_start3A_64 : memref<1x64xi32, #tpu.memory_space<vmem>> -> memref<64xi32, #tpu.memory_space<vmem>>
      %dma_start3A_66 = arith.constant 0 : i32
      %dma_start3A_67 = arith.constant 0 : i32
      %dma_start3A_68 = tpu.memref_slice %arg5[%dma_start3A_66, %dma_start3A_67] : memref<100000x128xf32, #tpu.memory_space<hbm>> -> memref<100000x128xf32, #tpu.memory_space<hbm>>
      tpu.enqueue_indirect_dma source(%dma_start3A_68 : memref<100000x128xf32, #tpu.memory_space<hbm>>) target(%arg9 : memref<64x128xf32, #tpu.memory_space<vmem>>) offsets(%dma_start3A_65 : memref<64xi32, #tpu.memory_space<vmem>>) semaphore(%run_scoped3A_63 : memref<!tpu.dma_semaphore, #tpu.memory_space<semaphore_mem>>)
      %dma_wait3A = arith.constant 0 : i32
      %dma_wait3A_69 = tpu.memref_slice %arg8[%run_scoped3A_36, %dma_wait3A] : memref<5x64xi32, #tpu.memory_space<vmem>> -> memref<1x64xi32, #tpu.memory_space<vmem>>
      %dma_wait3A_70 = tpu.memref_squeeze %dma_wait3A_69 : memref<1x64xi32, #tpu.memory_space<vmem>> -> memref<64xi32, #tpu.memory_space<vmem>>
      %dma_wait3A_71 = arith.constant 0 : i32
      %dma_wait3A_72 = arith.constant 0 : i32
      %dma_wait3A_73 = tpu.memref_slice %arg5[%dma_wait3A_71, %dma_wait3A_72] : memref<100000x128xf32, #tpu.memory_space<hbm>> -> memref<100000x128xf32, #tpu.memory_space<hbm>>
      tpu.wait_indirect_dma semaphore(%run_scoped3A_63 : memref<!tpu.dma_semaphore, #tpu.memory_space<semaphore_mem>>) src(%dma_wait3A_73 : memref<100000x128xf32, #tpu.memory_space<hbm>>) dst(%arg9 : memref<64x128xf32, #tpu.memory_space<vmem>>)
      tpu.yield
    }) : () -> ()
    %mul3A_37 = arith.constant 320 : i32
    %mul3A_38 = arith.muli %add3A, %mul3A_37 : i32
    %add3A_39 = arith.constant 128 : i32
    %add3A_40 = arith.addi %mul3A_38, %add3A_39 : i32
    "tpu.region"() ({
      %run_scoped3A_63 = tpu.sem_alloc : memref<!tpu.dma_semaphore, #tpu.memory_space<semaphore_mem>>
      %dma_start3A = arith.constant 0 : i32
      %dma_start3A_64 = tpu.memref_slice %arg6[%add3A_40, %dma_start3A] : memref<10240x128xf32, #tpu.memory_space<hbm>> -> memref<64x128xf32, #tpu.memory_space<hbm>>
      %dma_start3A_65 = arith.constant 0 : i32
      %dma_start3A_66 = tpu.memref_slice %arg6[%add3A_40, %dma_start3A_65] : memref<10240x128xf32, #tpu.memory_space<hbm>> -> memref<64x128xf32, #tpu.memory_space<hbm>>
      tpu.enqueue_dma source(%arg9 : memref<64x128xf32, #tpu.memory_space<vmem>>) target(%dma_start3A_66 : memref<64x128xf32, #tpu.memory_space<hbm>>) target_semaphore(%run_scoped3A_63 : memref<!tpu.dma_semaphore, #tpu.memory_space<semaphore_mem>>)
      %dma_wait3A = arith.constant 0 : i32
      %dma_wait3A_67 = tpu.memref_slice %arg6[%add3A_40, %dma_wait3A] : memref<10240x128xf32, #tpu.memory_space<hbm>> -> memref<64x128xf32, #tpu.memory_space<hbm>>
      %dma_wait3A_68 = arith.constant 0 : i32
      %dma_wait3A_69 = tpu.memref_slice %arg6[%add3A_40, %dma_wait3A_68] : memref<10240x128xf32, #tpu.memory_space<hbm>> -> memref<64x128xf32, #tpu.memory_space<hbm>>
      tpu.wait_dma2 semaphore(%run_scoped3A_63 : memref<!tpu.dma_semaphore, #tpu.memory_space<semaphore_mem>>) src(%arg9 : memref<64x128xf32, #tpu.memory_space<vmem>>) dst(%dma_wait3A_69 : memref<64x128xf32, #tpu.memory_space<hbm>>)
      tpu.yield
    }) : () -> ()
    %run_scoped3A_41 = arith.constant 3 : i32
    "tpu.region"() ({
      %run_scoped3A_63 = tpu.sem_alloc : memref<!tpu.dma_semaphore, #tpu.memory_space<semaphore_mem>>
      %dma_start3A = arith.constant 0 : i32
      %dma_start3A_64 = tpu.memref_slice %arg8[%run_scoped3A_41, %dma_start3A] : memref<5x64xi32, #tpu.memory_space<vmem>> -> memref<1x64xi32, #tpu.memory_space<vmem>>
      %dma_start3A_65 = tpu.memref_squeeze %dma_start3A_64 : memref<1x64xi32, #tpu.memory_space<vmem>> -> memref<64xi32, #tpu.memory_space<vmem>>
      %dma_start3A_66 = arith.constant 0 : i32
      %dma_start3A_67 = arith.constant 0 : i32
      %dma_start3A_68 = tpu.memref_slice %arg5[%dma_start3A_66, %dma_start3A_67] : memref<100000x128xf32, #tpu.memory_space<hbm>> -> memref<100000x128xf32, #tpu.memory_space<hbm>>
      tpu.enqueue_indirect_dma source(%dma_start3A_68 : memref<100000x128xf32, #tpu.memory_space<hbm>>) target(%arg9 : memref<64x128xf32, #tpu.memory_space<vmem>>) offsets(%dma_start3A_65 : memref<64xi32, #tpu.memory_space<vmem>>) semaphore(%run_scoped3A_63 : memref<!tpu.dma_semaphore, #tpu.memory_space<semaphore_mem>>)
      %dma_wait3A = arith.constant 0 : i32
      %dma_wait3A_69 = tpu.memref_slice %arg8[%run_scoped3A_41, %dma_wait3A] : memref<5x64xi32, #tpu.memory_space<vmem>> -> memref<1x64xi32, #tpu.memory_space<vmem>>
      %dma_wait3A_70 = tpu.memref_squeeze %dma_wait3A_69 : memref<1x64xi32, #tpu.memory_space<vmem>> -> memref<64xi32, #tpu.memory_space<vmem>>
      %dma_wait3A_71 = arith.constant 0 : i32
      %dma_wait3A_72 = arith.constant 0 : i32
      %dma_wait3A_73 = tpu.memref_slice %arg5[%dma_wait3A_71, %dma_wait3A_72] : memref<100000x128xf32, #tpu.memory_space<hbm>> -> memref<100000x128xf32, #tpu.memory_space<hbm>>
      tpu.wait_indirect_dma semaphore(%run_scoped3A_63 : memref<!tpu.dma_semaphore, #tpu.memory_space<semaphore_mem>>) src(%dma_wait3A_73 : memref<100000x128xf32, #tpu.memory_space<hbm>>) dst(%arg9 : memref<64x128xf32, #tpu.memory_space<vmem>>)
      tpu.yield
    }) : () -> ()
    %mul3A_42 = arith.constant 320 : i32
    %mul3A_43 = arith.muli %add3A, %mul3A_42 : i32
    %add3A_44 = arith.constant 192 : i32
    %add3A_45 = arith.addi %mul3A_43, %add3A_44 : i32
    "tpu.region"() ({
      %run_scoped3A_63 = tpu.sem_alloc : memref<!tpu.dma_semaphore, #tpu.memory_space<semaphore_mem>>
      %dma_start3A = arith.constant 0 : i32
      %dma_start3A_64 = tpu.memref_slice %arg6[%add3A_45, %dma_start3A] : memref<10240x128xf32, #tpu.memory_space<hbm>> -> memref<64x128xf32, #tpu.memory_space<hbm>>
      %dma_start3A_65 = arith.constant 0 : i32
      %dma_start3A_66 = tpu.memref_slice %arg6[%add3A_45, %dma_start3A_65] : memref<10240x128xf32, #tpu.memory_space<hbm>> -> memref<64x128xf32, #tpu.memory_space<hbm>>
      tpu.enqueue_dma source(%arg9 : memref<64x128xf32, #tpu.memory_space<vmem>>) target(%dma_start3A_66 : memref<64x128xf32, #tpu.memory_space<hbm>>) target_semaphore(%run_scoped3A_63 : memref<!tpu.dma_semaphore, #tpu.memory_space<semaphore_mem>>)
      %dma_wait3A = arith.constant 0 : i32
      %dma_wait3A_67 = tpu.memref_slice %arg6[%add3A_45, %dma_wait3A] : memref<10240x128xf32, #tpu.memory_space<hbm>> -> memref<64x128xf32, #tpu.memory_space<hbm>>
      %dma_wait3A_68 = arith.constant 0 : i32
      %dma_wait3A_69 = tpu.memref_slice %arg6[%add3A_45, %dma_wait3A_68] : memref<10240x128xf32, #tpu.memory_space<hbm>> -> memref<64x128xf32, #tpu.memory_space<hbm>>
      tpu.wait_dma2 semaphore(%run_scoped3A_63 : memref<!tpu.dma_semaphore, #tpu.memory_space<semaphore_mem>>) src(%arg9 : memref<64x128xf32, #tpu.memory_space<vmem>>) dst(%dma_wait3A_69 : memref<64x128xf32, #tpu.memory_space<hbm>>)
      tpu.yield
    }) : () -> ()
    %run_scoped3A_46 = arith.constant 4 : i32
    "tpu.region"() ({
      %run_scoped3A_63 = tpu.sem_alloc : memref<!tpu.dma_semaphore, #tpu.memory_space<semaphore_mem>>
      %dma_start3A = arith.constant 0 : i32
      %dma_start3A_64 = tpu.memref_slice %arg8[%run_scoped3A_46, %dma_start3A] : memref<5x64xi32, #tpu.memory_space<vmem>> -> memref<1x64xi32, #tpu.memory_space<vmem>>
      %dma_start3A_65 = tpu.memref_squeeze %dma_start3A_64 : memref<1x64xi32, #tpu.memory_space<vmem>> -> memref<64xi32, #tpu.memory_space<vmem>>
      %dma_start3A_66 = arith.constant 0 : i32
      %dma_start3A_67 = arith.constant 0 : i32
      %dma_start3A_68 = tpu.memref_slice %arg5[%dma_start3A_66, %dma_start3A_67] : memref<100000x128xf32, #tpu.memory_space<hbm>> -> memref<100000x128xf32, #tpu.memory_space<hbm>>
      tpu.enqueue_indirect_dma source(%dma_start3A_68 : memref<100000x128xf32, #tpu.memory_space<hbm>>) target(%arg9 : memref<64x128xf32, #tpu.memory_space<vmem>>) offsets(%dma_start3A_65 : memref<64xi32, #tpu.memory_space<vmem>>) semaphore(%run_scoped3A_63 : memref<!tpu.dma_semaphore, #tpu.memory_space<semaphore_mem>>)
      %dma_wait3A = arith.constant 0 : i32
      %dma_wait3A_69 = tpu.memref_slice %arg8[%run_scoped3A_46, %dma_wait3A] : memref<5x64xi32, #tpu.memory_space<vmem>> -> memref<1x64xi32, #tpu.memory_space<vmem>>
      %dma_wait3A_70 = tpu.memref_squeeze %dma_wait3A_69 : memref<1x64xi32, #tpu.memory_space<vmem>> -> memref<64xi32, #tpu.memory_space<vmem>>
      %dma_wait3A_71 = arith.constant 0 : i32
      %dma_wait3A_72 = arith.constant 0 : i32
      %dma_wait3A_73 = tpu.memref_slice %arg5[%dma_wait3A_71, %dma_wait3A_72] : memref<100000x128xf32, #tpu.memory_space<hbm>> -> memref<100000x128xf32, #tpu.memory_space<hbm>>
      tpu.wait_indirect_dma semaphore(%run_scoped3A_63 : memref<!tpu.dma_semaphore, #tpu.memory_space<semaphore_mem>>) src(%dma_wait3A_73 : memref<100000x128xf32, #tpu.memory_space<hbm>>) dst(%arg9 : memref<64x128xf32, #tpu.memory_space<vmem>>)
      tpu.yield
    }) : () -> ()
    %mul3A_47 = arith.constant 320 : i32
    %mul3A_48 = arith.muli %add3A, %mul3A_47 : i32
    %add3A_49 = arith.constant 256 : i32
    %add3A_50 = arith.addi %mul3A_48, %add3A_49 : i32
    "tpu.region"() ({
      %run_scoped3A_63 = tpu.sem_alloc : memref<!tpu.dma_semaphore, #tpu.memory_space<semaphore_mem>>
      %dma_start3A = arith.constant 0 : i32
      %dma_start3A_64 = tpu.memref_slice %arg6[%add3A_50, %dma_start3A] : memref<10240x128xf32, #tpu.memory_space<hbm>> -> memref<64x128xf32, #tpu.memory_space<hbm>>
      %dma_start3A_65 = arith.constant 0 : i32
      %dma_start3A_66 = tpu.memref_slice %arg6[%add3A_50, %dma_start3A_65] : memref<10240x128xf32, #tpu.memory_space<hbm>> -> memref<64x128xf32, #tpu.memory_space<hbm>>
      tpu.enqueue_dma source(%arg9 : memref<64x128xf32, #tpu.memory_space<vmem>>) target(%dma_start3A_66 : memref<64x128xf32, #tpu.memory_space<hbm>>) target_semaphore(%run_scoped3A_63 : memref<!tpu.dma_semaphore, #tpu.memory_space<semaphore_mem>>)
      %dma_wait3A = arith.constant 0 : i32
      %dma_wait3A_67 = tpu.memref_slice %arg6[%add3A_50, %dma_wait3A] : memref<10240x128xf32, #tpu.memory_space<hbm>> -> memref<64x128xf32, #tpu.memory_space<hbm>>
      %dma_wait3A_68 = arith.constant 0 : i32
      %dma_wait3A_69 = tpu.memref_slice %arg6[%add3A_50, %dma_wait3A_68] : memref<10240x128xf32, #tpu.memory_space<hbm>> -> memref<64x128xf32, #tpu.memory_space<hbm>>
      tpu.wait_dma2 semaphore(%run_scoped3A_63 : memref<!tpu.dma_semaphore, #tpu.memory_space<semaphore_mem>>) src(%arg9 : memref<64x128xf32, #tpu.memory_space<vmem>>) dst(%dma_wait3A_69 : memref<64x128xf32, #tpu.memory_space<hbm>>)
      tpu.yield
    }) : () -> ()
    %scan3A_51 = arith.constant 0 : i32
    %scan3A_52 = arith.constant 0 : i32
    %scan3A_53 = arith.constant 4 : i32
    %scan3A_54 = arith.addi %scan3A_52, %scan3A_53 : i32
    %scan3A_55 = arith.constant 1 : i32
    %scan3A_56 = scf.for %scan3A_63 = %scan3A_52 to %scan3A_54 step %scan3A_55 iter_args(%scan3A_64 = %scan3A_51) -> (i32)  : i32 {
      "tpu.region"() ({
        %run_scoped3A_73 = tpu.sem_alloc : memref<!tpu.dma_semaphore, #tpu.memory_space<semaphore_mem>>
        %dma_start3A = arith.constant 0 : i32
        %dma_start3A_74 = arith.constant 0 : i32
        %dma_start3A_75 = tpu.memref_slice %arg3[%add3A, %scan3A_63, %dma_start3A, %dma_start3A_74] : memref<32x4x20x128xi32, #tpu.memory_space<hbm>> -> memref<1x1x20x128xi32, #tpu.memory_space<hbm>>
        %dma_start3A_76 = tpu.memref_squeeze %dma_start3A_75 : memref<1x1x20x128xi32, #tpu.memory_space<hbm>> -> memref<20x128xi32, #tpu.memory_space<hbm>>
        %dma_start3A_77 = arith.constant 0 : i32
        %dma_start3A_78 = arith.constant 0 : i32
        %dma_start3A_79 = tpu.memref_slice %arg3[%add3A, %scan3A_63, %dma_start3A_77, %dma_start3A_78] : memref<32x4x20x128xi32, #tpu.memory_space<hbm>> -> memref<1x1x20x128xi32, #tpu.memory_space<hbm>>
        %dma_start3A_80 = tpu.memref_squeeze %dma_start3A_79 : memref<1x1x20x128xi32, #tpu.memory_space<hbm>> -> memref<20x128xi32, #tpu.memory_space<hbm>>
        tpu.enqueue_dma source(%dma_start3A_80 : memref<20x128xi32, #tpu.memory_space<hbm>>) target(%arg11 : memref<20x128xi32, #tpu.memory_space<vmem>>) target_semaphore(%run_scoped3A_73 : memref<!tpu.dma_semaphore, #tpu.memory_space<semaphore_mem>>)
        %dma_wait3A = arith.constant 0 : i32
        %dma_wait3A_81 = arith.constant 0 : i32
        %dma_wait3A_82 = tpu.memref_slice %arg3[%add3A, %scan3A_63, %dma_wait3A, %dma_wait3A_81] : memref<32x4x20x128xi32, #tpu.memory_space<hbm>> -> memref<1x1x20x128xi32, #tpu.memory_space<hbm>>
        %dma_wait3A_83 = tpu.memref_squeeze %dma_wait3A_82 : memref<1x1x20x128xi32, #tpu.memory_space<hbm>> -> memref<20x128xi32, #tpu.memory_space<hbm>>
        %dma_wait3A_84 = arith.constant 0 : i32
        %dma_wait3A_85 = arith.constant 0 : i32
        %dma_wait3A_86 = tpu.memref_slice %arg3[%add3A, %scan3A_63, %dma_wait3A_84, %dma_wait3A_85] : memref<32x4x20x128xi32, #tpu.memory_space<hbm>> -> memref<1x1x20x128xi32, #tpu.memory_space<hbm>>
        %dma_wait3A_87 = tpu.memref_squeeze %dma_wait3A_86 : memref<1x1x20x128xi32, #tpu.memory_space<hbm>> -> memref<20x128xi32, #tpu.memory_space<hbm>>
        tpu.wait_dma2 semaphore(%run_scoped3A_73 : memref<!tpu.dma_semaphore, #tpu.memory_space<semaphore_mem>>) src(%dma_wait3A_87 : memref<20x128xi32, #tpu.memory_space<hbm>>) dst(%arg11 : memref<20x128xi32, #tpu.memory_space<vmem>>)
        tpu.yield
      }) : () -> ()
      "tpu.region"() ({
        %run_scoped3A_73 = tpu.sem_alloc : memref<!tpu.dma_semaphore, #tpu.memory_space<semaphore_mem>>
        %dma_start3A = arith.constant 0 : i32
        %dma_start3A_74 = tpu.memref_slice %arg4[%add3A, %scan3A_63, %dma_start3A] : memref<32x4x2560xf32, #tpu.memory_space<hbm>> -> memref<1x1x2560xf32, #tpu.memory_space<hbm>>
        %dma_start3A_75 = tpu.memref_squeeze %dma_start3A_74 : memref<1x1x2560xf32, #tpu.memory_space<hbm>> -> memref<2560xf32, #tpu.memory_space<hbm>>
        %dma_start3A_76 = arith.constant 0 : i32
        %dma_start3A_77 = tpu.memref_slice %arg4[%add3A, %scan3A_63, %dma_start3A_76] : memref<32x4x2560xf32, #tpu.memory_space<hbm>> -> memref<1x1x2560xf32, #tpu.memory_space<hbm>>
        %dma_start3A_78 = tpu.memref_squeeze %dma_start3A_77 : memref<1x1x2560xf32, #tpu.memory_space<hbm>> -> memref<2560xf32, #tpu.memory_space<hbm>>
        tpu.enqueue_dma source(%dma_start3A_78 : memref<2560xf32, #tpu.memory_space<hbm>>) target(%arg12 : memref<2560xf32, #tpu.memory_space<vmem>>) target_semaphore(%run_scoped3A_73 : memref<!tpu.dma_semaphore, #tpu.memory_space<semaphore_mem>>)
        %dma_wait3A = arith.constant 0 : i32
        %dma_wait3A_79 = tpu.memref_slice %arg4[%add3A, %scan3A_63, %dma_wait3A] : memref<32x4x2560xf32, #tpu.memory_space<hbm>> -> memref<1x1x2560xf32, #tpu.memory_space<hbm>>
        %dma_wait3A_80 = tpu.memref_squeeze %dma_wait3A_79 : memref<1x1x2560xf32, #tpu.memory_space<hbm>> -> memref<2560xf32, #tpu.memory_space<hbm>>
        %dma_wait3A_81 = arith.constant 0 : i32
        %dma_wait3A_82 = tpu.memref_slice %arg4[%add3A, %scan3A_63, %dma_wait3A_81] : memref<32x4x2560xf32, #tpu.memory_space<hbm>> -> memref<1x1x2560xf32, #tpu.memory_space<hbm>>
        %dma_wait3A_83 = tpu.memref_squeeze %dma_wait3A_82 : memref<1x1x2560xf32, #tpu.memory_space<hbm>> -> memref<2560xf32, #tpu.memory_space<hbm>>
        tpu.wait_dma2 semaphore(%run_scoped3A_73 : memref<!tpu.dma_semaphore, #tpu.memory_space<semaphore_mem>>) src(%dma_wait3A_83 : memref<2560xf32, #tpu.memory_space<hbm>>) dst(%arg12 : memref<2560xf32, #tpu.memory_space<vmem>>)
        tpu.yield
      }) : () -> ()
      %scan3A_65 = arith.constant 0 : i32
      %scan3A_66 = arith.constant 0 : i32
      %scan3A_67 = arith.constant 20 : i32
      %scan3A_68 = arith.addi %scan3A_66, %scan3A_67 : i32
      %scan3A_69 = arith.constant 1 : i32
      %scan3A_70 = scf.for %scan3A_73 = %scan3A_66 to %scan3A_68 step %scan3A_69 iter_args(%scan3A_74 = %scan3A_65) -> (i32)  : i32 {
        %scan3A_75 = arith.constant 0 : i32
        %scan3A_76 = arith.constant 0 : i32
        %scan3A_77 = arith.constant 128 : i32
        %scan3A_78 = arith.addi %scan3A_76, %scan3A_77 : i32
        %scan3A_79 = arith.constant 1 : i32
        %scan3A_80 = scf.for %scan3A_83 = %scan3A_76 to %scan3A_78 step %scan3A_79 iter_args(%scan3A_84 = %scan3A_75) -> (i32)  : i32 {
          %broadcast_in_dim3A = arith.constant 0 : i32
          %broadcast_in_dim3A_85 = vector.broadcast %broadcast_in_dim3A : i32 to vector<16xi32>
          %mul3A_86 = arith.constant 128 : i32
          %mul3A_87 = arith.muli %scan3A_73, %mul3A_86 : i32
          %add3A_88 = arith.addi %mul3A_87, %scan3A_83 : i32
          %add3A_89 = vector.broadcast %add3A_88 : i32 to vector<16xi32>
          %add3A_90 = arith.addi %broadcast_in_dim3A_85, %add3A_89 : vector<16xi32>
          %gather3A = tpu.vector_load_idx %arg12[%add3A_90] : memref<2560xf32, #tpu.memory_space<vmem>>[vector<16xi32>], vector<16xf32>,
          %swap3A = arith.index_cast %scan3A_83 : i32 to index
          %swap3A_91 = arith.constant 0 : index
          %swap3A_92 = tpu.vector_load %arg13[%swap3A, %swap3A_91] {strides = array<i32>} : memref<128x16xf32, #tpu.memory_space<vmem>>, vector<16xf32>,
          tpu.vector_store %arg13[%swap3A, %swap3A_91], %gather3A {strides = array<i32>} : memref<128x16xf32, #tpu.memory_space<vmem>>, vector<16xf32>,
          %scan3A_93 = arith.constant 0 : i32
          scf.yield %scan3A_93 : i32
        }
        %scan3A_81 = arith.constant 128 : i32
        "tpu.region"() ({
          %run_scoped3A_83 = tpu.sem_alloc : memref<!tpu.dma_semaphore, #tpu.memory_space<semaphore_mem>>
          %dma_start3A = arith.constant 0 : i32
          %dma_start3A_84 = tpu.memref_slice %arg11[%scan3A_73, %dma_start3A] : memref<20x128xi32, #tpu.memory_space<vmem>> -> memref<1x128xi32, #tpu.memory_space<vmem>>
          %dma_start3A_85 = tpu.memref_squeeze %dma_start3A_84 : memref<1x128xi32, #tpu.memory_space<vmem>> -> memref<128xi32, #tpu.memory_space<vmem>>
          %dma_start3A_86 = arith.constant 0 : i32
          %dma_start3A_87 = arith.constant 0 : i32
          %dma_start3A_88 = tpu.memref_slice %arg14[%dma_start3A_86, %dma_start3A_87] : memref<10240x16xf32, #tpu.memory_space<vmem_shared>> -> memref<10240x16xf32, #tpu.memory_space<vmem_shared>>
          tpu.enqueue_indirect_dma source(%arg13 : memref<128x16xf32, #tpu.memory_space<vmem>>) target(%dma_start3A_88 : memref<10240x16xf32, #tpu.memory_space<vmem_shared>>) offsets(%dma_start3A_85 : memref<128xi32, #tpu.memory_space<vmem>>) semaphore(%run_scoped3A_83 : memref<!tpu.dma_semaphore, #tpu.memory_space<semaphore_mem>>) {add = true}
          %dma_wait3A = arith.constant 0 : i32
          %dma_wait3A_89 = tpu.memref_slice %arg11[%scan3A_73, %dma_wait3A] : memref<20x128xi32, #tpu.memory_space<vmem>> -> memref<1x128xi32, #tpu.memory_space<vmem>>
          %dma_wait3A_90 = tpu.memref_squeeze %dma_wait3A_89 : memref<1x128xi32, #tpu.memory_space<vmem>> -> memref<128xi32, #tpu.memory_space<vmem>>
          %dma_wait3A_91 = arith.constant 0 : i32
          %dma_wait3A_92 = arith.constant 0 : i32
          %dma_wait3A_93 = tpu.memref_slice %arg14[%dma_wait3A_91, %dma_wait3A_92] : memref<10240x16xf32, #tpu.memory_space<vmem_shared>> -> memref<10240x16xf32, #tpu.memory_space<vmem_shared>>
          tpu.wait_indirect_dma semaphore(%run_scoped3A_83 : memref<!tpu.dma_semaphore, #tpu.memory_space<semaphore_mem>>) src(%arg13 : memref<128x16xf32, #tpu.memory_space<vmem>>) dst(%dma_wait3A_93 : memref<10240x16xf32, #tpu.memory_space<vmem_shared>>)
          tpu.yield
        }) : () -> ()
        %scan3A_82 = arith.constant 0 : i32
        scf.yield %scan3A_82 : i32
      }
      %scan3A_71 = arith.constant 20 : i32
      %scan3A_72 = arith.constant 0 : i32
      scf.yield %scan3A_72 : i32
    }
    %scan3A_57 = arith.constant 4 : i32
    %barrier3A_58 = arith.constant 0 : index
    tpu.barrier barrier_id(%barrier3A_58)
    %mul3A_59 = arith.constant 640 : i32
    %mul3A_60 = arith.muli %arg1, %mul3A_59 : i32
    %mul3A_61 = arith.constant 640 : i32
    %mul3A_62 = arith.muli %arg1, %mul3A_61 : i32
    "tpu.region"() ({
      %run_scoped3A_63 = tpu.sem_alloc : memref<!tpu.dma_semaphore, #tpu.memory_space<semaphore_mem>>
      %dma_start3A = arith.constant 0 : i32
      %dma_start3A_64 = tpu.memref_slice %arg7[%arg0, %mul3A_62, %dma_start3A] : memref<2x10240x16xf32, #tpu.memory_space<hbm>> -> memref<1x640x16xf32, #tpu.memory_space<hbm>>
      %dma_start3A_65 = tpu.memref_squeeze %dma_start3A_64 : memref<1x640x16xf32, #tpu.memory_space<hbm>> -> memref<640x16xf32, #tpu.memory_space<hbm>>
      %dma_start3A_66 = arith.constant 0 : i32
      %dma_start3A_67 = tpu.memref_slice %arg14[%mul3A_60, %dma_start3A_66] : memref<10240x16xf32, #tpu.memory_space<vmem_shared>> -> memref<640x16xf32, #tpu.memory_space<vmem_shared>>
      tpu.enqueue_dma source(%dma_start3A_67 : memref<640x16xf32, #tpu.memory_space<vmem_shared>>) target(%dma_start3A_65 : memref<640x16xf32, #tpu.memory_space<hbm>>) target_semaphore(%run_scoped3A_63 : memref<!tpu.dma_semaphore, #tpu.memory_space<semaphore_mem>>)
      %dma_wait3A = arith.constant 0 : i32
      %dma_wait3A_68 = tpu.memref_slice %arg7[%arg0, %mul3A_62, %dma_wait3A] : memref<2x10240x16xf32, #tpu.memory_space<hbm>> -> memref<1x640x16xf32, #tpu.memory_space<hbm>>
      %dma_wait3A_69 = tpu.memref_squeeze %dma_wait3A_68 : memref<1x640x16xf32, #tpu.memory_space<hbm>> -> memref<640x16xf32, #tpu.memory_space<hbm>>
      %dma_wait3A_70 = arith.constant 0 : i32
      %dma_wait3A_71 = tpu.memref_slice %arg14[%mul3A_60, %dma_wait3A_70] : memref<10240x16xf32, #tpu.memory_space<vmem_shared>> -> memref<640x16xf32, #tpu.memory_space<vmem_shared>>
      tpu.wait_dma2 semaphore(%run_scoped3A_63 : memref<!tpu.dma_semaphore, #tpu.memory_space<semaphore_mem>>) src(%dma_wait3A_71 : memref<640x16xf32, #tpu.memory_space<vmem_shared>>) dst(%dma_wait3A_69 : memref<640x16xf32, #tpu.memory_space<hbm>>)
      tpu.yield
    }) : () -> ()
    return
  }
}

#map = affine_map<(d0, d1) -> (0, 0)>
#map1 = affine_map<(d0, d1) -> (0, 0, 0, 0)>
#map2 = affine_map<(d0, d1) -> (0, 0, 0)>
module attributes {stable_mosaic.version = 14 : i64} {
  func.func @k(%arg0: i32, %arg1: i32, %arg2: memref<10240x128xf32, #tpu.memory_space<hbm>>, %arg3: memref<32x4x20x128xi32, #tpu.memory_space<hbm>>, %arg4: memref<32x4x20x128xi32, #tpu.memory_space<hbm>>, %arg5: memref<32x4x2560xf32, #tpu.memory_space<hbm>>, %arg6: memref<2x10240x128xf32, #tpu.memory_space<hbm>>, %arg7: memref<20x128xi32, #tpu.memory_space<vmem>>, %arg8: memref<20x128xi32, #tpu.memory_space<vmem>>, %arg9: memref<2560xf32, #tpu.memory_space<vmem>>, %arg10: memref<128x128xf32, #tpu.memory_space<vmem>>, %arg11: memref<128x128xf32, #tpu.memory_space<vmem>>, %arg12: memref<10240x128xf32, #tpu.memory_space<vmem_shared>>) attributes {dimension_semantics = [#tpu.dimension_semantics<core_parallel>, #tpu.dimension_semantics<subcore_parallel>], iteration_bounds = array<i64: 2, 16>, scalar_prefetch = 0 : i64, scratch_operands = 6 : i64, tpu.core_type = #tpu.core_type<sc_vector_subcore>, window_params = [{transform_indices = #map}, {transform_indices = #map1}, {transform_indices = #map1}, {transform_indices = #map2}, {transform_indices = #map2}]} {
    %mul3A = arith.constant 16 : i32
    %mul3A_0 = arith.muli %arg0, %mul3A : i32
    %add3A = arith.addi %mul3A_0, %arg1 : i32
    %scan3A = arith.constant 0 : i32
    %scan3A_1 = arith.constant 0 : i32
    %scan3A_2 = arith.constant 128 : i32
    %scan3A_3 = arith.addi %scan3A_1, %scan3A_2 : i32
    %scan3A_4 = arith.constant 1 : i32
    %scan3A_5 = scf.for %scan3A_39 = %scan3A_1 to %scan3A_3 step %scan3A_4 iter_args(%scan3A_40 = %scan3A) -> (i32)  : i32 {
      %broadcast_in_dim3A = arith.constant 0.000000e+00 : f32
      %broadcast_in_dim3A_41 = vector.broadcast %broadcast_in_dim3A : f32 to vector<16xf32>
      %swap3A = arith.index_cast %scan3A_39 : i32 to index
      %swap3A_42 = arith.constant 0 : index
      %swap3A_43 = tpu.vector_load %arg10[%swap3A, %swap3A_42] {strides = array<i32>} : memref<128x128xf32, #tpu.memory_space<vmem>>, vector<16xf32>,
      tpu.vector_store %arg10[%swap3A, %swap3A_42], %broadcast_in_dim3A_41 {strides = array<i32>} : memref<128x128xf32, #tpu.memory_space<vmem>>, vector<16xf32>,
      %broadcast_in_dim3A_44 = arith.constant 0.000000e+00 : f32
      %broadcast_in_dim3A_45 = vector.broadcast %broadcast_in_dim3A_44 : f32 to vector<16xf32>
      %swap3A_46 = arith.index_cast %scan3A_39 : i32 to index
      %swap3A_47 = arith.constant 16 : index
      %swap3A_48 = tpu.vector_load %arg10[%swap3A_46, %swap3A_47] {strides = array<i32>} : memref<128x128xf32, #tpu.memory_space<vmem>>, vector<16xf32>,
      tpu.vector_store %arg10[%swap3A_46, %swap3A_47], %broadcast_in_dim3A_45 {strides = array<i32>} : memref<128x128xf32, #tpu.memory_space<vmem>>, vector<16xf32>,
      %broadcast_in_dim3A_49 = arith.constant 0.000000e+00 : f32
      %broadcast_in_dim3A_50 = vector.broadcast %broadcast_in_dim3A_49 : f32 to vector<16xf32>
      %swap3A_51 = arith.index_cast %scan3A_39 : i32 to index
      %swap3A_52 = arith.constant 32 : index
      %swap3A_53 = tpu.vector_load %arg10[%swap3A_51, %swap3A_52] {strides = array<i32>} : memref<128x128xf32, #tpu.memory_space<vmem>>, vector<16xf32>,
      tpu.vector_store %arg10[%swap3A_51, %swap3A_52], %broadcast_in_dim3A_50 {strides = array<i32>} : memref<128x128xf32, #tpu.memory_space<vmem>>, vector<16xf32>,
      %broadcast_in_dim3A_54 = arith.constant 0.000000e+00 : f32
      %broadcast_in_dim3A_55 = vector.broadcast %broadcast_in_dim3A_54 : f32 to vector<16xf32>
      %swap3A_56 = arith.index_cast %scan3A_39 : i32 to index
      %swap3A_57 = arith.constant 48 : index
      %swap3A_58 = tpu.vector_load %arg10[%swap3A_56, %swap3A_57] {strides = array<i32>} : memref<128x128xf32, #tpu.memory_space<vmem>>, vector<16xf32>,
      tpu.vector_store %arg10[%swap3A_56, %swap3A_57], %broadcast_in_dim3A_55 {strides = array<i32>} : memref<128x128xf32, #tpu.memory_space<vmem>>, vector<16xf32>,
      %broadcast_in_dim3A_59 = arith.constant 0.000000e+00 : f32
      %broadcast_in_dim3A_60 = vector.broadcast %broadcast_in_dim3A_59 : f32 to vector<16xf32>
      %swap3A_61 = arith.index_cast %scan3A_39 : i32 to index
      %swap3A_62 = arith.constant 64 : index
      %swap3A_63 = tpu.vector_load %arg10[%swap3A_61, %swap3A_62] {strides = array<i32>} : memref<128x128xf32, #tpu.memory_space<vmem>>, vector<16xf32>,
      tpu.vector_store %arg10[%swap3A_61, %swap3A_62], %broadcast_in_dim3A_60 {strides = array<i32>} : memref<128x128xf32, #tpu.memory_space<vmem>>, vector<16xf32>,
      %broadcast_in_dim3A_64 = arith.constant 0.000000e+00 : f32
      %broadcast_in_dim3A_65 = vector.broadcast %broadcast_in_dim3A_64 : f32 to vector<16xf32>
      %swap3A_66 = arith.index_cast %scan3A_39 : i32 to index
      %swap3A_67 = arith.constant 80 : index
      %swap3A_68 = tpu.vector_load %arg10[%swap3A_66, %swap3A_67] {strides = array<i32>} : memref<128x128xf32, #tpu.memory_space<vmem>>, vector<16xf32>,
      tpu.vector_store %arg10[%swap3A_66, %swap3A_67], %broadcast_in_dim3A_65 {strides = array<i32>} : memref<128x128xf32, #tpu.memory_space<vmem>>, vector<16xf32>,
      %broadcast_in_dim3A_69 = arith.constant 0.000000e+00 : f32
      %broadcast_in_dim3A_70 = vector.broadcast %broadcast_in_dim3A_69 : f32 to vector<16xf32>
      %swap3A_71 = arith.index_cast %scan3A_39 : i32 to index
      %swap3A_72 = arith.constant 96 : index
      %swap3A_73 = tpu.vector_load %arg10[%swap3A_71, %swap3A_72] {strides = array<i32>} : memref<128x128xf32, #tpu.memory_space<vmem>>, vector<16xf32>,
      tpu.vector_store %arg10[%swap3A_71, %swap3A_72], %broadcast_in_dim3A_70 {strides = array<i32>} : memref<128x128xf32, #tpu.memory_space<vmem>>, vector<16xf32>,
      %broadcast_in_dim3A_74 = arith.constant 0.000000e+00 : f32
      %broadcast_in_dim3A_75 = vector.broadcast %broadcast_in_dim3A_74 : f32 to vector<16xf32>
      %swap3A_76 = arith.index_cast %scan3A_39 : i32 to index
      %swap3A_77 = arith.constant 112 : index
      %swap3A_78 = tpu.vector_load %arg10[%swap3A_76, %swap3A_77] {strides = array<i32>} : memref<128x128xf32, #tpu.memory_space<vmem>>, vector<16xf32>,
      tpu.vector_store %arg10[%swap3A_76, %swap3A_77], %broadcast_in_dim3A_75 {strides = array<i32>} : memref<128x128xf32, #tpu.memory_space<vmem>>, vector<16xf32>,
      %scan3A_79 = arith.constant 0 : i32
      scf.yield %scan3A_79 : i32
    }
    %scan3A_6 = arith.constant 128 : i32
    %mul3A_7 = arith.constant 640 : i32
    %mul3A_8 = arith.muli %arg1, %mul3A_7 : i32
    %add3A_9 = arith.constant 0 : i32
    %add3A_10 = arith.addi %mul3A_8, %add3A_9 : i32
    "tpu.region"() ({
      %run_scoped3A = tpu.sem_alloc : memref<!tpu.dma_semaphore, #tpu.memory_space<semaphore_mem>>
      %dma_start3A = arith.constant 0 : i32
      %dma_start3A_39 = tpu.memref_slice %arg12[%add3A_10, %dma_start3A] : memref<10240x128xf32, #tpu.memory_space<vmem_shared>> -> memref<128x128xf32, #tpu.memory_space<vmem_shared>>
      %dma_start3A_40 = arith.constant 0 : i32
      %dma_start3A_41 = tpu.memref_slice %arg12[%add3A_10, %dma_start3A_40] : memref<10240x128xf32, #tpu.memory_space<vmem_shared>> -> memref<128x128xf32, #tpu.memory_space<vmem_shared>>
      tpu.enqueue_dma source(%arg10 : memref<128x128xf32, #tpu.memory_space<vmem>>) target(%dma_start3A_41 : memref<128x128xf32, #tpu.memory_space<vmem_shared>>) target_semaphore(%run_scoped3A : memref<!tpu.dma_semaphore, #tpu.memory_space<semaphore_mem>>)
      %dma_wait3A = arith.constant 0 : i32
      %dma_wait3A_42 = tpu.memref_slice %arg12[%add3A_10, %dma_wait3A] : memref<10240x128xf32, #tpu.memory_space<vmem_shared>> -> memref<128x128xf32, #tpu.memory_space<vmem_shared>>
      %dma_wait3A_43 = arith.constant 0 : i32
      %dma_wait3A_44 = tpu.memref_slice %arg12[%add3A_10, %dma_wait3A_43] : memref<10240x128xf32, #tpu.memory_space<vmem_shared>> -> memref<128x128xf32, #tpu.memory_space<vmem_shared>>
      tpu.wait_dma2 semaphore(%run_scoped3A : memref<!tpu.dma_semaphore, #tpu.memory_space<semaphore_mem>>) src(%arg10 : memref<128x128xf32, #tpu.memory_space<vmem>>) dst(%dma_wait3A_44 : memref<128x128xf32, #tpu.memory_space<vmem_shared>>)
      tpu.yield
    }) : () -> ()
    %mul3A_11 = arith.constant 640 : i32
    %mul3A_12 = arith.muli %arg1, %mul3A_11 : i32
    %add3A_13 = arith.constant 128 : i32
    %add3A_14 = arith.addi %mul3A_12, %add3A_13 : i32
    "tpu.region"() ({
      %run_scoped3A = tpu.sem_alloc : memref<!tpu.dma_semaphore, #tpu.memory_space<semaphore_mem>>
      %dma_start3A = arith.constant 0 : i32
      %dma_start3A_39 = tpu.memref_slice %arg12[%add3A_14, %dma_start3A] : memref<10240x128xf32, #tpu.memory_space<vmem_shared>> -> memref<128x128xf32, #tpu.memory_space<vmem_shared>>
      %dma_start3A_40 = arith.constant 0 : i32
      %dma_start3A_41 = tpu.memref_slice %arg12[%add3A_14, %dma_start3A_40] : memref<10240x128xf32, #tpu.memory_space<vmem_shared>> -> memref<128x128xf32, #tpu.memory_space<vmem_shared>>
      tpu.enqueue_dma source(%arg10 : memref<128x128xf32, #tpu.memory_space<vmem>>) target(%dma_start3A_41 : memref<128x128xf32, #tpu.memory_space<vmem_shared>>) target_semaphore(%run_scoped3A : memref<!tpu.dma_semaphore, #tpu.memory_space<semaphore_mem>>)
      %dma_wait3A = arith.constant 0 : i32
      %dma_wait3A_42 = tpu.memref_slice %arg12[%add3A_14, %dma_wait3A] : memref<10240x128xf32, #tpu.memory_space<vmem_shared>> -> memref<128x128xf32, #tpu.memory_space<vmem_shared>>
      %dma_wait3A_43 = arith.constant 0 : i32
      %dma_wait3A_44 = tpu.memref_slice %arg12[%add3A_14, %dma_wait3A_43] : memref<10240x128xf32, #tpu.memory_space<vmem_shared>> -> memref<128x128xf32, #tpu.memory_space<vmem_shared>>
      tpu.wait_dma2 semaphore(%run_scoped3A : memref<!tpu.dma_semaphore, #tpu.memory_space<semaphore_mem>>) src(%arg10 : memref<128x128xf32, #tpu.memory_space<vmem>>) dst(%dma_wait3A_44 : memref<128x128xf32, #tpu.memory_space<vmem_shared>>)
      tpu.yield
    }) : () -> ()
    %mul3A_15 = arith.constant 640 : i32
    %mul3A_16 = arith.muli %arg1, %mul3A_15 : i32
    %add3A_17 = arith.constant 256 : i32
    %add3A_18 = arith.addi %mul3A_16, %add3A_17 : i32
    "tpu.region"() ({
      %run_scoped3A = tpu.sem_alloc : memref<!tpu.dma_semaphore, #tpu.memory_space<semaphore_mem>>
      %dma_start3A = arith.constant 0 : i32
      %dma_start3A_39 = tpu.memref_slice %arg12[%add3A_18, %dma_start3A] : memref<10240x128xf32, #tpu.memory_space<vmem_shared>> -> memref<128x128xf32, #tpu.memory_space<vmem_shared>>
      %dma_start3A_40 = arith.constant 0 : i32
      %dma_start3A_41 = tpu.memref_slice %arg12[%add3A_18, %dma_start3A_40] : memref<10240x128xf32, #tpu.memory_space<vmem_shared>> -> memref<128x128xf32, #tpu.memory_space<vmem_shared>>
      tpu.enqueue_dma source(%arg10 : memref<128x128xf32, #tpu.memory_space<vmem>>) target(%dma_start3A_41 : memref<128x128xf32, #tpu.memory_space<vmem_shared>>) target_semaphore(%run_scoped3A : memref<!tpu.dma_semaphore, #tpu.memory_space<semaphore_mem>>)
      %dma_wait3A = arith.constant 0 : i32
      %dma_wait3A_42 = tpu.memref_slice %arg12[%add3A_18, %dma_wait3A] : memref<10240x128xf32, #tpu.memory_space<vmem_shared>> -> memref<128x128xf32, #tpu.memory_space<vmem_shared>>
      %dma_wait3A_43 = arith.constant 0 : i32
      %dma_wait3A_44 = tpu.memref_slice %arg12[%add3A_18, %dma_wait3A_43] : memref<10240x128xf32, #tpu.memory_space<vmem_shared>> -> memref<128x128xf32, #tpu.memory_space<vmem_shared>>
      tpu.wait_dma2 semaphore(%run_scoped3A : memref<!tpu.dma_semaphore, #tpu.memory_space<semaphore_mem>>) src(%arg10 : memref<128x128xf32, #tpu.memory_space<vmem>>) dst(%dma_wait3A_44 : memref<128x128xf32, #tpu.memory_space<vmem_shared>>)
      tpu.yield
    }) : () -> ()
    %mul3A_19 = arith.constant 640 : i32
    %mul3A_20 = arith.muli %arg1, %mul3A_19 : i32
    %add3A_21 = arith.constant 384 : i32
    %add3A_22 = arith.addi %mul3A_20, %add3A_21 : i32
    "tpu.region"() ({
      %run_scoped3A = tpu.sem_alloc : memref<!tpu.dma_semaphore, #tpu.memory_space<semaphore_mem>>
      %dma_start3A = arith.constant 0 : i32
      %dma_start3A_39 = tpu.memref_slice %arg12[%add3A_22, %dma_start3A] : memref<10240x128xf32, #tpu.memory_space<vmem_shared>> -> memref<128x128xf32, #tpu.memory_space<vmem_shared>>
      %dma_start3A_40 = arith.constant 0 : i32
      %dma_start3A_41 = tpu.memref_slice %arg12[%add3A_22, %dma_start3A_40] : memref<10240x128xf32, #tpu.memory_space<vmem_shared>> -> memref<128x128xf32, #tpu.memory_space<vmem_shared>>
      tpu.enqueue_dma source(%arg10 : memref<128x128xf32, #tpu.memory_space<vmem>>) target(%dma_start3A_41 : memref<128x128xf32, #tpu.memory_space<vmem_shared>>) target_semaphore(%run_scoped3A : memref<!tpu.dma_semaphore, #tpu.memory_space<semaphore_mem>>)
      %dma_wait3A = arith.constant 0 : i32
      %dma_wait3A_42 = tpu.memref_slice %arg12[%add3A_22, %dma_wait3A] : memref<10240x128xf32, #tpu.memory_space<vmem_shared>> -> memref<128x128xf32, #tpu.memory_space<vmem_shared>>
      %dma_wait3A_43 = arith.constant 0 : i32
      %dma_wait3A_44 = tpu.memref_slice %arg12[%add3A_22, %dma_wait3A_43] : memref<10240x128xf32, #tpu.memory_space<vmem_shared>> -> memref<128x128xf32, #tpu.memory_space<vmem_shared>>
      tpu.wait_dma2 semaphore(%run_scoped3A : memref<!tpu.dma_semaphore, #tpu.memory_space<semaphore_mem>>) src(%arg10 : memref<128x128xf32, #tpu.memory_space<vmem>>) dst(%dma_wait3A_44 : memref<128x128xf32, #tpu.memory_space<vmem_shared>>)
      tpu.yield
    }) : () -> ()
    %mul3A_23 = arith.constant 640 : i32
    %mul3A_24 = arith.muli %arg1, %mul3A_23 : i32
    %add3A_25 = arith.constant 512 : i32
    %add3A_26 = arith.addi %mul3A_24, %add3A_25 : i32
    "tpu.region"() ({
      %run_scoped3A = tpu.sem_alloc : memref<!tpu.dma_semaphore, #tpu.memory_space<semaphore_mem>>
      %dma_start3A = arith.constant 0 : i32
      %dma_start3A_39 = tpu.memref_slice %arg12[%add3A_26, %dma_start3A] : memref<10240x128xf32, #tpu.memory_space<vmem_shared>> -> memref<128x128xf32, #tpu.memory_space<vmem_shared>>
      %dma_start3A_40 = arith.constant 0 : i32
      %dma_start3A_41 = tpu.memref_slice %arg12[%add3A_26, %dma_start3A_40] : memref<10240x128xf32, #tpu.memory_space<vmem_shared>> -> memref<128x128xf32, #tpu.memory_space<vmem_shared>>
      tpu.enqueue_dma source(%arg10 : memref<128x128xf32, #tpu.memory_space<vmem>>) target(%dma_start3A_41 : memref<128x128xf32, #tpu.memory_space<vmem_shared>>) target_semaphore(%run_scoped3A : memref<!tpu.dma_semaphore, #tpu.memory_space<semaphore_mem>>)
      %dma_wait3A = arith.constant 0 : i32
      %dma_wait3A_42 = tpu.memref_slice %arg12[%add3A_26, %dma_wait3A] : memref<10240x128xf32, #tpu.memory_space<vmem_shared>> -> memref<128x128xf32, #tpu.memory_space<vmem_shared>>
      %dma_wait3A_43 = arith.constant 0 : i32
      %dma_wait3A_44 = tpu.memref_slice %arg12[%add3A_26, %dma_wait3A_43] : memref<10240x128xf32, #tpu.memory_space<vmem_shared>> -> memref<128x128xf32, #tpu.memory_space<vmem_shared>>
      tpu.wait_dma2 semaphore(%run_scoped3A : memref<!tpu.dma_semaphore, #tpu.memory_space<semaphore_mem>>) src(%arg10 : memref<128x128xf32, #tpu.memory_space<vmem>>) dst(%dma_wait3A_44 : memref<128x128xf32, #tpu.memory_space<vmem_shared>>)
      tpu.yield
    }) : () -> ()
    %barrier3A = arith.constant 0 : index
    tpu.barrier barrier_id(%barrier3A)
    %scan3A_27 = arith.constant 0 : i32
    %scan3A_28 = arith.constant 0 : i32
    %scan3A_29 = arith.constant 4 : i32
    %scan3A_30 = arith.addi %scan3A_28, %scan3A_29 : i32
    %scan3A_31 = arith.constant 1 : i32
    %scan3A_32 = scf.for %scan3A_39 = %scan3A_28 to %scan3A_30 step %scan3A_31 iter_args(%scan3A_40 = %scan3A_27) -> (i32)  : i32 {
      "tpu.region"() ({
        %run_scoped3A = tpu.sem_alloc : memref<!tpu.dma_semaphore, #tpu.memory_space<semaphore_mem>>
        %dma_start3A = arith.constant 0 : i32
        %dma_start3A_49 = arith.constant 0 : i32
        %dma_start3A_50 = tpu.memref_slice %arg3[%add3A, %scan3A_39, %dma_start3A, %dma_start3A_49] : memref<32x4x20x128xi32, #tpu.memory_space<hbm>> -> memref<1x1x20x128xi32, #tpu.memory_space<hbm>>
        %dma_start3A_51 = tpu.memref_squeeze %dma_start3A_50 : memref<1x1x20x128xi32, #tpu.memory_space<hbm>> -> memref<20x128xi32, #tpu.memory_space<hbm>>
        %dma_start3A_52 = arith.constant 0 : i32
        %dma_start3A_53 = arith.constant 0 : i32
        %dma_start3A_54 = tpu.memref_slice %arg3[%add3A, %scan3A_39, %dma_start3A_52, %dma_start3A_53] : memref<32x4x20x128xi32, #tpu.memory_space<hbm>> -> memref<1x1x20x128xi32, #tpu.memory_space<hbm>>
        %dma_start3A_55 = tpu.memref_squeeze %dma_start3A_54 : memref<1x1x20x128xi32, #tpu.memory_space<hbm>> -> memref<20x128xi32, #tpu.memory_space<hbm>>
        tpu.enqueue_dma source(%dma_start3A_55 : memref<20x128xi32, #tpu.memory_space<hbm>>) target(%arg7 : memref<20x128xi32, #tpu.memory_space<vmem>>) target_semaphore(%run_scoped3A : memref<!tpu.dma_semaphore, #tpu.memory_space<semaphore_mem>>)
        %dma_wait3A = arith.constant 0 : i32
        %dma_wait3A_56 = arith.constant 0 : i32
        %dma_wait3A_57 = tpu.memref_slice %arg3[%add3A, %scan3A_39, %dma_wait3A, %dma_wait3A_56] : memref<32x4x20x128xi32, #tpu.memory_space<hbm>> -> memref<1x1x20x128xi32, #tpu.memory_space<hbm>>
        %dma_wait3A_58 = tpu.memref_squeeze %dma_wait3A_57 : memref<1x1x20x128xi32, #tpu.memory_space<hbm>> -> memref<20x128xi32, #tpu.memory_space<hbm>>
        %dma_wait3A_59 = arith.constant 0 : i32
        %dma_wait3A_60 = arith.constant 0 : i32
        %dma_wait3A_61 = tpu.memref_slice %arg3[%add3A, %scan3A_39, %dma_wait3A_59, %dma_wait3A_60] : memref<32x4x20x128xi32, #tpu.memory_space<hbm>> -> memref<1x1x20x128xi32, #tpu.memory_space<hbm>>
        %dma_wait3A_62 = tpu.memref_squeeze %dma_wait3A_61 : memref<1x1x20x128xi32, #tpu.memory_space<hbm>> -> memref<20x128xi32, #tpu.memory_space<hbm>>
        tpu.wait_dma2 semaphore(%run_scoped3A : memref<!tpu.dma_semaphore, #tpu.memory_space<semaphore_mem>>) src(%dma_wait3A_62 : memref<20x128xi32, #tpu.memory_space<hbm>>) dst(%arg7 : memref<20x128xi32, #tpu.memory_space<vmem>>)
        tpu.yield
      }) : () -> ()
      "tpu.region"() ({
        %run_scoped3A = tpu.sem_alloc : memref<!tpu.dma_semaphore, #tpu.memory_space<semaphore_mem>>
        %dma_start3A = arith.constant 0 : i32
        %dma_start3A_49 = arith.constant 0 : i32
        %dma_start3A_50 = tpu.memref_slice %arg4[%add3A, %scan3A_39, %dma_start3A, %dma_start3A_49] : memref<32x4x20x128xi32, #tpu.memory_space<hbm>> -> memref<1x1x20x128xi32, #tpu.memory_space<hbm>>
        %dma_start3A_51 = tpu.memref_squeeze %dma_start3A_50 : memref<1x1x20x128xi32, #tpu.memory_space<hbm>> -> memref<20x128xi32, #tpu.memory_space<hbm>>
        %dma_start3A_52 = arith.constant 0 : i32
        %dma_start3A_53 = arith.constant 0 : i32
        %dma_start3A_54 = tpu.memref_slice %arg4[%add3A, %scan3A_39, %dma_start3A_52, %dma_start3A_53] : memref<32x4x20x128xi32, #tpu.memory_space<hbm>> -> memref<1x1x20x128xi32, #tpu.memory_space<hbm>>
        %dma_start3A_55 = tpu.memref_squeeze %dma_start3A_54 : memref<1x1x20x128xi32, #tpu.memory_space<hbm>> -> memref<20x128xi32, #tpu.memory_space<hbm>>
        tpu.enqueue_dma source(%dma_start3A_55 : memref<20x128xi32, #tpu.memory_space<hbm>>) target(%arg8 : memref<20x128xi32, #tpu.memory_space<vmem>>) target_semaphore(%run_scoped3A : memref<!tpu.dma_semaphore, #tpu.memory_space<semaphore_mem>>)
        %dma_wait3A = arith.constant 0 : i32
        %dma_wait3A_56 = arith.constant 0 : i32
        %dma_wait3A_57 = tpu.memref_slice %arg4[%add3A, %scan3A_39, %dma_wait3A, %dma_wait3A_56] : memref<32x4x20x128xi32, #tpu.memory_space<hbm>> -> memref<1x1x20x128xi32, #tpu.memory_space<hbm>>
        %dma_wait3A_58 = tpu.memref_squeeze %dma_wait3A_57 : memref<1x1x20x128xi32, #tpu.memory_space<hbm>> -> memref<20x128xi32, #tpu.memory_space<hbm>>
        %dma_wait3A_59 = arith.constant 0 : i32
        %dma_wait3A_60 = arith.constant 0 : i32
        %dma_wait3A_61 = tpu.memref_slice %arg4[%add3A, %scan3A_39, %dma_wait3A_59, %dma_wait3A_60] : memref<32x4x20x128xi32, #tpu.memory_space<hbm>> -> memref<1x1x20x128xi32, #tpu.memory_space<hbm>>
        %dma_wait3A_62 = tpu.memref_squeeze %dma_wait3A_61 : memref<1x1x20x128xi32, #tpu.memory_space<hbm>> -> memref<20x128xi32, #tpu.memory_space<hbm>>
        tpu.wait_dma2 semaphore(%run_scoped3A : memref<!tpu.dma_semaphore, #tpu.memory_space<semaphore_mem>>) src(%dma_wait3A_62 : memref<20x128xi32, #tpu.memory_space<hbm>>) dst(%arg8 : memref<20x128xi32, #tpu.memory_space<vmem>>)
        tpu.yield
      }) : () -> ()
      "tpu.region"() ({
        %run_scoped3A = tpu.sem_alloc : memref<!tpu.dma_semaphore, #tpu.memory_space<semaphore_mem>>
        %dma_start3A = arith.constant 0 : i32
        %dma_start3A_49 = tpu.memref_slice %arg5[%add3A, %scan3A_39, %dma_start3A] : memref<32x4x2560xf32, #tpu.memory_space<hbm>> -> memref<1x1x2560xf32, #tpu.memory_space<hbm>>
        %dma_start3A_50 = tpu.memref_squeeze %dma_start3A_49 : memref<1x1x2560xf32, #tpu.memory_space<hbm>> -> memref<2560xf32, #tpu.memory_space<hbm>>
        %dma_start3A_51 = arith.constant 0 : i32
        %dma_start3A_52 = tpu.memref_slice %arg5[%add3A, %scan3A_39, %dma_start3A_51] : memref<32x4x2560xf32, #tpu.memory_space<hbm>> -> memref<1x1x2560xf32, #tpu.memory_space<hbm>>
        %dma_start3A_53 = tpu.memref_squeeze %dma_start3A_52 : memref<1x1x2560xf32, #tpu.memory_space<hbm>> -> memref<2560xf32, #tpu.memory_space<hbm>>
        tpu.enqueue_dma source(%dma_start3A_53 : memref<2560xf32, #tpu.memory_space<hbm>>) target(%arg9 : memref<2560xf32, #tpu.memory_space<vmem>>) target_semaphore(%run_scoped3A : memref<!tpu.dma_semaphore, #tpu.memory_space<semaphore_mem>>)
        %dma_wait3A = arith.constant 0 : i32
        %dma_wait3A_54 = tpu.memref_slice %arg5[%add3A, %scan3A_39, %dma_wait3A] : memref<32x4x2560xf32, #tpu.memory_space<hbm>> -> memref<1x1x2560xf32, #tpu.memory_space<hbm>>
        %dma_wait3A_55 = tpu.memref_squeeze %dma_wait3A_54 : memref<1x1x2560xf32, #tpu.memory_space<hbm>> -> memref<2560xf32, #tpu.memory_space<hbm>>
        %dma_wait3A_56 = arith.constant 0 : i32
        %dma_wait3A_57 = tpu.memref_slice %arg5[%add3A, %scan3A_39, %dma_wait3A_56] : memref<32x4x2560xf32, #tpu.memory_space<hbm>> -> memref<1x1x2560xf32, #tpu.memory_space<hbm>>
        %dma_wait3A_58 = tpu.memref_squeeze %dma_wait3A_57 : memref<1x1x2560xf32, #tpu.memory_space<hbm>> -> memref<2560xf32, #tpu.memory_space<hbm>>
        tpu.wait_dma2 semaphore(%run_scoped3A : memref<!tpu.dma_semaphore, #tpu.memory_space<semaphore_mem>>) src(%dma_wait3A_58 : memref<2560xf32, #tpu.memory_space<hbm>>) dst(%arg9 : memref<2560xf32, #tpu.memory_space<vmem>>)
        tpu.yield
      }) : () -> ()
      %scan3A_41 = arith.constant 0 : i32
      %scan3A_42 = arith.constant 0 : i32
      %scan3A_43 = arith.constant 20 : i32
      %scan3A_44 = arith.addi %scan3A_42, %scan3A_43 : i32
      %scan3A_45 = arith.constant 1 : i32
      %scan3A_46 = scf.for %scan3A_49 = %scan3A_42 to %scan3A_44 step %scan3A_45 iter_args(%scan3A_50 = %scan3A_41) -> (i32)  : i32 {
        "tpu.region"() ({
          %run_scoped3A = tpu.sem_alloc : memref<!tpu.dma_semaphore, #tpu.memory_space<semaphore_mem>>
          %dma_start3A = arith.constant 0 : i32
          %dma_start3A_54 = tpu.memref_slice %arg7[%scan3A_49, %dma_start3A] : memref<20x128xi32, #tpu.memory_space<vmem>> -> memref<1x128xi32, #tpu.memory_space<vmem>>
          %dma_start3A_55 = tpu.memref_squeeze %dma_start3A_54 : memref<1x128xi32, #tpu.memory_space<vmem>> -> memref<128xi32, #tpu.memory_space<vmem>>
          %dma_start3A_56 = arith.constant 0 : i32
          %dma_start3A_57 = arith.constant 0 : i32
          %dma_start3A_58 = tpu.memref_slice %arg2[%dma_start3A_56, %dma_start3A_57] : memref<10240x128xf32, #tpu.memory_space<hbm>> -> memref<10240x128xf32, #tpu.memory_space<hbm>>
          tpu.enqueue_indirect_dma source(%dma_start3A_58 : memref<10240x128xf32, #tpu.memory_space<hbm>>) target(%arg10 : memref<128x128xf32, #tpu.memory_space<vmem>>) offsets(%dma_start3A_55 : memref<128xi32, #tpu.memory_space<vmem>>) semaphore(%run_scoped3A : memref<!tpu.dma_semaphore, #tpu.memory_space<semaphore_mem>>)
          %dma_wait3A = arith.constant 0 : i32
          %dma_wait3A_59 = tpu.memref_slice %arg7[%scan3A_49, %dma_wait3A] : memref<20x128xi32, #tpu.memory_space<vmem>> -> memref<1x128xi32, #tpu.memory_space<vmem>>
          %dma_wait3A_60 = tpu.memref_squeeze %dma_wait3A_59 : memref<1x128xi32, #tpu.memory_space<vmem>> -> memref<128xi32, #tpu.memory_space<vmem>>
          %dma_wait3A_61 = arith.constant 0 : i32
          %dma_wait3A_62 = arith.constant 0 : i32
          %dma_wait3A_63 = tpu.memref_slice %arg2[%dma_wait3A_61, %dma_wait3A_62] : memref<10240x128xf32, #tpu.memory_space<hbm>> -> memref<10240x128xf32, #tpu.memory_space<hbm>>
          tpu.wait_indirect_dma semaphore(%run_scoped3A : memref<!tpu.dma_semaphore, #tpu.memory_space<semaphore_mem>>) src(%dma_wait3A_63 : memref<10240x128xf32, #tpu.memory_space<hbm>>) dst(%arg10 : memref<128x128xf32, #tpu.memory_space<vmem>>)
          tpu.yield
        }) : () -> ()
        %parallel_loop3A = arith.constant 0 : i32
        %parallel_loop3A_51 = arith.constant 128 : i32
        %parallel_loop3A_52 = arith.constant 1 : i32
        scf.for %parallel_loop3A_54 = %parallel_loop3A to %parallel_loop3A_51 step %parallel_loop3A_52  : i32 {
          %parallel_loop3A_55 = arith.constant 0 : i32
          %parallel_loop3A_56 = vector.broadcast %parallel_loop3A_55 : i32 to vector<16xi32>
          %parallel_loop3A_57 = arith.constant 128 : i32
          %parallel_loop3A_58 = arith.muli %scan3A_49, %parallel_loop3A_57 : i32
          %parallel_loop3A_59 = arith.addi %parallel_loop3A_58, %parallel_loop3A_54 : i32
          %parallel_loop3A_60 = vector.broadcast %parallel_loop3A_59 : i32 to vector<16xi32>
          %parallel_loop3A_61 = arith.addi %parallel_loop3A_56, %parallel_loop3A_60 : vector<16xi32>
          %parallel_loop3A_62 = tpu.vector_load_idx %arg9[%parallel_loop3A_61] : memref<2560xf32, #tpu.memory_space<vmem>>[vector<16xi32>], vector<16xf32>,
          %parallel_loop3A_63 = arith.index_cast %parallel_loop3A_54 : i32 to index
          %parallel_loop3A_64 = arith.constant 0 : index
          %parallel_loop3A_65 = tpu.vector_load %arg10[%parallel_loop3A_63, %parallel_loop3A_64] {strides = array<i32>} : memref<128x128xf32, #tpu.memory_space<vmem>>, vector<16xf32>,
          %parallel_loop3A_66 = arith.mulf %parallel_loop3A_65, %parallel_loop3A_62 : vector<16xf32>
          %parallel_loop3A_67 = arith.index_cast %parallel_loop3A_54 : i32 to index
          %parallel_loop3A_68 = arith.constant 0 : index
          %parallel_loop3A_69 = tpu.vector_load %arg10[%parallel_loop3A_67, %parallel_loop3A_68] {strides = array<i32>} : memref<128x128xf32, #tpu.memory_space<vmem>>, vector<16xf32>,
          tpu.vector_store %arg10[%parallel_loop3A_67, %parallel_loop3A_68], %parallel_loop3A_66 {strides = array<i32>} : memref<128x128xf32, #tpu.memory_space<vmem>>, vector<16xf32>,
          %parallel_loop3A_70 = arith.index_cast %parallel_loop3A_54 : i32 to index
          %parallel_loop3A_71 = arith.constant 16 : index
          %parallel_loop3A_72 = tpu.vector_load %arg10[%parallel_loop3A_70, %parallel_loop3A_71] {strides = array<i32>} : memref<128x128xf32, #tpu.memory_space<vmem>>, vector<16xf32>,
          %parallel_loop3A_73 = arith.mulf %parallel_loop3A_72, %parallel_loop3A_62 : vector<16xf32>
          %parallel_loop3A_74 = arith.index_cast %parallel_loop3A_54 : i32 to index
          %parallel_loop3A_75 = arith.constant 16 : index
          %parallel_loop3A_76 = tpu.vector_load %arg10[%parallel_loop3A_74, %parallel_loop3A_75] {strides = array<i32>} : memref<128x128xf32, #tpu.memory_space<vmem>>, vector<16xf32>,
          tpu.vector_store %arg10[%parallel_loop3A_74, %parallel_loop3A_75], %parallel_loop3A_73 {strides = array<i32>} : memref<128x128xf32, #tpu.memory_space<vmem>>, vector<16xf32>,
          %parallel_loop3A_77 = arith.index_cast %parallel_loop3A_54 : i32 to index
          %parallel_loop3A_78 = arith.constant 32 : index
          %parallel_loop3A_79 = tpu.vector_load %arg10[%parallel_loop3A_77, %parallel_loop3A_78] {strides = array<i32>} : memref<128x128xf32, #tpu.memory_space<vmem>>, vector<16xf32>,
          %parallel_loop3A_80 = arith.mulf %parallel_loop3A_79, %parallel_loop3A_62 : vector<16xf32>
          %parallel_loop3A_81 = arith.index_cast %parallel_loop3A_54 : i32 to index
          %parallel_loop3A_82 = arith.constant 32 : index
          %parallel_loop3A_83 = tpu.vector_load %arg10[%parallel_loop3A_81, %parallel_loop3A_82] {strides = array<i32>} : memref<128x128xf32, #tpu.memory_space<vmem>>, vector<16xf32>,
          tpu.vector_store %arg10[%parallel_loop3A_81, %parallel_loop3A_82], %parallel_loop3A_80 {strides = array<i32>} : memref<128x128xf32, #tpu.memory_space<vmem>>, vector<16xf32>,
          %parallel_loop3A_84 = arith.index_cast %parallel_loop3A_54 : i32 to index
          %parallel_loop3A_85 = arith.constant 48 : index
          %parallel_loop3A_86 = tpu.vector_load %arg10[%parallel_loop3A_84, %parallel_loop3A_85] {strides = array<i32>} : memref<128x128xf32, #tpu.memory_space<vmem>>, vector<16xf32>,
          %parallel_loop3A_87 = arith.mulf %parallel_loop3A_86, %parallel_loop3A_62 : vector<16xf32>
          %parallel_loop3A_88 = arith.index_cast %parallel_loop3A_54 : i32 to index
          %parallel_loop3A_89 = arith.constant 48 : index
          %parallel_loop3A_90 = tpu.vector_load %arg10[%parallel_loop3A_88, %parallel_loop3A_89] {strides = array<i32>} : memref<128x128xf32, #tpu.memory_space<vmem>>, vector<16xf32>,
          tpu.vector_store %arg10[%parallel_loop3A_88, %parallel_loop3A_89], %parallel_loop3A_87 {strides = array<i32>} : memref<128x128xf32, #tpu.memory_space<vmem>>, vector<16xf32>,
          %parallel_loop3A_91 = arith.index_cast %parallel_loop3A_54 : i32 to index
          %parallel_loop3A_92 = arith.constant 64 : index
          %parallel_loop3A_93 = tpu.vector_load %arg10[%parallel_loop3A_91, %parallel_loop3A_92] {strides = array<i32>} : memref<128x128xf32, #tpu.memory_space<vmem>>, vector<16xf32>,
          %parallel_loop3A_94 = arith.mulf %parallel_loop3A_93, %parallel_loop3A_62 : vector<16xf32>
          %parallel_loop3A_95 = arith.index_cast %parallel_loop3A_54 : i32 to index
          %parallel_loop3A_96 = arith.constant 64 : index
          %parallel_loop3A_97 = tpu.vector_load %arg10[%parallel_loop3A_95, %parallel_loop3A_96] {strides = array<i32>} : memref<128x128xf32, #tpu.memory_space<vmem>>, vector<16xf32>,
          tpu.vector_store %arg10[%parallel_loop3A_95, %parallel_loop3A_96], %parallel_loop3A_94 {strides = array<i32>} : memref<128x128xf32, #tpu.memory_space<vmem>>, vector<16xf32>,
          %parallel_loop3A_98 = arith.index_cast %parallel_loop3A_54 : i32 to index
          %parallel_loop3A_99 = arith.constant 80 : index
          %parallel_loop3A_100 = tpu.vector_load %arg10[%parallel_loop3A_98, %parallel_loop3A_99] {strides = array<i32>} : memref<128x128xf32, #tpu.memory_space<vmem>>, vector<16xf32>,
          %parallel_loop3A_101 = arith.mulf %parallel_loop3A_100, %parallel_loop3A_62 : vector<16xf32>
          %parallel_loop3A_102 = arith.index_cast %parallel_loop3A_54 : i32 to index
          %parallel_loop3A_103 = arith.constant 80 : index
          %parallel_loop3A_104 = tpu.vector_load %arg10[%parallel_loop3A_102, %parallel_loop3A_103] {strides = array<i32>} : memref<128x128xf32, #tpu.memory_space<vmem>>, vector<16xf32>,
          tpu.vector_store %arg10[%parallel_loop3A_102, %parallel_loop3A_103], %parallel_loop3A_101 {strides = array<i32>} : memref<128x128xf32, #tpu.memory_space<vmem>>, vector<16xf32>,
          %parallel_loop3A_105 = arith.index_cast %parallel_loop3A_54 : i32 to index
          %parallel_loop3A_106 = arith.constant 96 : index
          %parallel_loop3A_107 = tpu.vector_load %arg10[%parallel_loop3A_105, %parallel_loop3A_106] {strides = array<i32>} : memref<128x128xf32, #tpu.memory_space<vmem>>, vector<16xf32>,
          %parallel_loop3A_108 = arith.mulf %parallel_loop3A_107, %parallel_loop3A_62 : vector<16xf32>
          %parallel_loop3A_109 = arith.index_cast %parallel_loop3A_54 : i32 to index
          %parallel_loop3A_110 = arith.constant 96 : index
          %parallel_loop3A_111 = tpu.vector_load %arg10[%parallel_loop3A_109, %parallel_loop3A_110] {strides = array<i32>} : memref<128x128xf32, #tpu.memory_space<vmem>>, vector<16xf32>,
          tpu.vector_store %arg10[%parallel_loop3A_109, %parallel_loop3A_110], %parallel_loop3A_108 {strides = array<i32>} : memref<128x128xf32, #tpu.memory_space<vmem>>, vector<16xf32>,
          %parallel_loop3A_112 = arith.index_cast %parallel_loop3A_54 : i32 to index
          %parallel_loop3A_113 = arith.constant 112 : index
          %parallel_loop3A_114 = tpu.vector_load %arg10[%parallel_loop3A_112, %parallel_loop3A_113] {strides = array<i32>} : memref<128x128xf32, #tpu.memory_space<vmem>>, vector<16xf32>,
          %parallel_loop3A_115 = arith.mulf %parallel_loop3A_114, %parallel_loop3A_62 : vector<16xf32>
          %parallel_loop3A_116 = arith.index_cast %parallel_loop3A_54 : i32 to index
          %parallel_loop3A_117 = arith.constant 112 : index
          %parallel_loop3A_118 = tpu.vector_load %arg10[%parallel_loop3A_116, %parallel_loop3A_117] {strides = array<i32>} : memref<128x128xf32, #tpu.memory_space<vmem>>, vector<16xf32>,
          tpu.vector_store %arg10[%parallel_loop3A_116, %parallel_loop3A_117], %parallel_loop3A_115 {strides = array<i32>} : memref<128x128xf32, #tpu.memory_space<vmem>>, vector<16xf32>,
        } {sc.loop_unroll_factor = 4 : i64, sc.parallel_access}
        "tpu.region"() ({
          %run_scoped3A = tpu.sem_alloc : memref<!tpu.dma_semaphore, #tpu.memory_space<semaphore_mem>>
          %dma_start3A = arith.constant 0 : i32
          %dma_start3A_54 = tpu.memref_slice %arg8[%scan3A_49, %dma_start3A] : memref<20x128xi32, #tpu.memory_space<vmem>> -> memref<1x128xi32, #tpu.memory_space<vmem>>
          %dma_start3A_55 = tpu.memref_squeeze %dma_start3A_54 : memref<1x128xi32, #tpu.memory_space<vmem>> -> memref<128xi32, #tpu.memory_space<vmem>>
          %dma_start3A_56 = arith.constant 0 : i32
          %dma_start3A_57 = arith.constant 0 : i32
          %dma_start3A_58 = tpu.memref_slice %arg12[%dma_start3A_56, %dma_start3A_57] : memref<10240x128xf32, #tpu.memory_space<vmem_shared>> -> memref<10240x128xf32, #tpu.memory_space<vmem_shared>>
          tpu.enqueue_indirect_dma source(%arg10 : memref<128x128xf32, #tpu.memory_space<vmem>>) target(%dma_start3A_58 : memref<10240x128xf32, #tpu.memory_space<vmem_shared>>) offsets(%dma_start3A_55 : memref<128xi32, #tpu.memory_space<vmem>>) semaphore(%run_scoped3A : memref<!tpu.dma_semaphore, #tpu.memory_space<semaphore_mem>>) {add = true}
          %dma_wait3A = arith.constant 0 : i32
          %dma_wait3A_59 = tpu.memref_slice %arg8[%scan3A_49, %dma_wait3A] : memref<20x128xi32, #tpu.memory_space<vmem>> -> memref<1x128xi32, #tpu.memory_space<vmem>>
          %dma_wait3A_60 = tpu.memref_squeeze %dma_wait3A_59 : memref<1x128xi32, #tpu.memory_space<vmem>> -> memref<128xi32, #tpu.memory_space<vmem>>
          %dma_wait3A_61 = arith.constant 0 : i32
          %dma_wait3A_62 = arith.constant 0 : i32
          %dma_wait3A_63 = tpu.memref_slice %arg12[%dma_wait3A_61, %dma_wait3A_62] : memref<10240x128xf32, #tpu.memory_space<vmem_shared>> -> memref<10240x128xf32, #tpu.memory_space<vmem_shared>>
          tpu.wait_indirect_dma semaphore(%run_scoped3A : memref<!tpu.dma_semaphore, #tpu.memory_space<semaphore_mem>>) src(%arg10 : memref<128x128xf32, #tpu.memory_space<vmem>>) dst(%dma_wait3A_63 : memref<10240x128xf32, #tpu.memory_space<vmem_shared>>)
          tpu.yield
        }) : () -> ()
        %scan3A_53 = arith.constant 0 : i32
        scf.yield %scan3A_53 : i32
      }
      %scan3A_47 = arith.constant 20 : i32
      %scan3A_48 = arith.constant 0 : i32
      scf.yield %scan3A_48 : i32
    }
    %scan3A_33 = arith.constant 4 : i32
    %barrier3A_34 = arith.constant 0 : index
    tpu.barrier barrier_id(%barrier3A_34)
    %mul3A_35 = arith.constant 640 : i32
    %mul3A_36 = arith.muli %arg1, %mul3A_35 : i32
    %mul3A_37 = arith.constant 640 : i32
    %mul3A_38 = arith.muli %arg1, %mul3A_37 : i32
    "tpu.region"() ({
      %run_scoped3A = tpu.sem_alloc : memref<!tpu.dma_semaphore, #tpu.memory_space<semaphore_mem>>
      %dma_start3A = arith.constant 0 : i32
      %dma_start3A_39 = tpu.memref_slice %arg6[%arg0, %mul3A_38, %dma_start3A] : memref<2x10240x128xf32, #tpu.memory_space<hbm>> -> memref<1x640x128xf32, #tpu.memory_space<hbm>>
      %dma_start3A_40 = tpu.memref_squeeze %dma_start3A_39 : memref<1x640x128xf32, #tpu.memory_space<hbm>> -> memref<640x128xf32, #tpu.memory_space<hbm>>
      %dma_start3A_41 = arith.constant 0 : i32
      %dma_start3A_42 = tpu.memref_slice %arg12[%mul3A_36, %dma_start3A_41] : memref<10240x128xf32, #tpu.memory_space<vmem_shared>> -> memref<640x128xf32, #tpu.memory_space<vmem_shared>>
      tpu.enqueue_dma source(%dma_start3A_42 : memref<640x128xf32, #tpu.memory_space<vmem_shared>>) target(%dma_start3A_40 : memref<640x128xf32, #tpu.memory_space<hbm>>) target_semaphore(%run_scoped3A : memref<!tpu.dma_semaphore, #tpu.memory_space<semaphore_mem>>)
      %dma_wait3A = arith.constant 0 : i32
      %dma_wait3A_43 = tpu.memref_slice %arg6[%arg0, %mul3A_38, %dma_wait3A] : memref<2x10240x128xf32, #tpu.memory_space<hbm>> -> memref<1x640x128xf32, #tpu.memory_space<hbm>>
      %dma_wait3A_44 = tpu.memref_squeeze %dma_wait3A_43 : memref<1x640x128xf32, #tpu.memory_space<hbm>> -> memref<640x128xf32, #tpu.memory_space<hbm>>
      %dma_wait3A_45 = arith.constant 0 : i32
      %dma_wait3A_46 = tpu.memref_slice %arg12[%mul3A_36, %dma_wait3A_45] : memref<10240x128xf32, #tpu.memory_space<vmem_shared>> -> memref<640x128xf32, #tpu.memory_space<vmem_shared>>
      tpu.wait_dma2 semaphore(%run_scoped3A : memref<!tpu.dma_semaphore, #tpu.memory_space<semaphore_mem>>) src(%dma_wait3A_46 : memref<640x128xf32, #tpu.memory_space<vmem_shared>>) dst(%dma_wait3A_44 : memref<640x128xf32, #tpu.memory_space<hbm>>)
      tpu.yield
    }) : () -> ()
    return
  }
}

module attributes {stable_mosaic.version = 14 : i64} {
  func.func @body(%arg0: i32, %arg1: memref<2x1024x128xf32, #tpu.memory_space<vmem>>, %arg2: memref<1024x128xf32, #tpu.memory_space<vmem>>, %arg3: memref<2x1024x16xf32, #tpu.memory_space<vmem>>, %arg4: memref<1x128xf32, #tpu.memory_space<vmem>>, %arg5: memref<1x128xf32, #tpu.memory_space<vmem>>, %arg6: memref<1x128xf32, #tpu.memory_space<vmem>>, %arg7: memref<128x128xf32, #tpu.memory_space<vmem>>, %arg8: memref<1024x128xf32, #tpu.memory_space<vmem>>) attributes {dimension_semantics = [#tpu.dimension_semantics<arbitrary>], iteration_bounds = array<i64: 10>, scalar_prefetch = 0 : i64, scratch_operands = 0 : i64, tpu.core_type = #tpu.core_type<tc>, window_params = [{transform_indices = @transform_0, window_bounds = array<i64: 2, 1024, 128>}, {transform_indices = @transform_1, window_bounds = array<i64: 1024, 128>}, {transform_indices = @transform_2, window_bounds = array<i64: 2, 1024, 16>}, {pipeline_mode = #tpu.pipeline_mode<synchronous>, transform_indices = @transform_3, window_bounds = array<i64: 1, 128>}, {pipeline_mode = #tpu.pipeline_mode<synchronous>, transform_indices = @transform_4, window_bounds = array<i64: 1, 128>}, {pipeline_mode = #tpu.pipeline_mode<synchronous>, transform_indices = @transform_5, window_bounds = array<i64: 1, 128>}, {pipeline_mode = #tpu.pipeline_mode<synchronous>, transform_indices = @transform_6, window_bounds = array<i64: 128, 128>}, {transform_indices = @transform_7, window_bounds = array<i64: 1024, 128>}]} {
    %get3A = arith.constant 0 : index
    %get3A_0 = arith.constant 0 : index
    %get3A_1 = arith.constant 0 : index
    %get3A_2 = vector.load %arg3[%get3A, %get3A_0, %get3A_1] : memref<2x1024x16xf32, #tpu.memory_space<vmem>>, vector<2x1024x16xf32>
    %slice3A = vector.extract_strided_slice %get3A_2 {offsets = [0, 0, 0], sizes = [1, 1024, 1], strides = [1, 1, 1]} : vector<2x1024x16xf32> to vector<1x1024x1xf32>
    %squeeze3A = vector.shape_cast %slice3A : vector<1x1024x1xf32> to vector<1024x1xf32>
    %add3A = arith.constant 1.000000e+00 : f32
    %add3A_3 = vector.broadcast %add3A : f32 to vector<1024x1xf32>
    %add3A_4 = arith.addf %add3A_3, %squeeze3A : vector<1024x1xf32>
    %slice3A_5 = vector.extract_strided_slice %get3A_2 {offsets = [1, 0, 0], sizes = [1, 1024, 1], strides = [1, 1, 1]} : vector<2x1024x16xf32> to vector<1x1024x1xf32>
    %squeeze3A_6 = vector.shape_cast %slice3A_5 : vector<1x1024x1xf32> to vector<1024x1xf32>
    %add3A_7 = arith.addf %add3A_4, %squeeze3A_6 : vector<1024x1xf32>
    %rsqrt3A = math.rsqrt %add3A_7 : vector<1024x1xf32>
    %get3A_8 = arith.constant 0 : index
    %get3A_9 = arith.constant 0 : index
    %get3A_10 = arith.constant 0 : index
    %get3A_11 = vector.load %arg1[%get3A_8, %get3A_9, %get3A_10] : memref<2x1024x128xf32, #tpu.memory_space<vmem>>, vector<1x1024x128xf32>
    %get3A_12 = vector.shape_cast %get3A_11 : vector<1x1024x128xf32> to vector<1024x128xf32>
    %get3A_13 = arith.constant 1 : index
    %get3A_14 = arith.constant 0 : index
    %get3A_15 = arith.constant 0 : index
    %get3A_16 = vector.load %arg1[%get3A_13, %get3A_14, %get3A_15] : memref<2x1024x128xf32, #tpu.memory_space<vmem>>, vector<1x1024x128xf32>
    %get3A_17 = vector.shape_cast %get3A_16 : vector<1x1024x128xf32> to vector<1024x128xf32>
    %add3A_18 = arith.addf %get3A_12, %get3A_17 : vector<1024x128xf32>
    %get3A_19 = arith.constant 0 : index
    %get3A_20 = arith.constant 0 : index
    %get3A_21 = vector.load %arg2[%get3A_19, %get3A_20] : memref<1024x128xf32, #tpu.memory_space<vmem>>, vector<1024x128xf32>
    %add3A_22 = arith.addf %add3A_18, %get3A_21 : vector<1024x128xf32>
    %mul3A = vector.broadcast %rsqrt3A : vector<1024x1xf32> to vector<1024x128xf32>
    %mul3A_23 = arith.mulf %mul3A, %add3A_22 : vector<1024x128xf32>
    %get3A_24 = arith.constant 0 : index
    %get3A_25 = arith.constant 0 : index
    %get3A_26 = vector.load %arg4[%get3A_24, %get3A_25] : memref<1x128xf32, #tpu.memory_space<vmem>>, vector<1x128xf32>
    %add3A_27 = vector.broadcast %get3A_26 : vector<1x128xf32> to vector<1024x128xf32>
    %add3A_28 = arith.addf %mul3A_23, %add3A_27 : vector<1024x128xf32>
    %max3A = arith.constant 0.000000e+00 : f32
    %max3A_29 = vector.broadcast %max3A : f32 to vector<1024x128xf32>
    %max3A_30 = arith.maximumf %add3A_28, %max3A_29 : vector<1024x128xf32>
    %get3A_31 = arith.constant 0 : index
    %get3A_32 = arith.constant 0 : index
    %get3A_33 = vector.load %arg5[%get3A_31, %get3A_32] : memref<1x128xf32, #tpu.memory_space<vmem>>, vector<1x128xf32>
    %get3A_34 = arith.constant 0 : index
    %get3A_35 = arith.constant 0 : index
    %get3A_36 = vector.load %arg6[%get3A_34, %get3A_35] : memref<1x128xf32, #tpu.memory_space<vmem>>, vector<1x128xf32>
    %reduce_sum3A = arith.constant dense<0.000000e+00> : vector<1024xf32>
    %reduce_sum3A_37 = vector.multi_reduction <add>, %max3A_30, %reduce_sum3A [1] : vector<1024x128xf32> to vector<1024xf32>
    %broadcast_in_dim3A = vector.shape_cast %reduce_sum3A_37 : vector<1024xf32> to vector<1024x1xf32>
    %div3A = arith.constant 1.280000e+02 : f32
    %div3A_38 = vector.broadcast %div3A : f32 to vector<1024x1xf32>
    %div3A_39 = arith.divf %broadcast_in_dim3A, %div3A_38 : vector<1024x1xf32>
    %sub3A = vector.broadcast %div3A_39 : vector<1024x1xf32> to vector<1024x128xf32>
    %sub3A_40 = arith.subf %max3A_30, %sub3A : vector<1024x128xf32>
    %integer_pow3A = arith.mulf %sub3A_40, %sub3A_40 : vector<1024x128xf32>
    %reduce_sum3A_41 = arith.constant dense<0.000000e+00> : vector<1024xf32>
    %reduce_sum3A_42 = vector.multi_reduction <add>, %integer_pow3A, %reduce_sum3A_41 [1] : vector<1024x128xf32> to vector<1024xf32>
    %broadcast_in_dim3A_43 = vector.shape_cast %reduce_sum3A_42 : vector<1024xf32> to vector<1024x1xf32>
    %div3A_44 = arith.constant 1.280000e+02 : f32
    %div3A_45 = vector.broadcast %div3A_44 : f32 to vector<1024x1xf32>
    %div3A_46 = arith.divf %broadcast_in_dim3A_43, %div3A_45 : vector<1024x1xf32>
    %sub3A_47 = vector.broadcast %div3A_39 : vector<1024x1xf32> to vector<1024x128xf32>
    %sub3A_48 = arith.subf %max3A_30, %sub3A_47 : vector<1024x128xf32>
    %add3A_49 = arith.constant 9.99999974E-6 : f32
    %add3A_50 = vector.broadcast %add3A_49 : f32 to vector<1024x1xf32>
    %add3A_51 = arith.addf %div3A_46, %add3A_50 : vector<1024x1xf32>
    %sqrt3A = math.sqrt %add3A_51 : vector<1024x1xf32>
    %div3A_52 = vector.broadcast %sqrt3A : vector<1024x1xf32> to vector<1024x128xf32>
    %div3A_53 = arith.divf %sub3A_48, %div3A_52 : vector<1024x128xf32>
    %mul3A_54 = vector.broadcast %get3A_33 : vector<1x128xf32> to vector<1024x128xf32>
    %mul3A_55 = arith.mulf %div3A_53, %mul3A_54 : vector<1024x128xf32>
    %add3A_56 = vector.broadcast %get3A_36 : vector<1x128xf32> to vector<1024x128xf32>
    %add3A_57 = arith.addf %mul3A_55, %add3A_56 : vector<1024x128xf32>
    %get3A_58 = arith.constant 0 : index
    %get3A_59 = arith.constant 0 : index
    %get3A_60 = vector.load %arg7[%get3A_58, %get3A_59] : memref<128x128xf32, #tpu.memory_space<vmem>>, vector<128x128xf32>
    %dot_general3A = arith.constant dense<0.000000e+00> : vector<1024x128xf32>
    %dot_general3A_61 = tpu.matmul %add3A_57, %get3A_60, %dot_general3A {dimension_numbers = #tpu.dot_dimension_numbers<[1], [0], [0], [1], [0, 0, 1, 1], [], []>, precision = #tpu.contract_precision<fp32>, transpose_lhs_hint = false} : vector<1024x128xf32>, vector<128x128xf32>, vector<1024x128xf32> -> vector<1024x128xf32>
    %mul3A_62 = vector.broadcast %rsqrt3A : vector<1024x1xf32> to vector<1024x128xf32>
    %mul3A_63 = arith.mulf %mul3A_62, %dot_general3A_61 : vector<1024x128xf32>
    %swap3A = arith.constant 0 : index
    %swap3A_64 = arith.constant 0 : index
    %swap3A_65 = vector.load %arg8[%swap3A, %swap3A_64] : memref<1024x128xf32, #tpu.memory_space<vmem>>, vector<1024x128xf32>
    tpu.vector_store %arg8[%swap3A, %swap3A_64], %mul3A_63 {strides = array<i32>} : memref<1024x128xf32, #tpu.memory_space<vmem>>, vector<1024x128xf32>,
    return
  }
  func.func @transform_0(%arg0: i32) -> (i32, i32, i32) {
    %c0_i32 = arith.constant 0 : i32
    %c0_i32_0 = arith.constant 0 : i32
    %c0_i32_1 = arith.constant 0 : i32
    return %c0_i32, %arg0, %c0_i32_0 : i32, i32, i32
  }
  func.func @transform_1(%arg0: i32) -> (i32, i32) {
    %c0_i32 = arith.constant 0 : i32
    %c0_i32_0 = arith.constant 0 : i32
    return %arg0, %c0_i32 : i32, i32
  }
  func.func @transform_2(%arg0: i32) -> (i32, i32, i32) {
    %c0_i32 = arith.constant 0 : i32
    %c0_i32_0 = arith.constant 0 : i32
    %c0_i32_1 = arith.constant 0 : i32
    return %c0_i32, %arg0, %c0_i32_0 : i32, i32, i32
  }
  func.func @transform_3(%arg0: i32) -> (i32, i32) {
    %c0_i32 = arith.constant 0 : i32
    %c0_i32_0 = arith.constant 0 : i32
    %c0_i32_1 = arith.constant 0 : i32
    return %c0_i32, %c0_i32_0 : i32, i32
  }
  func.func @transform_4(%arg0: i32) -> (i32, i32) {
    %c0_i32 = arith.constant 0 : i32
    %c0_i32_0 = arith.constant 0 : i32
    %c0_i32_1 = arith.constant 0 : i32
    return %c0_i32, %c0_i32_0 : i32, i32
  }
  func.func @transform_5(%arg0: i32) -> (i32, i32) {
    %c0_i32 = arith.constant 0 : i32
    %c0_i32_0 = arith.constant 0 : i32
    %c0_i32_1 = arith.constant 0 : i32
    return %c0_i32, %c0_i32_0 : i32, i32
  }
  func.func @transform_6(%arg0: i32) -> (i32, i32) {
    %c0_i32 = arith.constant 0 : i32
    %c0_i32_0 = arith.constant 0 : i32
    %c0_i32_1 = arith.constant 0 : i32
    return %c0_i32, %c0_i32_0 : i32, i32
  }
  func.func @transform_7(%arg0: i32) -> (i32, i32) {
    %c0_i32 = arith.constant 0 : i32
    %c0_i32_0 = arith.constant 0 : i32
    return %arg0, %c0_i32 : i32, i32
  }
}

module attributes {stable_mosaic.version = 14 : i64} {
  func.func @body(%arg0: i32, %arg1: memref<1024x128xf32, #tpu.memory_space<vmem>>, %arg2: memref<2x1024x16xf32, #tpu.memory_space<vmem>>, %arg3: memref<1x128xf32, #tpu.memory_space<vmem>>, %arg4: memref<1x128xf32, #tpu.memory_space<vmem>>, %arg5: memref<128x128xf32, #tpu.memory_space<vmem>>, %arg6: memref<1024x128xf32, #tpu.memory_space<vmem>>) attributes {dimension_semantics = [#tpu.dimension_semantics<arbitrary>], iteration_bounds = array<i64: 10>, scalar_prefetch = 0 : i64, scratch_operands = 0 : i64, tpu.core_type = #tpu.core_type<tc>, window_params = [{transform_indices = @transform_0, window_bounds = array<i64: 1024, 128>}, {transform_indices = @transform_1, window_bounds = array<i64: 2, 1024, 16>}, {pipeline_mode = #tpu.pipeline_mode<synchronous>, transform_indices = @transform_2, window_bounds = array<i64: 1, 128>}, {pipeline_mode = #tpu.pipeline_mode<synchronous>, transform_indices = @transform_3, window_bounds = array<i64: 1, 128>}, {pipeline_mode = #tpu.pipeline_mode<synchronous>, transform_indices = @transform_4, window_bounds = array<i64: 128, 128>}, {transform_indices = @transform_5, window_bounds = array<i64: 1024, 128>}]} {
    %get3A = arith.constant 0 : index
    %get3A_0 = arith.constant 0 : index
    %get3A_1 = arith.constant 0 : index
    %get3A_2 = vector.load %arg2[%get3A, %get3A_0, %get3A_1] : memref<2x1024x16xf32, #tpu.memory_space<vmem>>, vector<2x1024x16xf32>
    %slice3A = vector.extract_strided_slice %get3A_2 {offsets = [0, 0, 0], sizes = [1, 1024, 1], strides = [1, 1, 1]} : vector<2x1024x16xf32> to vector<1x1024x1xf32>
    %squeeze3A = vector.shape_cast %slice3A : vector<1x1024x1xf32> to vector<1024x1xf32>
    %add3A = arith.constant 1.000000e+00 : f32
    %add3A_3 = vector.broadcast %add3A : f32 to vector<1024x1xf32>
    %add3A_4 = arith.addf %add3A_3, %squeeze3A : vector<1024x1xf32>
    %slice3A_5 = vector.extract_strided_slice %get3A_2 {offsets = [1, 0, 0], sizes = [1, 1024, 1], strides = [1, 1, 1]} : vector<2x1024x16xf32> to vector<1x1024x1xf32>
    %squeeze3A_6 = vector.shape_cast %slice3A_5 : vector<1x1024x1xf32> to vector<1024x1xf32>
    %add3A_7 = arith.addf %add3A_4, %squeeze3A_6 : vector<1024x1xf32>
    %rsqrt3A = math.rsqrt %add3A_7 : vector<1024x1xf32>
    %get3A_8 = arith.constant 0 : index
    %get3A_9 = arith.constant 0 : index
    %get3A_10 = vector.load %arg1[%get3A_8, %get3A_9] : memref<1024x128xf32, #tpu.memory_space<vmem>>, vector<1024x128xf32>
    %get3A_11 = arith.constant 0 : index
    %get3A_12 = arith.constant 0 : index
    %get3A_13 = vector.load %arg3[%get3A_11, %get3A_12] : memref<1x128xf32, #tpu.memory_space<vmem>>, vector<1x128xf32>
    %get3A_14 = arith.constant 0 : index
    %get3A_15 = arith.constant 0 : index
    %get3A_16 = vector.load %arg4[%get3A_14, %get3A_15] : memref<1x128xf32, #tpu.memory_space<vmem>>, vector<1x128xf32>
    %reduce_sum3A = arith.constant dense<0.000000e+00> : vector<1024xf32>
    %reduce_sum3A_17 = vector.multi_reduction <add>, %get3A_10, %reduce_sum3A [1] : vector<1024x128xf32> to vector<1024xf32>
    %broadcast_in_dim3A = vector.shape_cast %reduce_sum3A_17 : vector<1024xf32> to vector<1024x1xf32>
    %div3A = arith.constant 1.280000e+02 : f32
    %div3A_18 = vector.broadcast %div3A : f32 to vector<1024x1xf32>
    %div3A_19 = arith.divf %broadcast_in_dim3A, %div3A_18 : vector<1024x1xf32>
    %sub3A = vector.broadcast %div3A_19 : vector<1024x1xf32> to vector<1024x128xf32>
    %sub3A_20 = arith.subf %get3A_10, %sub3A : vector<1024x128xf32>
    %integer_pow3A = arith.mulf %sub3A_20, %sub3A_20 : vector<1024x128xf32>
    %reduce_sum3A_21 = arith.constant dense<0.000000e+00> : vector<1024xf32>
    %reduce_sum3A_22 = vector.multi_reduction <add>, %integer_pow3A, %reduce_sum3A_21 [1] : vector<1024x128xf32> to vector<1024xf32>
    %broadcast_in_dim3A_23 = vector.shape_cast %reduce_sum3A_22 : vector<1024xf32> to vector<1024x1xf32>
    %div3A_24 = arith.constant 1.280000e+02 : f32
    %div3A_25 = vector.broadcast %div3A_24 : f32 to vector<1024x1xf32>
    %div3A_26 = arith.divf %broadcast_in_dim3A_23, %div3A_25 : vector<1024x1xf32>
    %sub3A_27 = vector.broadcast %div3A_19 : vector<1024x1xf32> to vector<1024x128xf32>
    %sub3A_28 = arith.subf %get3A_10, %sub3A_27 : vector<1024x128xf32>
    %add3A_29 = arith.constant 9.99999974E-6 : f32
    %add3A_30 = vector.broadcast %add3A_29 : f32 to vector<1024x1xf32>
    %add3A_31 = arith.addf %div3A_26, %add3A_30 : vector<1024x1xf32>
    %sqrt3A = math.sqrt %add3A_31 : vector<1024x1xf32>
    %div3A_32 = vector.broadcast %sqrt3A : vector<1024x1xf32> to vector<1024x128xf32>
    %div3A_33 = arith.divf %sub3A_28, %div3A_32 : vector<1024x128xf32>
    %mul3A = vector.broadcast %get3A_13 : vector<1x128xf32> to vector<1024x128xf32>
    %mul3A_34 = arith.mulf %div3A_33, %mul3A : vector<1024x128xf32>
    %add3A_35 = vector.broadcast %get3A_16 : vector<1x128xf32> to vector<1024x128xf32>
    %add3A_36 = arith.addf %mul3A_34, %add3A_35 : vector<1024x128xf32>
    %get3A_37 = arith.constant 0 : index
    %get3A_38 = arith.constant 0 : index
    %get3A_39 = vector.load %arg5[%get3A_37, %get3A_38] : memref<128x128xf32, #tpu.memory_space<vmem>>, vector<128x128xf32>
    %dot_general3A = arith.constant dense<0.000000e+00> : vector<1024x128xf32>
    %dot_general3A_40 = tpu.matmul %add3A_36, %get3A_39, %dot_general3A {dimension_numbers = #tpu.dot_dimension_numbers<[1], [0], [0], [1], [0, 0, 1, 1], [], []>, precision = #tpu.contract_precision<fp32>, transpose_lhs_hint = false} : vector<1024x128xf32>, vector<128x128xf32>, vector<1024x128xf32> -> vector<1024x128xf32>
    %mul3A_41 = vector.broadcast %rsqrt3A : vector<1024x1xf32> to vector<1024x128xf32>
    %mul3A_42 = arith.mulf %mul3A_41, %dot_general3A_40 : vector<1024x128xf32>
    %swap3A = arith.constant 0 : index
    %swap3A_43 = arith.constant 0 : index
    %swap3A_44 = vector.load %arg6[%swap3A, %swap3A_43] : memref<1024x128xf32, #tpu.memory_space<vmem>>, vector<1024x128xf32>
    tpu.vector_store %arg6[%swap3A, %swap3A_43], %mul3A_42 {strides = array<i32>} : memref<1024x128xf32, #tpu.memory_space<vmem>>, vector<1024x128xf32>,
    return
  }
  func.func @transform_0(%arg0: i32) -> (i32, i32) {
    %c0_i32 = arith.constant 0 : i32
    %c0_i32_0 = arith.constant 0 : i32
    return %arg0, %c0_i32 : i32, i32
  }
  func.func @transform_1(%arg0: i32) -> (i32, i32, i32) {
    %c0_i32 = arith.constant 0 : i32
    %c0_i32_0 = arith.constant 0 : i32
    %c0_i32_1 = arith.constant 0 : i32
    return %c0_i32, %arg0, %c0_i32_0 : i32, i32, i32
  }
  func.func @transform_2(%arg0: i32) -> (i32, i32) {
    %c0_i32 = arith.constant 0 : i32
    %c0_i32_0 = arith.constant 0 : i32
    %c0_i32_1 = arith.constant 0 : i32
    return %c0_i32, %c0_i32_0 : i32, i32
  }
  func.func @transform_3(%arg0: i32) -> (i32, i32) {
    %c0_i32 = arith.constant 0 : i32
    %c0_i32_0 = arith.constant 0 : i32
    %c0_i32_1 = arith.constant 0 : i32
    return %c0_i32, %c0_i32_0 : i32, i32
  }
  func.func @transform_4(%arg0: i32) -> (i32, i32) {
    %c0_i32 = arith.constant 0 : i32
    %c0_i32_0 = arith.constant 0 : i32
    %c0_i32_1 = arith.constant 0 : i32
    return %c0_i32, %c0_i32_0 : i32, i32
  }
  func.func @transform_5(%arg0: i32) -> (i32, i32) {
    %c0_i32 = arith.constant 0 : i32
    %c0_i32_0 = arith.constant 0 : i32
    return %arg0, %c0_i32 : i32, i32
  }
}

module attributes {stable_mosaic.version = 14 : i64} {
  func.func @body(%arg0: i32, %arg1: memref<2x1024x128xf32, #tpu.memory_space<vmem>>, %arg2: memref<1024x128xf32, #tpu.memory_space<vmem>>, %arg3: memref<2x1024x16xf32, #tpu.memory_space<vmem>>, %arg4: memref<1x128xf32, #tpu.memory_space<vmem>>, %arg5: memref<1x1x1024xi32, #tpu.memory_space<vmem>>, %arg6: memref<128x128xf32, #tpu.memory_space<vmem>>, %arg7: memref<1x128xf32, #tpu.memory_space<vmem>>, %arg8: memref<128x128xf32, #tpu.memory_space<vmem>>, %arg9: memref<1x128xf32, #tpu.memory_space<vmem>>, %arg10: memref<64x128xf32, #tpu.memory_space<vmem>>, %arg11: memref<64x128xf32, #tpu.memory_space<vmem>>, %arg12: memref<64x1xf32, #tpu.memory_space<vmem>>) attributes {dimension_semantics = [#tpu.dimension_semantics<arbitrary>], iteration_bounds = array<i64: 10>, scalar_prefetch = 0 : i64, scratch_operands = 2 : i64, tpu.core_type = #tpu.core_type<tc>, window_params = [{transform_indices = @transform_0, window_bounds = array<i64: 2, 1024, 128>}, {transform_indices = @transform_1, window_bounds = array<i64: 1024, 128>}, {transform_indices = @transform_2, window_bounds = array<i64: 2, 1024, 16>}, {pipeline_mode = #tpu.pipeline_mode<synchronous>, transform_indices = @transform_3, window_bounds = array<i64: 1, 128>}, {transform_indices = @transform_4, window_bounds = array<i64: 1, 1, 1024>}, {pipeline_mode = #tpu.pipeline_mode<synchronous>, transform_indices = @transform_5, window_bounds = array<i64: 128, 128>}, {pipeline_mode = #tpu.pipeline_mode<synchronous>, transform_indices = @transform_6, window_bounds = array<i64: 1, 128>}, {pipeline_mode = #tpu.pipeline_mode<synchronous>, transform_indices = @transform_7, window_bounds = array<i64: 128, 128>}, {pipeline_mode = #tpu.pipeline_mode<synchronous>, transform_indices = @transform_8, window_bounds = array<i64: 1, 128>}, {pipeline_mode = #tpu.pipeline_mode<synchronous>, transform_indices = @transform_9, window_bounds = array<i64: 64, 128>}]} {
    %eq3A = arith.constant 0 : i32
    %eq3A_0 = arith.cmpi eq, %arg0, %eq3A : i32
    %convert_element_type3A = arith.extui %eq3A_0 : i1 to i32
    %cond3A = arith.constant 0 : i32
    %cond3A_1 = arith.cmpi ne, %convert_element_type3A, %cond3A : i32
    scf.if %cond3A_1 {
      %broadcast_in_dim3A_63 = arith.constant 0.000000e+00 : f32
      %broadcast_in_dim3A_64 = vector.broadcast %broadcast_in_dim3A_63 : f32 to vector<64x128xf32>
      %swap3A_65 = arith.constant 0 : index
      %swap3A_66 = arith.constant 0 : index
      %swap3A_67 = vector.load %arg11[%swap3A_65, %swap3A_66] : memref<64x128xf32, #tpu.memory_space<vmem>>, vector<64x128xf32>
      tpu.vector_store %arg11[%swap3A_65, %swap3A_66], %broadcast_in_dim3A_64 {strides = array<i32>} : memref<64x128xf32, #tpu.memory_space<vmem>>, vector<64x128xf32>,
      %broadcast_in_dim3A_68 = arith.constant 0.000000e+00 : f32
      %broadcast_in_dim3A_69 = vector.broadcast %broadcast_in_dim3A_68 : f32 to vector<64x1xf32>
      %swap3A_70 = arith.constant 0 : index
      %swap3A_71 = arith.constant 0 : index
      %swap3A_72 = vector.load %arg12[%swap3A_70, %swap3A_71] : memref<64x1xf32, #tpu.memory_space<vmem>>, vector<64x1xf32>
      tpu.vector_store %arg12[%swap3A_70, %swap3A_71], %broadcast_in_dim3A_69 {strides = array<i32>} : memref<64x1xf32, #tpu.memory_space<vmem>>, vector<64x1xf32>,
    } else {
    }
    %get3A = arith.constant 0 : index
    %get3A_2 = arith.constant 0 : index
    %get3A_3 = arith.constant 0 : index
    %get3A_4 = vector.load %arg3[%get3A, %get3A_2, %get3A_3] : memref<2x1024x16xf32, #tpu.memory_space<vmem>>, vector<2x1024x16xf32>
    %slice3A = vector.extract_strided_slice %get3A_4 {offsets = [0, 0, 0], sizes = [1, 1024, 1], strides = [1, 1, 1]} : vector<2x1024x16xf32> to vector<1x1024x1xf32>
    %squeeze3A = vector.shape_cast %slice3A : vector<1x1024x1xf32> to vector<1024x1xf32>
    %add3A = arith.constant 1.000000e+00 : f32
    %add3A_5 = vector.broadcast %add3A : f32 to vector<1024x1xf32>
    %add3A_6 = arith.addf %add3A_5, %squeeze3A : vector<1024x1xf32>
    %slice3A_7 = vector.extract_strided_slice %get3A_4 {offsets = [1, 0, 0], sizes = [1, 1024, 1], strides = [1, 1, 1]} : vector<2x1024x16xf32> to vector<1x1024x1xf32>
    %squeeze3A_8 = vector.shape_cast %slice3A_7 : vector<1x1024x1xf32> to vector<1024x1xf32>
    %add3A_9 = arith.addf %add3A_6, %squeeze3A_8 : vector<1024x1xf32>
    %rsqrt3A = math.rsqrt %add3A_9 : vector<1024x1xf32>
    %get3A_10 = arith.constant 0 : index
    %get3A_11 = arith.constant 0 : index
    %get3A_12 = arith.constant 0 : index
    %get3A_13 = vector.load %arg1[%get3A_10, %get3A_11, %get3A_12] : memref<2x1024x128xf32, #tpu.memory_space<vmem>>, vector<1x1024x128xf32>
    %get3A_14 = vector.shape_cast %get3A_13 : vector<1x1024x128xf32> to vector<1024x128xf32>
    %get3A_15 = arith.constant 1 : index
    %get3A_16 = arith.constant 0 : index
    %get3A_17 = arith.constant 0 : index
    %get3A_18 = vector.load %arg1[%get3A_15, %get3A_16, %get3A_17] : memref<2x1024x128xf32, #tpu.memory_space<vmem>>, vector<1x1024x128xf32>
    %get3A_19 = vector.shape_cast %get3A_18 : vector<1x1024x128xf32> to vector<1024x128xf32>
    %add3A_20 = arith.addf %get3A_14, %get3A_19 : vector<1024x128xf32>
    %get3A_21 = arith.constant 0 : index
    %get3A_22 = arith.constant 0 : index
    %get3A_23 = vector.load %arg2[%get3A_21, %get3A_22] : memref<1024x128xf32, #tpu.memory_space<vmem>>, vector<1024x128xf32>
    %add3A_24 = arith.addf %add3A_20, %get3A_23 : vector<1024x128xf32>
    %mul3A = vector.broadcast %rsqrt3A : vector<1024x1xf32> to vector<1024x128xf32>
    %mul3A_25 = arith.mulf %mul3A, %add3A_24 : vector<1024x128xf32>
    %get3A_26 = arith.constant 0 : index
    %get3A_27 = arith.constant 0 : index
    %get3A_28 = vector.load %arg4[%get3A_26, %get3A_27] : memref<1x128xf32, #tpu.memory_space<vmem>>, vector<1x128xf32>
    %add3A_29 = vector.broadcast %get3A_28 : vector<1x128xf32> to vector<1024x128xf32>
    %add3A_30 = arith.addf %mul3A_25, %add3A_29 : vector<1024x128xf32>
    %max3A = arith.constant 0.000000e+00 : f32
    %max3A_31 = vector.broadcast %max3A : f32 to vector<1024x128xf32>
    %max3A_32 = arith.maximumf %add3A_30, %max3A_31 : vector<1024x128xf32>
    %get3A_33 = arith.constant 0 : index
    %get3A_34 = arith.constant 0 : index
    %get3A_35 = arith.constant 0 : index
    %get3A_36 = vector.load %arg5[%get3A_33, %get3A_34, %get3A_35] : memref<1x1x1024xi32, #tpu.memory_space<vmem>>, vector<1x1x1024xi32>
    %get3A_37 = vector.shape_cast %get3A_36 : vector<1x1x1024xi32> to vector<1x1024xi32>
    %iota3A = tpu.iota {dimensions = array<i32: 0>} : vector<64x1024xi32>
    %eq3A_38 = vector.broadcast %get3A_37 : vector<1x1024xi32> to vector<64x1024xi32>
    %eq3A_39 = arith.cmpi eq, %iota3A, %eq3A_38 : vector<64x1024xi32>
    %jit3A = arith.constant 1.000000e+00 : f32
    %jit3A_40 = arith.constant 0.000000e+00 : f32
    %broadcast_in_dim3A = vector.broadcast %jit3A : f32 to vector<64x1024xf32>
    %broadcast_in_dim3A_41 = vector.broadcast %jit3A_40 : f32 to vector<64x1024xf32>
    %select_n3A = arith.select %eq3A_39, %broadcast_in_dim3A, %broadcast_in_dim3A_41 : vector<64x1024xi1>, vector<64x1024xf32>
    %get3A_42 = arith.constant 0 : index
    %get3A_43 = arith.constant 0 : index
    %get3A_44 = vector.load %arg11[%get3A_42, %get3A_43] : memref<64x128xf32, #tpu.memory_space<vmem>>, vector<64x128xf32>
    %dot_general3A = arith.constant dense<0.000000e+00> : vector<64x128xf32>
    %dot_general3A_45 = tpu.matmul %select_n3A, %max3A_32, %dot_general3A {dimension_numbers = #tpu.dot_dimension_numbers<[1], [0], [0], [1], [0, 0, 1, 1], [], []>, precision = #tpu.contract_precision<fp32>, transpose_lhs_hint = false} : vector<64x1024xf32>, vector<1024x128xf32>, vector<64x128xf32> -> vector<64x128xf32>
    %add3A_46 = arith.addf %get3A_44, %dot_general3A_45 : vector<64x128xf32>
    %swap3A = arith.constant 0 : index
    %swap3A_47 = arith.constant 0 : index
    %swap3A_48 = vector.load %arg11[%swap3A, %swap3A_47] : memref<64x128xf32, #tpu.memory_space<vmem>>, vector<64x128xf32>
    tpu.vector_store %arg11[%swap3A, %swap3A_47], %add3A_46 {strides = array<i32>} : memref<64x128xf32, #tpu.memory_space<vmem>>, vector<64x128xf32>,
    %get3A_49 = arith.constant 0 : index
    %get3A_50 = arith.constant 0 : index
    %get3A_51 = vector.load %arg12[%get3A_49, %get3A_50] : memref<64x1xf32, #tpu.memory_space<vmem>>, vector<64x1xf32>
    %reduce_sum3A = arith.constant dense<0.000000e+00> : vector<64xf32>
    %reduce_sum3A_52 = vector.multi_reduction <add>, %select_n3A, %reduce_sum3A [1] : vector<64x1024xf32> to vector<64xf32>
    %broadcast_in_dim3A_53 = vector.shape_cast %reduce_sum3A_52 : vector<64xf32> to vector<64x1xf32>
    %add3A_54 = arith.addf %get3A_51, %broadcast_in_dim3A_53 : vector<64x1xf32>
    %swap3A_55 = arith.constant 0 : index
    %swap3A_56 = arith.constant 0 : index
    %swap3A_57 = vector.load %arg12[%swap3A_55, %swap3A_56] : memref<64x1xf32, #tpu.memory_space<vmem>>, vector<64x1xf32>
    tpu.vector_store %arg12[%swap3A_55, %swap3A_56], %add3A_54 {strides = array<i32>} : memref<64x1xf32, #tpu.memory_space<vmem>>, vector<64x1xf32>,
    %eq3A_58 = arith.constant 9 : i32
    %eq3A_59 = arith.cmpi eq, %arg0, %eq3A_58 : i32
    %convert_element_type3A_60 = arith.extui %eq3A_59 : i1 to i32
    %cond3A_61 = arith.constant 0 : i32
    %cond3A_62 = arith.cmpi ne, %convert_element_type3A_60, %cond3A_61 : i32
    scf.if %cond3A_62 {
      %get3A_63 = arith.constant 0 : index
      %get3A_64 = arith.constant 0 : index
      %get3A_65 = vector.load %arg11[%get3A_63, %get3A_64] : memref<64x128xf32, #tpu.memory_space<vmem>>, vector<64x128xf32>
      %get3A_66 = arith.constant 0 : index
      %get3A_67 = arith.constant 0 : index
      %get3A_68 = vector.load %arg12[%get3A_66, %get3A_67] : memref<64x1xf32, #tpu.memory_space<vmem>>, vector<64x1xf32>
      %max3A_69 = arith.constant 1.000000e+00 : f32
      %max3A_70 = vector.broadcast %max3A_69 : f32 to vector<64x1xf32>
      %max3A_71 = arith.maximumf %get3A_68, %max3A_70 : vector<64x1xf32>
      %div3A = vector.broadcast %max3A_71 : vector<64x1xf32> to vector<64x128xf32>
      %div3A_72 = arith.divf %get3A_65, %div3A : vector<64x128xf32>
      %get3A_73 = arith.constant 0 : index
      %get3A_74 = arith.constant 0 : index
      %get3A_75 = vector.load %arg6[%get3A_73, %get3A_74] : memref<128x128xf32, #tpu.memory_space<vmem>>, vector<128x128xf32>
      %dot_general3A_76 = arith.constant dense<0.000000e+00> : vector<64x128xf32>
      %dot_general3A_77 = tpu.matmul %div3A_72, %get3A_75, %dot_general3A_76 {dimension_numbers = #tpu.dot_dimension_numbers<[1], [0], [0], [1], [0, 0, 1, 1], [], []>, precision = #tpu.contract_precision<fp32>, transpose_lhs_hint = false} : vector<64x128xf32>, vector<128x128xf32>, vector<64x128xf32> -> vector<64x128xf32>
      %get3A_78 = arith.constant 0 : index
      %get3A_79 = arith.constant 0 : index
      %get3A_80 = vector.load %arg7[%get3A_78, %get3A_79] : memref<1x128xf32, #tpu.memory_space<vmem>>, vector<1x128xf32>
      %add3A_81 = vector.broadcast %get3A_80 : vector<1x128xf32> to vector<64x128xf32>
      %add3A_82 = arith.addf %dot_general3A_77, %add3A_81 : vector<64x128xf32>
      %max3A_83 = arith.constant 0.000000e+00 : f32
      %max3A_84 = vector.broadcast %max3A_83 : f32 to vector<64x128xf32>
      %max3A_85 = arith.maximumf %add3A_82, %max3A_84 : vector<64x128xf32>
      %get3A_86 = arith.constant 0 : index
      %get3A_87 = arith.constant 0 : index
      %get3A_88 = vector.load %arg8[%get3A_86, %get3A_87] : memref<128x128xf32, #tpu.memory_space<vmem>>, vector<128x128xf32>
      %dot_general3A_89 = arith.constant dense<0.000000e+00> : vector<64x128xf32>
      %dot_general3A_90 = tpu.matmul %max3A_85, %get3A_88, %dot_general3A_89 {dimension_numbers = #tpu.dot_dimension_numbers<[1], [0], [0], [1], [0, 0, 1, 1], [], []>, precision = #tpu.contract_precision<fp32>, transpose_lhs_hint = false} : vector<64x128xf32>, vector<128x128xf32>, vector<64x128xf32> -> vector<64x128xf32>
      %get3A_91 = arith.constant 0 : index
      %get3A_92 = arith.constant 0 : index
      %get3A_93 = vector.load %arg9[%get3A_91, %get3A_92] : memref<1x128xf32, #tpu.memory_space<vmem>>, vector<1x128xf32>
      %add3A_94 = vector.broadcast %get3A_93 : vector<1x128xf32> to vector<64x128xf32>
      %add3A_95 = arith.addf %dot_general3A_90, %add3A_94 : vector<64x128xf32>
      %swap3A_96 = arith.constant 0 : index
      %swap3A_97 = arith.constant 0 : index
      %swap3A_98 = vector.load %arg10[%swap3A_96, %swap3A_97] : memref<64x128xf32, #tpu.memory_space<vmem>>, vector<64x128xf32>
      tpu.vector_store %arg10[%swap3A_96, %swap3A_97], %add3A_95 {strides = array<i32>} : memref<64x128xf32, #tpu.memory_space<vmem>>, vector<64x128xf32>,
    } else {
    }
    return
  }
  func.func @transform_0(%arg0: i32) -> (i32, i32, i32) {
    %c0_i32 = arith.constant 0 : i32
    %c0_i32_0 = arith.constant 0 : i32
    %c0_i32_1 = arith.constant 0 : i32
    return %c0_i32, %arg0, %c0_i32_0 : i32, i32, i32
  }
  func.func @transform_1(%arg0: i32) -> (i32, i32) {
    %c0_i32 = arith.constant 0 : i32
    %c0_i32_0 = arith.constant 0 : i32
    return %arg0, %c0_i32 : i32, i32
  }
  func.func @transform_2(%arg0: i32) -> (i32, i32, i32) {
    %c0_i32 = arith.constant 0 : i32
    %c0_i32_0 = arith.constant 0 : i32
    %c0_i32_1 = arith.constant 0 : i32
    return %c0_i32, %arg0, %c0_i32_0 : i32, i32, i32
  }
  func.func @transform_3(%arg0: i32) -> (i32, i32) {
    %c0_i32 = arith.constant 0 : i32
    %c0_i32_0 = arith.constant 0 : i32
    %c0_i32_1 = arith.constant 0 : i32
    return %c0_i32, %c0_i32_0 : i32, i32
  }
  func.func @transform_4(%arg0: i32) -> (i32, i32, i32) {
    %c0_i32 = arith.constant 0 : i32
    %c0_i32_0 = arith.constant 0 : i32
    %c0_i32_1 = arith.constant 0 : i32
    return %arg0, %c0_i32, %c0_i32_0 : i32, i32, i32
  }
  func.func @transform_5(%arg0: i32) -> (i32, i32) {
    %c0_i32 = arith.constant 0 : i32
    %c0_i32_0 = arith.constant 0 : i32
    %c0_i32_1 = arith.constant 0 : i32
    return %c0_i32, %c0_i32_0 : i32, i32
  }
  func.func @transform_6(%arg0: i32) -> (i32, i32) {
    %c0_i32 = arith.constant 0 : i32
    %c0_i32_0 = arith.constant 0 : i32
    %c0_i32_1 = arith.constant 0 : i32
    return %c0_i32, %c0_i32_0 : i32, i32
  }
  func.func @transform_7(%arg0: i32) -> (i32, i32) {
    %c0_i32 = arith.constant 0 : i32
    %c0_i32_0 = arith.constant 0 : i32
    %c0_i32_1 = arith.constant 0 : i32
    return %c0_i32, %c0_i32_0 : i32, i32
  }
  func.func @transform_8(%arg0: i32) -> (i32, i32) {
    %c0_i32 = arith.constant 0 : i32
    %c0_i32_0 = arith.constant 0 : i32
    %c0_i32_1 = arith.constant 0 : i32
    return %c0_i32, %c0_i32_0 : i32, i32
  }
  func.func @transform_9(%arg0: i32) -> (i32, i32) {
    %c0_i32 = arith.constant 0 : i32
    %c0_i32_0 = arith.constant 0 : i32
    %c0_i32_1 = arith.constant 0 : i32
    return %c0_i32, %c0_i32_0 : i32, i32
  }
}

</mosaic_0001>

<sc_bundles>
// kernel: kernel.11.cloned.1.call-start
scs
__scs_entry_jumppad:
0x0: {  	(pc) =	sbr.rel $0x88, $3  }
0x1: {  	(tag) =	ssettag $0x0;
	lr =	simm.s32 $0x1  }
0x2: {  	[smem:$0x3F90] =	sst lr;
	_ =	strace $0xD0000000  }
0x3: {  	_ = 	snop  }
0x4: {  	_ = 	snop  }
0x5: {  	_ = 	snop  }
0x6: {  	_ = 	snop  }
0x7: {  	_ = 	snop  }
__scs_overlays_trampoline_lowered:
0x8: {  	[smem:$0x3F9F] =	sst s0  }
0x9: {  	[smem:$0x3FA0] =	sst s1  }
0xa: {  	[smem:$0x3FA1] =	sst s2  }
0xb: {  	[smem:$0x3FA2] =	sst s3  }
0xc: {  	[smem:$0x3FA3] =	sst s4  }
0xd: {  	[smem:$0x3FA4] =	sst s5  }
0xe: {  	[smem:$0x3FA5] =	sst s6  }
0xf: {  	[smem:$0x3FA6] =	sst s7  }
0x10: {  	[smem:$0x3FA7] =	sst s8  }
0x11: {  	[smem:$0x3FA8] =	sst s9;
	s0 =	simm.s32 @!p0 $0x0  }
0x12: {  	s1 =	sld [smem:$0x3F8E];
	s0 =	simm.s32 @p0 $0x1  }
0x13: {  	[smem:$0x3FA9] =	sst s0;
	s0 =	simm.s32 @!p1 $0x0  }
0x14: {  	s2 =	sld [smem:$0x3F8D];
	s0 =	simm.s32 @p1 $0x1  }
0x15: {  	[smem:$0x3FAA] =	sst s0;
	s0 =	simm.s32 @!p2 $0x0  }
0x16: {  	s3 =	sld [smem:$0x3FDB];
	s0 =	simm.s32 @p2 $0x1  }
0x17: {  	s4 =	simm.s32 $0x1BF5;
	[smem:$0x3FAC] =	sst s0  }
0x18: {  	s0 =	sld [smem:$0x3F8F];
	_ =	swait.ge [sflag:s4], $0x0  }
0x19: {  	s7 =	sld [smem:$0x3F90]  }
0x1a: {  	s8 =	sadd.s32 $0xFFFFE003, lr  }
0x1b: {  	s9 =	sadd.s32 $0xFFFFFEF7, lr;
	s5 =	simm.s32 $0xFFFFFFFF;
	p2 =	slt.u32 s8, $0xFFFFF086  }
0x1c: {  	p1 =	slt.u32 s9, $0xF7A;
	s5 =	simm.s32 @!p2 $0x0  }
0x1d: {  	s5 =	simm.s32 @p1 $0x1;
	p0 =	seq.s32 s7, s2  }
0x1e: {  	s7 =	smul.u32 @!p0 $0xF7A, s2;
	p2 =	seq.s32 @!p0 s5, $0x0  }
0x1f: {  	s9 =	smul.u32 $0xF7A, s1;
	s8 =	simm.s32 @!p0 $0x1BF5;
	p2 =	por !p2, p0  }
0x20: {  	[sflag:s8] =	ssyncset.s32 @!p0 $0xFFFFF086;
	s6 =	sadd.s32 @!p0 s3, s7;
	s7 =	simm.s32 @!p0 $0x108  }
0x21: {  	s3 =	sadd.s32 s3, s9;
	s6 =	sadd.s32 @!p0 $0x88, s6;
	s7 =	simm.s32 @p2 $0x1082  }
0x22: {  	[simem:s7], [sflag:s8] =	dma.local @!p0 [hbm:s6], $0xF7A  }
0x23: {  	s9 =	sor.u32 $0xD0000000, s2;
	s6 =	simm.s32 $0x108;
	_ =	swait.ge @!p0 [sflag:s8], $0x0  }
0x24: {  	s3 =	sadd.s32 $0x88, s3;
	s6 =	simm.s32 @!p1 $0x1082;
	[sflag:s4] =	ssyncset.s32 $0xFFFFF086  }
0x25: {  	[simem:s6], [sflag:s4] =	dma.local [hbm:s3], $0xF7A  }
0x26: {  	[smem:$0x3F90] =	sst s1;
	(tag) =	ssettag s2;
	_ =	strace s9  }
0x27: {  	s1 =	sld [smem:$0x3FA0]  }
0x28: {  	s2 =	sld [smem:$0x3FA1]  }
0x29: {  	s4 =	sld [smem:$0x3FA3]  }
0x2a: {  	p0 =	seq.s32 s5, $0x0;
	s5 =	sld [smem:$0x3FA4]  }
0x2b: {  	s6 =	sld [smem:$0x3FA5]  }
0x2c: {  	s7 =	sld [smem:$0x3FA6]  }
0x2d: {  	s3 =	simm.s32 $0x108;
	s8 =	sld [smem:$0x3FA7]  }
0x2e: {  	s3 =	simm.s32 @!p0 $0x1082;
	s9 =	sld [smem:$0x3FA8]  }
0x2f: {  	lr =	sadd.s32 s0, s3;
	s0 =	sld [smem:$0x3F9F]  }
0x30: {  	s3 =	sld [smem:$0x3FA2]  }
0x31: {  	[smem:$0x3FAB] =	sst s10  }
0x32: {  	s10 =	sld [smem:$0x3FA9];
	_ =	sdelay $0x3  }
0x33: {  	p0 =	seq.s32 s10, $0x1;
	s10 =	sld [smem:$0x3FAB];
	_ =	sdelay $0x3  }
0x34: {  	[smem:$0x3FAB] =	sst s10  }
0x35: {  	s10 =	sld [smem:$0x3FAA];
	_ =	sdelay $0x3  }
0x36: {  	p1 =	seq.s32 s10, $0x1;
	s10 =	sld [smem:$0x3FAB];
	_ =	sdelay $0x3  }
0x37: {  	[smem:$0x3FAB] =	sst s10  }
0x38: {  	s10 =	sld [smem:$0x3FAC]  }
0x39: {  	_ = 	snop;
	(pc) =	sbr.ind lr, $3  }
0x3a: {  	_ = 	snop  }
0x3b: {  	_ = 	snop  }
0x3c: {  	p2 =	seq.s32 s10, $0x1;
	s10 =	sld [smem:$0x3FAB]  }
0x3d: {  	_ =	shalt  }
0x3e: {  	_ =	shalt  }
0x3f: {  	_ =	shalt  }
0x40: {  	_ =	shalt  }
0x41: {  	_ =	shalt  }
0x42: {  	_ =	shalt  }
0x43: {  	_ =	shalt  }
0x44: {  	_ =	shalt  }
0x45: {  	_ =	shalt  }
0x46: {  	_ =	shalt  }
0x47: {  	_ =	shalt  }
0x48: {  	_ =	shalt  }
0x49: {  	_ =	shalt  }
0x4a: {  	_ =	shalt  }
0x4b: {  	_ =	shalt  }
0x4c: {  	_ =	shalt  }
0x4d: {  	_ =	shalt  }
0x4e: {  	_ =	shalt  }
0x4f: {  	_ =	shalt  }
0x50: {  	_ =	shalt  }
0x51: {  	_ =	shalt  }
0x52: {  	_ =	shalt  }
0x53: {  	_ =	shalt  }
0x54: {  	_ =	shalt  }
0x55: {  	_ =	shalt  }
0x56: {  	_ =	shalt  }
0x57: {  	_ =	shalt  }
0x58: {  	_ =	shalt  }
0x59: {  	_ =	shalt  }
0x5a: {  	_ =	shalt  }
0x5b: {  	_ =	shalt  }
0x5c: {  	_ =	shalt  }
0x5d: {  	_ =	shalt  }
0x5e: {  	_ =	shalt  }
0x5f: {  	_ =	shalt  }
0x60: {  	_ =	shalt  }
0x61: {  	_ =	shalt  }
0x62: {  	_ =	shalt  }
0x63: {  	_ =	shalt  }
0x64: {  	_ =	shalt  }
0x65: {  	_ =	shalt  }
0x66: {  	_ =	shalt  }
0x67: {  	_ =	shalt  }
0x68: {  	_ =	shalt  }
0x69: {  	_ =	shalt  }
0x6a: {  	_ =	shalt  }
0x6b: {  	_ =	shalt  }
0x6c: {  	_ =	shalt  }
0x6d: {  	_ =	shalt  }
0x6e: {  	_ =	shalt  }
0x6f: {  	_ =	shalt  }
0x70: {  	_ =	shalt  }
0x71: {  	_ =	shalt  }
0x72: {  	_ =	shalt  }
0x73: {  	_ =	shalt  }
0x74: {  	_ =	shalt  }
0x75: {  	_ =	shalt  }
0x76: {  	_ =	shalt  }
0x77: {  	_ =	shalt  }
0x78: {  	_ =	shalt  }
0x79: {  	_ =	shalt  }
0x7a: {  	_ =	shalt  }
0x7b: {  	_ =	shalt  }
0x7c: {  	_ =	shalt  }
0x7d: {  	_ =	shalt  }
0x7e: {  	_ =	shalt  }
0x7f: {  	_ =	shalt  }
0x80: {  	_ =	shalt  }
0x81: {  	_ =	shalt  }
0x82: {  	_ =	shalt  }
0x83: {  	_ =	shalt  }
0x84: {  	_ =	shalt  }
0x85: {  	_ =	shalt  }
0x86: {  	_ =	shalt  }
0x87: {  	_ =	shalt  }
.Lfunc_end0:
.L_simem_size_0:
called_computation.1_lowered:
.L_overlay_start_0:
0x88: {  	s2 =	sld [smem:$0x3FD9]  }
0x89: {  	s3 =	sld [smem:$0x3FFE];
	_ =	sdelay $0x1  }
0x8a: {  	s1 =	srdreg.scid  }
0x8b: {  	s0 =	sand.u32 $0x1, s1  }
0x8c: {  	s16 =	sshll.u32 s0, $0xA;
	s2 =	sadd.s32 s3, s2  }
0x8d: {  	s2 =	sadd.s32 s2, s16  }
0x8e: {  	[smem:$0x3FB7] =	sst s2  }
0x8f: {  	_ = 	snop  }
0x90: {  	(tm) =	ssettm $0x1  }
0x91: {  	s17 =	sld [smem:$0x3FFB];
	_ =	sdelay $0x3  }
0x92: {  	_ =	strace s17  }
0x93: {  	s2 =	sld [smem:$0x3FFC];
	_ =	sdelay $0x3  }
0x94: {  	_ =	strace s2  }
0x95: {  	s2 =	sld [smem:$0x3FFD];
	_ =	sdelay $0x3  }
0x96: {  	_ =	strace s2  }
0x97: {  	_ =	strace $0x8FFFFFFF  }
0x98: {  	s18 =	sld [smem:$0x3FDB];
	_ =	sdelay $0x1  }
0x99: {  	s19 =	simm.s32 $_scs_section_size  }
0x9a: {  	s4 =	simm.s32 $_size__tile_overlayer_lowered;
	s5 =	simm.s32 $_tile_overlayer_lowered  }
0x9b: {  	s22 =	simm.s32 $0x1BFF;
	s21 =	sshll.u32 s5, $0x1;
	s2 =	sadd.s32 s19, s18  }
0x9c: {  	s6 =	simm.s32 $0x0;
	s20 =	sshll.u32 s4, $0x1;
	s4 =	sadd.s32 s21, s2  }
0x9d: {  	[timem:s6], [sflag:s22] =	dma.local [hbm:s4], s20  }
0x9e: {  	_ =	swait.ge [sflag:s22], s20  }
0x9f: {  	s3 =	ssub.s32 $0x0, s20;
	[sflag:s22] =	ssyncset.done $0x0  }
0xa0: {  	[sflag:s22] =	ssyncadd.s32 s3;
	_ =	sdelay $0x1  }
0xa1: {  	s23 =	simm.s32 $0x1B8B  }
0xa2: {  	_ =	swait.ge [sflag:s23], $0x1  }
0xa3: {  	[sflag:s23] =	ssyncset.done $0x0  }
0xa4: {  	s25 =	simm.s32 $0x1B8E;
	s24 =	sld [smem:$0x3FFE];
	[sflag:s23] =	ssyncadd.s32 $0xFFFFFFFF  }
0xa5: {  	s26 =	simm.s32 $execute0_lowered;
	[smem:$0x3FD2] =	sst s25  }
0xa6: {  	s4 =	sshll.u32 s26, $0x1;
	_ =	strace $0x80000049;
	[dreg:$0x1] =	wrdreg $0xFFFFFFFF  }
0xa7: {  	s28 =	simm.s32 $_size_execute0_lowered;
	s2 =	sadd.s32 s2, s4;
	[dreg:$0x0] =	wrdreg $0x0  }
0xa8: {  	s4 =	sshll.u32 s28, $0x1;
	[dreg:$0x2] =	wrdreg s2  }
0xa9: {  	[dreg:$0x3] =	wrdreg s4  }
0xaa: {  	[dreg:$0x4] =	wrdreg $0xC0  }
0xab: {  	_ =	task [dreg:s6], $0x5FFFF  }
0xac: {  	[dreg:$0x1] =	wrdreg $0xFFFFFFFF  }
0xad: {  	[dreg:$0x0] =	wrdreg $0x60  }
0xae: {  	[dreg:$0x2] =	wrdreg s24  }
0xaf: {  	[dreg:$0x3] =	wrdreg $0x62000  }
0xb0: {  	[dreg:$0x4] =	wrdreg $0x9  }
0xb1: {  	_ =	task.clear_ibuf [dreg:s6], $0x5FFFF;
	_ =	strace $0x90000049  }
0xb2: {  	s29 =	simm.s32 $0x9;
	_ =	strace $0x8000004B  }
0xb3: {  	_ =	swait.ge [sflag:s29], $0x1  }
0xb4: {  	[sflag:s29] =	ssyncadd.s32 $0xFFFFFFFF  }
0xb5: {  	_ =	strace $0x9000004B  }
0xb6: {  	_ =	sfence  }
0xb7: {  	s30 =	sld [smem:$0x0];
	_ =	sdelay $0x2  }
0xb8: {  	s31 =	sshll.u32 s1, $0xD;
	s1 =	sshrl.u32 s1, $0x2  }
0xb9: {  	s3 =	sand.u32 $0x4000, s31;
	s1 =	sadd.s32 s1, s30  }
0xba: {  	s0 =	sor.u32 s3, s0;
	s1 =	sshll.u32 s1, $0x11  }
0xbb: {  	s0 =	sor.u32 s1, s0  }
0xbc: {  	s0 =	sadd.s32 $0x8F2B, s0  }
0xbd: {  	[sflag:s0] =	ssyncadd.remote.s32 $0x1  }
0xbe: {  	_ =	sfence.sel $0xFFFF  }
0xbf: {  	[dreg:$0x0] =	wrdreg $0xFFFFFFFF;
	(pc) =	sbr.abs _section_cstart, $3  }
0xc0: {  	[dreg:$0x1] =	wrdreg $0xFFFFFFFF  }
0xc1: {  	_ =	task.clear_ibuf [dreg:s6], $0x2FFFF;
	_ =	strace $0x9FFFFFFF  }
0xc2: {  	(tm) =	ssettm $0x7FFFFFFF  }
0xc3: {  	_ =	shalt  }
tec
execute0_lowered:
.L_overlay_start_1:
0x0: {  	(tag) =	ssettag $0x1  }
0x1: {  	s8 =	rddreg [dreg:$0x0]  }
0x2: {  	s1 =	rddreg [dreg:$0x1];
	s2 =	srdreg.scid;
	s3 =	simm.s32 $0x0  }
0x3: {  	s0 =	stileid.u32;
	s17 =	simm.s32 $0x2200;
	s18 =	simm.s32 $0x1  }
0x4: {  	s19 =	simm.s32 $0xC00;
	s20 =	simm.s32 $0x80;
	s21 =	simm.s32 $0x200  }
0x5: {  	s22 =	simm.s32 $0x1800;
	s9 =	sand.u32 $0x1, s2;
	s10 =	smul.u32 $0x14000, s0  }
0x6: {  	[smem:$0x7FF] =	sst s3;
	s4 =	sadd.s32 $0x19A00, s8;
	s11 =	smul.u32 $0x50000, s0  }
0x7: {  	s5 =	sadd.s32 $0x92A00, s8;
	s6 =	sadd.s32 $0x3A00, s8;
	s7 =	smul.u32 $0x140000, s9  }
0x8: {  	_ =	strace $0x8000004A;
	s12 =	ssub.s32 $0x2, s9;
	s9 =	sshll.u32 s9, $0x4  }
0x9: {  	s29 =	sshrl.u32 s12, $0x1;
	s30 =	sshrl.u32 s11, $0x2;
	s14 =	sor.u32 s0, s9  }
0xa: {  	s10 =	sadd.s32 s10, s7;
	s7 =	sadd.s32 $0xFA00, s8;
	s13 =	smul.u32 $0x3000, s14  }
0xb: {  	s16 =	ssub.s32 s12, s29;
	s14 =	smul.u32 $0x2800, s14;
	s10 =	sshrl.u32 s10, $0x3  }
0xc: {  	s16 =	smax.u32 s16, $0x1;
	s15 =	sadd.s32 s10, s8;
	s8 =	sadd.s32 s30, s1  }
0xd: {  	s31 =	sadd.s32 $0x4000, s8;
	s10 =	sadd.s32 $0x8000, s8;
	s11 =	sadd.s32 $0xC000, s8  }
0xe: {  	v0 =	vimm.f32 $0.0e+00;
	s12 =	sadd.s32 $0x10000, s8;
	s15 =	sadd.s32 $0x9EA00, s15;
	[dreg:$0x3] =	wrdreg s31  }
.LBB2_1:
0xf: {  	s23 =	simm.s32 $0x0;
	s24 =	simm.s32 $0x200  }
.LBB2_2:
0x10: {  	p0 =	sne.s32 s24, $0xFE00;
	[tilespmem:s23+$0x2270] =	vst v0  }
0x11: {  	[tilespmem:s23+$0x2200] =	vst v0  }
0x12: {  	[tilespmem:s23+$0x2210] =	vst v0  }
.Ltmp0:
0x13: {  	[tilespmem:s23+$0x2220] =	vst v0;
	(pc) =	sbr.rel @p0 .LBB2_2-.Ltmp0, $4  }
0x14: {  	[tilespmem:s23+$0x2230] =	vst v0  }
0x15: {  	[tilespmem:s23+$0x2240] =	vst v0  }
0x16: {  	[tilespmem:s23+$0x2250] =	vst v0  }
0x17: {  	[tilespmem:s23+$0x2260] =	vst v0;
	s23 =	sshra.s32 s24, $0x2;
	s24 =	sadd.s32 $0x200, s24  }
0x18: {  	[tilespmem:s23+$0x2270] =	vst v0  }
0x19: {  	[tilespmem:s23+$0x2200] =	vst v0  }
0x1a: {  	[tilespmem:s23+$0x2210] =	vst v0  }
0x1b: {  	[tilespmem:s23+$0x2220] =	vst v0  }
0x1c: {  	[tilespmem:s23+$0x2230] =	vst v0  }
0x1d: {  	[tilespmem:s23+$0x2240] =	vst v0  }
0x1e: {  	[tilespmem:s23+$0x2250] =	vst v0  }
0x1f: {  	[tilespmem:s23+$0x2260] =	vst v0  }
0x20: {  	[spmem:s8] =	stream.linear.scatter [tilespmem:s17], [sflag:$0x1], $0x4000, $0x38;
	[tilespmem:$0x1A200] =	vst v63  }
0x21: {  	_ =	swait.ge [sflag:s18], $0x4000  }
0x22: {  	[sflag:s18] =	ssyncset.done $0x0  }
0x23: {  	s0 =	rddreg [dreg:$0x3];
	[sflag:s18] =	ssyncadd.s32 $0xFFFFC000  }
0x24: {  	[spmem:s0] =	stream.linear.scatter [tilespmem:s17], [sflag:$0x1], $0x4000, $0x38;
	[tilespmem:$0x1A200] =	vst v63  }
0x25: {  	_ =	swait.ge [sflag:s18], $0x4000  }
0x26: {  	[sflag:s18] =	ssyncset.done $0x0  }
0x27: {  	[sflag:s18] =	ssyncadd.s32 $0xFFFFC000  }
0x28: {  	[spmem:s10] =	stream.linear.scatter [tilespmem:s17], [sflag:$0x1], $0x4000, $0x38;
	[tilespmem:$0x1A200] =	vst v63  }
0x29: {  	_ =	swait.ge [sflag:s18], $0x4000  }
0x2a: {  	[sflag:s18] =	ssyncset.done $0x0  }
0x2b: {  	[sflag:s18] =	ssyncadd.s32 $0xFFFFC000  }
0x2c: {  	[spmem:s11] =	stream.linear.scatter [tilespmem:s17], [sflag:$0x1], $0x4000, $0x38;
	[tilespmem:$0x1A200] =	vst v63  }
0x2d: {  	_ =	swait.ge [sflag:s18], $0x4000  }
0x2e: {  	[sflag:s18] =	ssyncset.done $0x0  }
0x2f: {  	[sflag:s18] =	ssyncadd.s32 $0xFFFFC000  }
0x30: {  	[spmem:s12] =	stream.linear.scatter [tilespmem:s17], [sflag:$0x1], $0x4000, $0x38;
	[tilespmem:$0x1A200] =	vst v63  }
0x31: {  	_ =	swait.ge [sflag:s18], $0x4000  }
0x32: {  	[sflag:s18] =	ssyncset.done $0x0  }
0x33: {  	[sflag:s18] =	ssyncadd.s32 $0xFFFFC000  }
0x34: {  	s23 =	simm.s32 $0x0;
	s24 =	simm.s32 $0x0;
	[bflag:$0x0] =	sbarrier.arrive $0xFFFF  }
.LBB2_4:
0x35: {  	s25 =	smul.u32 $0xC00, s24;
	_ =	sdelay $0x1  }
0x36: {  	s25 =	sadd.s32 s13, s25  }
0x37: {  	s25 =	sshrl.u32 s25, $0x3  }
0x38: {  	s26 =	sadd.s32 s5, s25  }
0x39: {  	[tilespmem:s23], [sflag:$0x1] =	stream.linear.gather [hbm4b:s26+s23], $0xA00, $0x38;
	[tilespmem:$0x1A200] =	vst v63  }
0x3a: {  	_ =	swait.ge [sflag:s18], $0xA00  }
0x3b: {  	[sflag:s18] =	ssyncset.done $0x0  }
0x3c: {  	s31 =	sshll.u32 s24, $0x7;
	s25 =	sadd.s32 s6, s25;
	[sflag:s18] =	ssyncadd.s32 $0xFFFFF600  }
0x3d: {  	[tilespmem:s19], [sflag:$0x1] =	stream.linear.gather [hbm4b:s25+s23], $0xA00, $0x38;
	[tilespmem:$0x1A200] =	vst v63  }
0x3e: {  	s25 =	sadd.s32 s14, s31;
	_ =	swait.ge [sflag:s18], $0xA00  }
0x3f: {  	s25 =	sshrl.u32 s25, $0x3;
	[sflag:s18] =	ssyncset.done $0x0  }
0x40: {  	s25 =	sadd.s32 s7, s25;
	[sflag:s18] =	ssyncadd.s32 $0xFFFFF600  }
0x41: {  	[tilespmem:s22], [sflag:$0x1] =	stream.strided.gather [hbm4b:s25+s20], $0xA00, s21, s20, $0x38;
	[tilespmem:$0x1A200] =	vst v63  }
0x42: {  	_ =	swait.ge [sflag:s18], $0xA00  }
0x43: {  	[sflag:s18] =	ssyncset.done $0x0  }
0x44: {  	s26 =	simm.s32 $0x0;
	s25 =	simm.s32 $0x0;
	[sflag:s18] =	ssyncadd.s32 $0xFFFFF600  }
.LBB2_5:
0x45: {  	s30 =	sadd.s32 $0xFFFFFFFC, s25  }
0x46: {  	s28 =	sadd.s32 $0x6, s30  }
0x47: {  	v1 =	vmov s28;
	s28 =	sadd.s32 $0x4, s30  }
0x48: {  	v2 =	vmov s28;
	s28 =	sshll.u32 s26, $0x7  }
0x49: {  	[tilespmem:s17], [sflag:$0x1] =	stream.indirect.gather [hbm4b:s4+s20], $0x80, s28, s20, $0xb8;
	[tilespmem:$0x1A200] =	vst v63  }
0x4a: {  	v1 =	vand.u32 $0xFFFFFFFE, v1;
	_ =	swait.ge [sflag:s18], $0x4000  }
0x4b: {  	v1 =	vbroadcast v1, $0x0;
	v2 =	vand.u32 $0xFFFFFFFC, v2;
	[sflag:s18] =	ssyncset.done $0x0  }
0x4c: {  	s29 =	simm.s32 $0x2300;
	v2 =	vbroadcast v2, $0x0;
	[sflag:s18] =	ssyncadd.s32 $0xFFFFC000  }
0x4d: {  	v3 =	vld [tilespmem:s29+$0x70]  }
0x4e: {  	v5 =	vld [tilespmem:s29+$0xFFFFFF00]  }
0x4f: {  	s31 =	sadd.s32 $0x5, s30;
	v6 =	vld [tilespmem:s29+$0xFFFFFF10]  }
0x50: {  	v4 =	vmov s31;
	v7 =	vld [tilespmem:s29+$0xFFFFFF20]  }
0x51: {  	v4 =	vand.u32 $0xFFFFFFFD, v4;
	v1 =	vld.idx.msk [tilespmem:v1+s22+$0x0], $0xffff  }
0x52: {  	v4 =	vbroadcast v4, $0x0;
	v2 =	vld.idx.msk [tilespmem:v2+s22+$0x0], $0xffff  }
0x53: {  	v8 =	vld [tilespmem:s29+$0xFFFFFF30]  }
0x54: {  	v9 =	vld [tilespmem:s29+$0xFFFFFF40]  }
0x55: {  	v10 =	vld [tilespmem:s29+$0xFFFFFF50]  }
0x56: {  	v11 =	vld [tilespmem:s29+$0xFFFFFF60];
	v3 =	vmul.f32 v3, v1  }
0x57: {  	v13 =	vld [tilespmem:s29+$0xFFFFFFD0];
	v5 =	vmul.f32 v5, v2  }
0x58: {  	v4 =	vld.idx.msk [tilespmem:v4+s22+$0x0], $0xffff;
	[tilespmem:s29+$0x70] =	vst v3;
	v3 =	vmul.f32 v7, v2  }
0x59: {  	[tilespmem:s29+$0xFFFFFF00] =	vst v5;
	v5 =	vmul.f32 v6, v2;
	v6 =	vld [tilespmem:s29+$0xFFFFFF70]  }
0x5a: {  	s30 =	sadd.s32 $0x7, s30;
	v7 =	vld [tilespmem:s29+$0xFFFFFF80];
	[tilespmem:s29+$0xFFFFFF20] =	vst v3;
	v3 =	vmul.f32 v9, v2  }
0x5b: {  	v12 =	vmov s30;
	[tilespmem:s29+$0xFFFFFF10] =	vst v5;
	v5 =	vmul.f32 v8, v2;
	v8 =	vld [tilespmem:s29+$0xFFFFFF90]  }
0x5c: {  	v9 =	vld [tilespmem:s29+$0xFFFFFFA0];
	[tilespmem:s29+$0xFFFFFF40] =	vst v3;
	v3 =	vmul.f32 v11, v2  }
0x5d: {  	v11 =	vld [tilespmem:s29+$0xFFFFFFC0];
	[tilespmem:s29+$0xFFFFFF30] =	vst v5;
	v5 =	vmul.f32 v10, v2  }
0x5e: {  	v10 =	vld [tilespmem:s29+$0xFFFFFFB0];
	v6 =	vmul.f32 v6, v2;
	[tilespmem:s29+$0xFFFFFF60] =	vst v3  }
0x5f: {  	v14 =	vld [tilespmem:s29+$0xFFFFFFE0];
	[tilespmem:s29+$0xFFFFFF50] =	vst v5;
	v5 =	vmul.f32 v7, v4  }
0x60: {  	v2 =	vld.idx.msk [tilespmem:v12+s22+$0x0], $0xffff;
	v3 =	vmul.f32 v8, v4;
	[tilespmem:s29+$0xFFFFFF70] =	vst v6  }
0x61: {  	v8 =	vld [tilespmem:s29+$0xFFFFFFF0];
	[tilespmem:s29+$0xFFFFFF80] =	vst v5;
	v5 =	vmul.f32 v9, v4  }
0x62: {  	v7 =	vld [tilespmem:s29+$0x0];
	v9 =	vmul.f32 v11, v4;
	[tilespmem:s29+$0xFFFFFF90] =	vst v3  }
0x63: {  	v6 =	vld [tilespmem:s29+$0x10];
	v3 =	vmul.f32 v10, v4;
	[tilespmem:s29+$0xFFFFFFA0] =	vst v5  }
0x64: {  	v10 =	vmul.f32 v13, v4;
	v5 =	vld [tilespmem:s29+$0x20];
	[tilespmem:s29+$0xFFFFFFC0] =	vst v9  }
0x65: {  	v9 =	vmul.f32 v14, v4;
	[tilespmem:s29+$0xFFFFFFB0] =	vst v3;
	v3 =	vld [tilespmem:s29+$0x30]  }
0x66: {  	s31 =	simm.s32 $0x0;
	s30 =	simm.s32 $0x2300;
	[tilespmem:s29+$0xFFFFFFD0] =	vst v10;
	v8 =	vmul.f32 v8, v4;
	v4 =	vld [tilespmem:s29+$0x40]  }
.LBB2_6:
0x67: {  	s0 =	sadd.s32 s31, s25;
	s31 =	sadd.s32 $0x4, s31;
	[tilespmem:s29+$0xFFFFFFE0] =	vst v9;
	v7 =	vmul.f32 v7, v1;
	v9 =	vld [tilespmem:s29+$0x50]  }
0x68: {  	s2 =	sadd.s32 $0x4, s0;
	s9 =	sadd.s32 $0x6, s0;
	p0 =	slt.u32 s31, $0x7C;
	[tilespmem:s29+$0xFFFFFFF0] =	vst v8;
	v6 =	vmul.f32 v6, v1;
	v8 =	vld [tilespmem:s29+$0x60]  }
0x69: {  	v10 =	vmov s2;
	s2 =	sadd.s32 $0x5, s0;
	v11 =	vmov s9;
	s0 =	sadd.s32 $0x7, s0;
	[tilespmem:s29+$0x0] =	vst v7;
	v5 =	vmul.f32 v5, v1;
	v7 =	vld [tilespmem:s29+$0x80]  }
0x6a: {  	v10 =	vand.u32 $0xFFFFFFFC, v10;
	v12 =	vmov s2;
	v11 =	vand.u32 $0xFFFFFFFE, v11;
	[tilespmem:s29+$0x10] =	vst v6;
	v6 =	vld [tilespmem:s29+$0x90]  }
0x6b: {  	v10 =	vbroadcast v10, $0x0;
	v12 =	vand.u32 $0xFFFFFFFD, v12;
	v11 =	vbroadcast v11, $0x0;
	[tilespmem:s29+$0x20] =	vst v5;
	v5 =	vld [tilespmem:s29+$0xA0]  }
0x6c: {  	v13 =	vmov s0;
	v3 =	vmul.f32 v3, v1;
	v12 =	vbroadcast v12, $0x0;
	v14 =	vld [tilespmem:s29+$0xB0]  }
0x6d: {  	v4 =	vmul.f32 v4, v1;
	v9 =	vmul.f32 v9, v1;
	v15 =	vld [tilespmem:s29+$0xC0]  }
0x6e: {  	[tilespmem:s29+$0x30] =	vst v3;
	v3 =	vmul.f32 v8, v1;
	v7 =	vmul.f32 v7, v2;
	v8 =	vld [tilespmem:s29+$0xD0]  }
0x6f: {  	[tilespmem:s29+$0x40] =	vst v4;
	v4 =	vmul.f32 v6, v2;
	v6 =	vld [tilespmem:s29+$0xE0]  }
0x70: {  	[tilespmem:s29+$0x50] =	vst v9;
	v5 =	vmul.f32 v5, v2;
	v9 =	vld [tilespmem:s29+$0xF0]  }
0x71: {  	s29 =	sadd.s32 $0x200, s29;
	v1 =	vld.idx.msk [tilespmem:v11+s22+$0x0], $0xffff;
	[tilespmem:s30+$0x60] =	vst v3;
	v3 =	vmul.f32 v14, v2  }
0x72: {  	v11 =	vld [tilespmem:s29+$0x70];
	[tilespmem:s30+$0x80] =	vst v7;
	v7 =	vmul.f32 v15, v2  }
0x73: {  	v10 =	vld.idx.msk [tilespmem:v10+s22+$0x0], $0xffff;
	[tilespmem:s30+$0x90] =	vst v4;
	v4 =	vmul.f32 v8, v2  }
0x74: {  	v8 =	vld.idx.msk [tilespmem:v12+s22+$0x0], $0xffff;
	[tilespmem:s30+$0xA0] =	vst v5;
	v5 =	vmul.f32 v6, v2  }
0x75: {  	[tilespmem:s30+$0xB0] =	vst v3;
	v3 =	vmul.f32 v9, v2;
	v2 =	vld.idx.msk [tilespmem:v13+s22+$0x0], $0xffff  }
0x76: {  	v6 =	vld [tilespmem:s29+$0xFFFFFF00];
	[tilespmem:s30+$0xC0] =	vst v7  }
0x77: {  	v7 =	vld [tilespmem:s29+$0xFFFFFF10];
	v9 =	vmul.f32 v11, v1;
	[tilespmem:s30+$0xD0] =	vst v4  }
0x78: {  	v4 =	vld [tilespmem:s29+$0xFFFFFF20];
	[tilespmem:s30+$0xE0] =	vst v5  }
0x79: {  	v5 =	vld [tilespmem:s29+$0xFFFFFF30];
	[tilespmem:s29+$0x70] =	vst v9  }
0x7a: {  	v9 =	vld [tilespmem:s29+$0xFFFFFF40];
	[tilespmem:s30+$0xF0] =	vst v3;
	s30 =	smov.u32 s29  }
0x7b: {  	v3 =	vmul.f32 v6, v10;
	v6 =	vld [tilespmem:s29+$0xFFFFFF50]  }
0x7c: {  	v7 =	vmul.f32 v7, v10;
	v11 =	vld [tilespmem:s29+$0xFFFFFF60]  }
0x7d: {  	[tilespmem:s29+$0xFFFFFF00] =	vst v3;
	v3 =	vmul.f32 v4, v10;
	v4 =	vld [tilespmem:s29+$0xFFFFFF70]  }
0x7e: {  	[tilespmem:s29+$0xFFFFFF10] =	vst v7;
	v5 =	vmul.f32 v5, v10;
	v7 =	vld [tilespmem:s29+$0xFFFFFF80]  }
0x7f: {  	[tilespmem:s29+$0xFFFFFF20] =	vst v3;
	v3 =	vmul.f32 v9, v10;
	v9 =	vld [tilespmem:s29+$0xFFFFFF90]  }
0x80: {  	[tilespmem:s29+$0xFFFFFF30] =	vst v5;
	v5 =	vmul.f32 v6, v10;
	v6 =	vld [tilespmem:s29+$0xFFFFFFA0]  }
0x81: {  	[tilespmem:s29+$0xFFFFFF40] =	vst v3;
	v3 =	vmul.f32 v11, v10;
	v11 =	vld [tilespmem:s29+$0xFFFFFFB0]  }
0x82: {  	[tilespmem:s29+$0xFFFFFF50] =	vst v5;
	v4 =	vmul.f32 v4, v10;
	v5 =	vld [tilespmem:s29+$0xFFFFFFC0]  }
0x83: {  	[tilespmem:s29+$0xFFFFFF60] =	vst v3;
	v3 =	vmul.f32 v7, v8;
	v10 =	vld [tilespmem:s29+$0xFFFFFFD0]  }
0x84: {  	[tilespmem:s29+$0xFFFFFF70] =	vst v4;
	v4 =	vmul.f32 v9, v8;
	v9 =	vld [tilespmem:s29+$0xFFFFFFE0]  }
0x85: {  	[tilespmem:s29+$0xFFFFFF80] =	vst v3;
	v3 =	vmul.f32 v6, v8;
	v12 =	vld [tilespmem:s29+$0xFFFFFFF0]  }
.Ltmp1:
0x86: {  	[tilespmem:s29+$0xFFFFFF90] =	vst v4;
	v4 =	vmul.f32 v11, v8;
	v7 =	vld [tilespmem:s29+$0x0];
	(pc) =	sbr.rel @p0 .LBB2_6-.Ltmp1, $4  }
0x87: {  	[tilespmem:s29+$0xFFFFFFA0] =	vst v3;
	v3 =	vmul.f32 v5, v8;
	v6 =	vld [tilespmem:s29+$0x10]  }
0x88: {  	[tilespmem:s29+$0xFFFFFFB0] =	vst v4;
	v4 =	vmul.f32 v10, v8;
	v5 =	vld [tilespmem:s29+$0x20]  }
0x89: {  	[tilespmem:s29+$0xFFFFFFC0] =	vst v3;
	v9 =	vmul.f32 v9, v8;
	v3 =	vld [tilespmem:s29+$0x30]  }
0x8a: {  	[tilespmem:s29+$0xFFFFFFD0] =	vst v4;
	v8 =	vmul.f32 v12, v8;
	v4 =	vld [tilespmem:s29+$0x40]  }
0x8b: {  	v10 =	vld [tilespmem:s29+$0x50]  }
0x8c: {  	[tilespmem:s29+$0xFFFFFFE0] =	vst v9;
	v7 =	vmul.f32 v7, v1;
	v54 =	vld [tilespmem:s29+$0x60]  }
0x8d: {  	v55 =	vld [tilespmem:s29+$0x80];
	[tilespmem:s29+$0xFFFFFFF0] =	vst v8;
	v6 =	vmul.f32 v6, v1  }
0x8e: {  	v56 =	vld [tilespmem:s29+$0x90];
	[tilespmem:s29+$0x0] =	vst v7;
	v5 =	vmul.f32 v5, v1  }
0x8f: {  	v57 =	vld [tilespmem:s29+$0xA0];
	[tilespmem:s29+$0x10] =	vst v6;
	v3 =	vmul.f32 v3, v1  }
0x90: {  	v58 =	vld [tilespmem:s29+$0xB0];
	[tilespmem:s29+$0x20] =	vst v5;
	v4 =	vmul.f32 v4, v1  }
0x91: {  	v11 =	vld [tilespmem:s29+$0xC0];
	v10 =	vmul.f32 v10, v1;
	[tilespmem:s29+$0x30] =	vst v3  }
0x92: {  	v60 =	vld [tilespmem:s29+$0xE0];
	v59 =	vmul.f32 v55, v2;
	[tilespmem:s29+$0x40] =	vst v4  }
0x93: {  	v3 =	vld [tilespmem:s29+$0xD0];
	v7 =	vmul.f32 v56, v2;
	[tilespmem:s29+$0x50] =	vst v10  }
0x94: {  	v61 =	vld [tilespmem:s29+$0xF0];
	v1 =	vmul.f32 v54, v1;
	[tilespmem:s30+$0x80] =	vst v59  }
0x95: {  	v62 =	vmul.f32 v58, v2;
	[tilespmem:s30+$0x90] =	vst v7  }
0x96: {  	[tilespmem:s30+$0x60] =	vst v1;
	v1 =	vmul.f32 v57, v2  }
0x97: {  	v63 =	vmul.f32 v11, v2;
	[tilespmem:s30+$0xB0] =	vst v62  }
0x98: {  	[tilespmem:s30+$0xA0] =	vst v1;
	v1 =	vmul.f32 v3, v2  }
0x99: {  	[tilespmem:s30+$0xC0] =	vst v63;
	v3 =	vmul.f32 v60, v2  }
0x9a: {  	s26 =	sadd.s32 $0x1, s26;
	v2 =	vmul.f32 v61, v2;
	[tilespmem:s30+$0xD0] =	vst v1  }
0x9b: {  	p0 =	sne.s32 s26, $0x14;
	[tilespmem:s30+$0xE0] =	vst v3  }
.Ltmp2:
0x9c: {  	s0 =	sadd.s32 $0xC00, s28;
	[tilespmem:s30+$0xF0] =	vst v2;
	(pc) =	sbr.rel @p0 .LBB2_5-.Ltmp2, $4  }
0x9d: {  	[spmem:s1] =	stream.indirect.scatter.add.f32 [tilespmem:s17], [sflag:$0x1], $0x80, s0, s20, $0xb8;
	[tilespmem:$0x1A200] =	vst v63  }
0x9e: {  	_ =	swait.ge [sflag:s18], $0x4000  }
0x9f: {  	[sflag:s18] =	ssyncset.done $0x0  }
0xa0: {  	s25 =	sadd.s32 $0x80, s25;
	[sflag:s18] =	ssyncadd.s32 $0xFFFFC000  }
0xa1: {  	s24 =	sadd.s32 $0x1, s24  }
0xa2: {  	p0 =	sne.s32 s24, $0x4  }
.Ltmp3:
0xa3: {  	_ = 	snop;
	(pc) =	sbr.rel @p0 .LBB2_4-.Ltmp3, $1  }
0xa4: {  	_ =	sdelay $0x3  }
0xa5: {  	s0 =	stileid.u32;
	s3 =	sadd.s32 $0x1, s3  }
0xa6: {  	[bflag:$0x0] =	sbarrier.arrive $0xFFFF;
	s0 =	sshll.u32 s0, $0x6;
	p0 =	sne.s32 s3, s16  }
.Ltmp4:
0xa7: {  	s2 =	sshrl.u32 s8, $0x3;
	s0 =	sor.u32 $0x1C01, s0;
	(pc) =	sbr.rel @p0 .LBB2_1-.Ltmp4, $4  }
0xa8: {  	[hbm:s15], [sflag:s0] =	dma.local [spmem:s2], $0x2800  }
0xa9: {  	_ =	swait.ge [sflag:s18], $0x2800  }
0xaa: {  	[sflag:s18] =	ssyncset.done $0x0  }
0xab: {  	[sflag:s18] =	ssyncadd.s32 $0xFFFFD800  }
0xac: {  	_ =	sfence.sel $0x180000  }
0xad: {  	[bflag:$0x0] =	sbarrier.arrive $0xFFFF  }
0xae: {  	_ =	strace $0x9000004A  }
0xaf: {  	s0 =	stileid.u32;
	[bflag:$0x2] =	sbarrier.arrive $0xFFFF  }
0xb0: {  	p0 =	sne.s32 s0, $0x0;
	s0 =	rddreg [dreg:$0x2]  }
0xb1: {  	s0 =	sadd.s32 @!p0 $0x100000, s0  }
0xb2: {  	[sflag:s0] =	ssyncadd.tile.s32 @!p0 $0x1;
	_ =	shalt  }
.Lfunc_end2:
_tile_overlayer_lowered:
.L_overlay_start_2:
0xb3: {  	(tag) =	ssettag $0x2  }
0xb4: {  	s0 =	rddreg [dreg:$0x0];
	s2 =	stileid.u32  }
0xb5: {  	s1 =	rddreg [dreg:$0x1];
	p0 =	sne.s32 s2, $0x0  }
0xb6: {  	s3 =	rddreg [dreg:$0x2];
	[bflag:$0x3] =	sbarrier.arrive $0xFFFF;
	s2 =	simm.s32 @!p0 $0x1C01  }
0xb7: {  	[timem:s3], [sflag:s2] =	dma.local @!p0 [hbm:s0], s1  }
0xb8: {  	s0 =	simm.s32 @!p0 $0x1  }
0xb9: {  	_ =	swait.ge @!p0 [sflag:s0], s1  }
0xba: {  	s1 =	ssub.s32 @!p0 $0x0, s1;
	[sflag:s0] =	ssyncset.done @!p0 $0x0  }
0xbb: {  	[sflag:s0] =	ssyncadd.s32 @!p0 s1  }
0xbc: {  	[bflag:$0x3] =	sbarrier.arrive $0xFFFF  }
0xbd: {  	_ =	shalt  }

// kernel: kernel.14.cloned.1.call-start
scs
__scs_entry_jumppad:
0x0: {  	(pc) =	sbr.rel $0x88, $3  }
0x1: {  	(tag) =	ssettag $0x0;
	lr =	simm.s32 $0x1  }
0x2: {  	[smem:$0x3F90] =	sst lr;
	_ =	strace $0xD0000000  }
0x3: {  	_ = 	snop  }
0x4: {  	_ = 	snop  }
0x5: {  	_ = 	snop  }
0x6: {  	_ = 	snop  }
0x7: {  	_ = 	snop  }
__scs_overlays_trampoline_lowered:
0x8: {  	[smem:$0x3F9F] =	sst s0  }
0x9: {  	[smem:$0x3FA0] =	sst s1  }
0xa: {  	[smem:$0x3FA1] =	sst s2  }
0xb: {  	[smem:$0x3FA2] =	sst s3  }
0xc: {  	[smem:$0x3FA3] =	sst s4  }
0xd: {  	[smem:$0x3FA4] =	sst s5  }
0xe: {  	[smem:$0x3FA5] =	sst s6  }
0xf: {  	[smem:$0x3FA6] =	sst s7  }
0x10: {  	[smem:$0x3FA7] =	sst s8  }
0x11: {  	[smem:$0x3FA8] =	sst s9;
	s0 =	simm.s32 @!p0 $0x0  }
0x12: {  	s1 =	sld [smem:$0x3F8E];
	s0 =	simm.s32 @p0 $0x1  }
0x13: {  	[smem:$0x3FA9] =	sst s0;
	s0 =	simm.s32 @!p1 $0x0  }
0x14: {  	s2 =	sld [smem:$0x3F8D];
	s0 =	simm.s32 @p1 $0x1  }
0x15: {  	[smem:$0x3FAA] =	sst s0;
	s0 =	simm.s32 @!p2 $0x0  }
0x16: {  	s3 =	sld [smem:$0x3FDB];
	s0 =	simm.s32 @p2 $0x1  }
0x17: {  	s4 =	simm.s32 $0x1BF5;
	[smem:$0x3FAC] =	sst s0  }
0x18: {  	s0 =	sld [smem:$0x3F8F];
	_ =	swait.ge [sflag:s4], $0x0  }
0x19: {  	s7 =	sld [smem:$0x3F90]  }
0x1a: {  	s8 =	sadd.s32 $0xFFFFE003, lr  }
0x1b: {  	s9 =	sadd.s32 $0xFFFFFEF7, lr;
	s5 =	simm.s32 $0xFFFFFFFF;
	p2 =	slt.u32 s8, $0xFFFFF086  }
0x1c: {  	p1 =	slt.u32 s9, $0xF7A;
	s5 =	simm.s32 @!p2 $0x0  }
0x1d: {  	s5 =	simm.s32 @p1 $0x1;
	p0 =	seq.s32 s7, s2  }
0x1e: {  	s7 =	smul.u32 @!p0 $0xF7A, s2;
	p2 =	seq.s32 @!p0 s5, $0x0  }
0x1f: {  	s9 =	smul.u32 $0xF7A, s1;
	s8 =	simm.s32 @!p0 $0x1BF5;
	p2 =	por !p2, p0  }
0x20: {  	[sflag:s8] =	ssyncset.s32 @!p0 $0xFFFFF086;
	s6 =	sadd.s32 @!p0 s3, s7;
	s7 =	simm.s32 @!p0 $0x108  }
0x21: {  	s3 =	sadd.s32 s3, s9;
	s6 =	sadd.s32 @!p0 $0x88, s6;
	s7 =	simm.s32 @p2 $0x1082  }
0x22: {  	[simem:s7], [sflag:s8] =	dma.local @!p0 [hbm:s6], $0xF7A  }
0x23: {  	s9 =	sor.u32 $0xD0000000, s2;
	s6 =	simm.s32 $0x108;
	_ =	swait.ge @!p0 [sflag:s8], $0x0  }
0x24: {  	s3 =	sadd.s32 $0x88, s3;
	s6 =	simm.s32 @!p1 $0x1082;
	[sflag:s4] =	ssyncset.s32 $0xFFFFF086  }
0x25: {  	[simem:s6], [sflag:s4] =	dma.local [hbm:s3], $0xF7A  }
0x26: {  	[smem:$0x3F90] =	sst s1;
	(tag) =	ssettag s2;
	_ =	strace s9  }
0x27: {  	s1 =	sld [smem:$0x3FA0]  }
0x28: {  	s2 =	sld [smem:$0x3FA1]  }
0x29: {  	s4 =	sld [smem:$0x3FA3]  }
0x2a: {  	p0 =	seq.s32 s5, $0x0;
	s5 =	sld [smem:$0x3FA4]  }
0x2b: {  	s6 =	sld [smem:$0x3FA5]  }
0x2c: {  	s7 =	sld [smem:$0x3FA6]  }
0x2d: {  	s3 =	simm.s32 $0x108;
	s8 =	sld [smem:$0x3FA7]  }
0x2e: {  	s3 =	simm.s32 @!p0 $0x1082;
	s9 =	sld [smem:$0x3FA8]  }
0x2f: {  	lr =	sadd.s32 s0, s3;
	s0 =	sld [smem:$0x3F9F]  }
0x30: {  	s3 =	sld [smem:$0x3FA2]  }
0x31: {  	[smem:$0x3FAB] =	sst s10  }
0x32: {  	s10 =	sld [smem:$0x3FA9];
	_ =	sdelay $0x3  }
0x33: {  	p0 =	seq.s32 s10, $0x1;
	s10 =	sld [smem:$0x3FAB];
	_ =	sdelay $0x3  }
0x34: {  	[smem:$0x3FAB] =	sst s10  }
0x35: {  	s10 =	sld [smem:$0x3FAA];
	_ =	sdelay $0x3  }
0x36: {  	p1 =	seq.s32 s10, $0x1;
	s10 =	sld [smem:$0x3FAB];
	_ =	sdelay $0x3  }
0x37: {  	[smem:$0x3FAB] =	sst s10  }
0x38: {  	s10 =	sld [smem:$0x3FAC]  }
0x39: {  	_ = 	snop;
	(pc) =	sbr.ind lr, $3  }
0x3a: {  	_ = 	snop  }
0x3b: {  	_ = 	snop  }
0x3c: {  	p2 =	seq.s32 s10, $0x1;
	s10 =	sld [smem:$0x3FAB]  }
0x3d: {  	_ =	shalt  }
0x3e: {  	_ =	shalt  }
0x3f: {  	_ =	shalt  }
0x40: {  	_ =	shalt  }
0x41: {  	_ =	shalt  }
0x42: {  	_ =	shalt  }
0x43: {  	_ =	shalt  }
0x44: {  	_ =	shalt  }
0x45: {  	_ =	shalt  }
0x46: {  	_ =	shalt  }
0x47: {  	_ =	shalt  }
0x48: {  	_ =	shalt  }
0x49: {  	_ =	shalt  }
0x4a: {  	_ =	shalt  }
0x4b: {  	_ =	shalt  }
0x4c: {  	_ =	shalt  }
0x4d: {  	_ =	shalt  }
0x4e: {  	_ =	shalt  }
0x4f: {  	_ =	shalt  }
0x50: {  	_ =	shalt  }
0x51: {  	_ =	shalt  }
0x52: {  	_ =	shalt  }
0x53: {  	_ =	shalt  }
0x54: {  	_ =	shalt  }
0x55: {  	_ =	shalt  }
0x56: {  	_ =	shalt  }
0x57: {  	_ =	shalt  }
0x58: {  	_ =	shalt  }
0x59: {  	_ =	shalt  }
0x5a: {  	_ =	shalt  }
0x5b: {  	_ =	shalt  }
0x5c: {  	_ =	shalt  }
0x5d: {  	_ =	shalt  }
0x5e: {  	_ =	shalt  }
0x5f: {  	_ =	shalt  }
0x60: {  	_ =	shalt  }
0x61: {  	_ =	shalt  }
0x62: {  	_ =	shalt  }
0x63: {  	_ =	shalt  }
0x64: {  	_ =	shalt  }
0x65: {  	_ =	shalt  }
0x66: {  	_ =	shalt  }
0x67: {  	_ =	shalt  }
0x68: {  	_ =	shalt  }
0x69: {  	_ =	shalt  }
0x6a: {  	_ =	shalt  }
0x6b: {  	_ =	shalt  }
0x6c: {  	_ =	shalt  }
0x6d: {  	_ =	shalt  }
0x6e: {  	_ =	shalt  }
0x6f: {  	_ =	shalt  }
0x70: {  	_ =	shalt  }
0x71: {  	_ =	shalt  }
0x72: {  	_ =	shalt  }
0x73: {  	_ =	shalt  }
0x74: {  	_ =	shalt  }
0x75: {  	_ =	shalt  }
0x76: {  	_ =	shalt  }
0x77: {  	_ =	shalt  }
0x78: {  	_ =	shalt  }
0x79: {  	_ =	shalt  }
0x7a: {  	_ =	shalt  }
0x7b: {  	_ =	shalt  }
0x7c: {  	_ =	shalt  }
0x7d: {  	_ =	shalt  }
0x7e: {  	_ =	shalt  }
0x7f: {  	_ =	shalt  }
0x80: {  	_ =	shalt  }
0x81: {  	_ =	shalt  }
0x82: {  	_ =	shalt  }
0x83: {  	_ =	shalt  }
0x84: {  	_ =	shalt  }
0x85: {  	_ =	shalt  }
0x86: {  	_ =	shalt  }
0x87: {  	_ =	shalt  }
.Lfunc_end0:
.L_simem_size_0:
called_computation.2_lowered:
.L_overlay_start_0:
0x88: {  	s2 =	sld [smem:$0x3FD9]  }
0x89: {  	s3 =	sld [smem:$0x3FFE];
	_ =	sdelay $0x1  }
0x8a: {  	s1 =	srdreg.scid  }
0x8b: {  	s0 =	sand.u32 $0x1, s1  }
0x8c: {  	s16 =	sshll.u32 s0, $0xA;
	s2 =	sadd.s32 s3, s2  }
0x8d: {  	s2 =	sadd.s32 s2, s16  }
0x8e: {  	[smem:$0x3FB7] =	sst s2  }
0x8f: {  	_ = 	snop  }
0x90: {  	(tm) =	ssettm $0x1  }
0x91: {  	s17 =	sld [smem:$0x3FFB];
	_ =	sdelay $0x3  }
0x92: {  	_ =	strace s17  }
0x93: {  	s2 =	sld [smem:$0x3FFC];
	_ =	sdelay $0x3  }
0x94: {  	_ =	strace s2  }
0x95: {  	s2 =	sld [smem:$0x3FFD];
	_ =	sdelay $0x3  }
0x96: {  	_ =	strace s2  }
0x97: {  	_ =	strace $0x8FFFFFFF  }
0x98: {  	s18 =	sld [smem:$0x3FDB];
	_ =	sdelay $0x1  }
0x99: {  	s19 =	simm.s32 $_scs_section_size  }
0x9a: {  	s4 =	simm.s32 $_size__tile_overlayer_lowered;
	s5 =	simm.s32 $_tile_overlayer_lowered  }
0x9b: {  	s22 =	simm.s32 $0x1BFF;
	s21 =	sshll.u32 s5, $0x1;
	s2 =	sadd.s32 s19, s18  }
0x9c: {  	s6 =	simm.s32 $0x0;
	s20 =	sshll.u32 s4, $0x1;
	s4 =	sadd.s32 s21, s2  }
0x9d: {  	[timem:s6], [sflag:s22] =	dma.local [hbm:s4], s20  }
0x9e: {  	_ =	swait.ge [sflag:s22], s20  }
0x9f: {  	s3 =	ssub.s32 $0x0, s20;
	[sflag:s22] =	ssyncset.done $0x0  }
0xa0: {  	[sflag:s22] =	ssyncadd.s32 s3;
	_ =	sdelay $0x1  }
0xa1: {  	s23 =	simm.s32 $0x1B8B  }
0xa2: {  	_ =	swait.ge [sflag:s23], $0x1  }
0xa3: {  	[sflag:s23] =	ssyncset.done $0x0  }
0xa4: {  	s25 =	simm.s32 $0x1B8E;
	s24 =	sld [smem:$0x3FFE];
	[sflag:s23] =	ssyncadd.s32 $0xFFFFFFFF  }
0xa5: {  	s26 =	simm.s32 $execute0_lowered;
	[smem:$0x3FD2] =	sst s25  }
0xa6: {  	s4 =	sshll.u32 s26, $0x1;
	_ =	strace $0x8000004C;
	[dreg:$0x1] =	wrdreg $0xFFFFFFFF  }
0xa7: {  	s28 =	simm.s32 $_size_execute0_lowered;
	s2 =	sadd.s32 s2, s4;
	[dreg:$0x0] =	wrdreg $0x0  }
0xa8: {  	s4 =	sshll.u32 s28, $0x1;
	[dreg:$0x2] =	wrdreg s2  }
0xa9: {  	[dreg:$0x3] =	wrdreg s4  }
0xaa: {  	[dreg:$0x4] =	wrdreg $0xC0  }
0xab: {  	_ =	task [dreg:s6], $0x5FFFF  }
0xac: {  	[dreg:$0x1] =	wrdreg $0xFFFFFFFF  }
0xad: {  	[dreg:$0x0] =	wrdreg $0x60  }
0xae: {  	[dreg:$0x2] =	wrdreg s24  }
0xaf: {  	[dreg:$0x3] =	wrdreg $0x62000  }
0xb0: {  	[dreg:$0x4] =	wrdreg $0x9  }
0xb1: {  	_ =	task.clear_ibuf [dreg:s6], $0x5FFFF;
	_ =	strace $0x9000004C  }
0xb2: {  	s29 =	simm.s32 $0x9;
	_ =	strace $0x8000004E  }
0xb3: {  	_ =	swait.ge [sflag:s29], $0x1  }
0xb4: {  	[sflag:s29] =	ssyncadd.s32 $0xFFFFFFFF  }
0xb5: {  	_ =	strace $0x9000004E  }
0xb6: {  	_ =	sfence  }
0xb7: {  	s30 =	sld [smem:$0x0];
	_ =	sdelay $0x2  }
0xb8: {  	s31 =	sshll.u32 s1, $0xD;
	s1 =	sshrl.u32 s1, $0x2  }
0xb9: {  	s3 =	sand.u32 $0x4000, s31;
	s1 =	sadd.s32 s1, s30  }
0xba: {  	s0 =	sor.u32 s3, s0;
	s1 =	sshll.u32 s1, $0x11  }
0xbb: {  	s0 =	sor.u32 s1, s0  }
0xbc: {  	s0 =	sadd.s32 $0x8F2B, s0  }
0xbd: {  	[sflag:s0] =	ssyncadd.remote.s32 $0x1  }
0xbe: {  	_ =	sfence.sel $0xFFFF  }
0xbf: {  	[dreg:$0x0] =	wrdreg $0xFFFFFFFF;
	(pc) =	sbr.abs _section_cstart, $3  }
0xc0: {  	[dreg:$0x1] =	wrdreg $0xFFFFFFFF  }
0xc1: {  	_ =	task.clear_ibuf [dreg:s6], $0x2FFFF;
	_ =	strace $0x9FFFFFFF  }
0xc2: {  	(tm) =	ssettm $0x7FFFFFFF  }
0xc3: {  	_ =	shalt  }
tec
execute0_lowered:
.L_overlay_start_1:
0x0: {  	(tag) =	ssettag $0x1  }
0x1: {  	s8 =	rddreg [dreg:$0x0]  }
0x2: {  	s1 =	rddreg [dreg:$0x1];
	s2 =	srdreg.scid;
	s3 =	simm.s32 $0x0  }
0x3: {  	s0 =	stileid.u32;
	s17 =	simm.s32 $0x2200;
	s18 =	simm.s32 $0x1  }
0x4: {  	s19 =	simm.s32 $0xC00;
	s20 =	simm.s32 $0x80;
	s21 =	simm.s32 $0x200  }
0x5: {  	s22 =	simm.s32 $0x1800;
	s9 =	sand.u32 $0x1, s2;
	s10 =	smul.u32 $0x14000, s0  }
0x6: {  	[smem:$0x7FF] =	sst s3;
	s4 =	sadd.s32 $0x19A00, s8;
	s11 =	smul.u32 $0x50000, s0  }
0x7: {  	s5 =	sadd.s32 $0x92A00, s8;
	s6 =	sadd.s32 $0x3A00, s8;
	s7 =	smul.u32 $0x140000, s9  }
0x8: {  	_ =	strace $0x8000004D;
	s12 =	ssub.s32 $0x2, s9;
	s9 =	sshll.u32 s9, $0x4  }
0x9: {  	s29 =	sshrl.u32 s12, $0x1;
	s30 =	sshrl.u32 s11, $0x2;
	s14 =	sor.u32 s0, s9  }
0xa: {  	s10 =	sadd.s32 s10, s7;
	s7 =	sadd.s32 $0xFA00, s8;
	s13 =	smul.u32 $0x3000, s14  }
0xb: {  	s16 =	ssub.s32 s12, s29;
	s14 =	smul.u32 $0x2800, s14;
	s10 =	sshrl.u32 s10, $0x3  }
0xc: {  	s16 =	smax.u32 s16, $0x1;
	s15 =	sadd.s32 s10, s8;
	s8 =	sadd.s32 s30, s1  }
0xd: {  	s31 =	sadd.s32 $0x4000, s8;
	s10 =	sadd.s32 $0x8000, s8;
	s11 =	sadd.s32 $0xC000, s8  }
0xe: {  	v0 =	vimm.f32 $0.0e+00;
	s12 =	sadd.s32 $0x10000, s8;
	s15 =	sadd.s32 $0x9EA00, s15;
	[dreg:$0x3] =	wrdreg s31  }
.LBB2_1:
0xf: {  	s23 =	simm.s32 $0x0;
	s24 =	simm.s32 $0x200  }
.LBB2_2:
0x10: {  	p0 =	sne.s32 s24, $0xFE00;
	[tilespmem:s23+$0x2270] =	vst v0  }
0x11: {  	[tilespmem:s23+$0x2200] =	vst v0  }
0x12: {  	[tilespmem:s23+$0x2210] =	vst v0  }
.Ltmp0:
0x13: {  	[tilespmem:s23+$0x2220] =	vst v0;
	(pc) =	sbr.rel @p0 .LBB2_2-.Ltmp0, $4  }
0x14: {  	[tilespmem:s23+$0x2230] =	vst v0  }
0x15: {  	[tilespmem:s23+$0x2240] =	vst v0  }
0x16: {  	[tilespmem:s23+$0x2250] =	vst v0  }
0x17: {  	[tilespmem:s23+$0x2260] =	vst v0;
	s23 =	sshra.s32 s24, $0x2;
	s24 =	sadd.s32 $0x200, s24  }
0x18: {  	[tilespmem:s23+$0x2270] =	vst v0  }
0x19: {  	[tilespmem:s23+$0x2200] =	vst v0  }
0x1a: {  	[tilespmem:s23+$0x2210] =	vst v0  }
0x1b: {  	[tilespmem:s23+$0x2220] =	vst v0  }
0x1c: {  	[tilespmem:s23+$0x2230] =	vst v0  }
0x1d: {  	[tilespmem:s23+$0x2240] =	vst v0  }
0x1e: {  	[tilespmem:s23+$0x2250] =	vst v0  }
0x1f: {  	[tilespmem:s23+$0x2260] =	vst v0  }
0x20: {  	[spmem:s8] =	stream.linear.scatter [tilespmem:s17], [sflag:$0x1], $0x4000, $0x38;
	[tilespmem:$0x1A200] =	vst v63  }
0x21: {  	_ =	swait.ge [sflag:s18], $0x4000  }
0x22: {  	[sflag:s18] =	ssyncset.done $0x0  }
0x23: {  	s0 =	rddreg [dreg:$0x3];
	[sflag:s18] =	ssyncadd.s32 $0xFFFFC000  }
0x24: {  	[spmem:s0] =	stream.linear.scatter [tilespmem:s17], [sflag:$0x1], $0x4000, $0x38;
	[tilespmem:$0x1A200] =	vst v63  }
0x25: {  	_ =	swait.ge [sflag:s18], $0x4000  }
0x26: {  	[sflag:s18] =	ssyncset.done $0x0  }
0x27: {  	[sflag:s18] =	ssyncadd.s32 $0xFFFFC000  }
0x28: {  	[spmem:s10] =	stream.linear.scatter [tilespmem:s17], [sflag:$0x1], $0x4000, $0x38;
	[tilespmem:$0x1A200] =	vst v63  }
0x29: {  	_ =	swait.ge [sflag:s18], $0x4000  }
0x2a: {  	[sflag:s18] =	ssyncset.done $0x0  }
0x2b: {  	[sflag:s18] =	ssyncadd.s32 $0xFFFFC000  }
0x2c: {  	[spmem:s11] =	stream.linear.scatter [tilespmem:s17], [sflag:$0x1], $0x4000, $0x38;
	[tilespmem:$0x1A200] =	vst v63  }
0x2d: {  	_ =	swait.ge [sflag:s18], $0x4000  }
0x2e: {  	[sflag:s18] =	ssyncset.done $0x0  }
0x2f: {  	[sflag:s18] =	ssyncadd.s32 $0xFFFFC000  }
0x30: {  	[spmem:s12] =	stream.linear.scatter [tilespmem:s17], [sflag:$0x1], $0x4000, $0x38;
	[tilespmem:$0x1A200] =	vst v63  }
0x31: {  	_ =	swait.ge [sflag:s18], $0x4000  }
0x32: {  	[sflag:s18] =	ssyncset.done $0x0  }
0x33: {  	[sflag:s18] =	ssyncadd.s32 $0xFFFFC000  }
0x34: {  	s23 =	simm.s32 $0x0;
	s24 =	simm.s32 $0x0;
	[bflag:$0x0] =	sbarrier.arrive $0xFFFF  }
.LBB2_4:
0x35: {  	s25 =	smul.u32 $0xC00, s24;
	_ =	sdelay $0x1  }
0x36: {  	s25 =	sadd.s32 s13, s25  }
0x37: {  	s25 =	sshrl.u32 s25, $0x3  }
0x38: {  	s26 =	sadd.s32 s5, s25  }
0x39: {  	[tilespmem:s23], [sflag:$0x1] =	stream.linear.gather [hbm4b:s26+s23], $0xA00, $0x38;
	[tilespmem:$0x1A200] =	vst v63  }
0x3a: {  	_ =	swait.ge [sflag:s18], $0xA00  }
0x3b: {  	[sflag:s18] =	ssyncset.done $0x0  }
0x3c: {  	s31 =	sshll.u32 s24, $0x7;
	s25 =	sadd.s32 s6, s25;
	[sflag:s18] =	ssyncadd.s32 $0xFFFFF600  }
0x3d: {  	[tilespmem:s19], [sflag:$0x1] =	stream.linear.gather [hbm4b:s25+s23], $0xA00, $0x38;
	[tilespmem:$0x1A200] =	vst v63  }
0x3e: {  	s25 =	sadd.s32 s14, s31;
	_ =	swait.ge [sflag:s18], $0xA00  }
0x3f: {  	s25 =	sshrl.u32 s25, $0x3;
	[sflag:s18] =	ssyncset.done $0x0  }
0x40: {  	s25 =	sadd.s32 s7, s25;
	[sflag:s18] =	ssyncadd.s32 $0xFFFFF600  }
0x41: {  	[tilespmem:s22], [sflag:$0x1] =	stream.strided.gather [hbm4b:s25+s20], $0xA00, s21, s20, $0x38;
	[tilespmem:$0x1A200] =	vst v63  }
0x42: {  	_ =	swait.ge [sflag:s18], $0xA00  }
0x43: {  	[sflag:s18] =	ssyncset.done $0x0  }
0x44: {  	s26 =	simm.s32 $0x0;
	s25 =	simm.s32 $0x0;
	[sflag:s18] =	ssyncadd.s32 $0xFFFFF600  }
.LBB2_5:
0x45: {  	s30 =	sadd.s32 $0xFFFFFFFC, s25  }
0x46: {  	s28 =	sadd.s32 $0x6, s30  }
0x47: {  	v1 =	vmov s28;
	s28 =	sadd.s32 $0x4, s30  }
0x48: {  	v2 =	vmov s28;
	s28 =	sshll.u32 s26, $0x7  }
0x49: {  	[tilespmem:s17], [sflag:$0x1] =	stream.indirect.gather [hbm4b:s4+s20], $0x80, s28, s20, $0xb8;
	[tilespmem:$0x1A200] =	vst v63  }
0x4a: {  	v1 =	vand.u32 $0xFFFFFFFE, v1;
	_ =	swait.ge [sflag:s18], $0x4000  }
0x4b: {  	v1 =	vbroadcast v1, $0x0;
	v2 =	vand.u32 $0xFFFFFFFC, v2;
	[sflag:s18] =	ssyncset.done $0x0  }
0x4c: {  	s29 =	simm.s32 $0x2300;
	v2 =	vbroadcast v2, $0x0;
	[sflag:s18] =	ssyncadd.s32 $0xFFFFC000  }
0x4d: {  	v3 =	vld [tilespmem:s29+$0x70]  }
0x4e: {  	v5 =	vld [tilespmem:s29+$0xFFFFFF00]  }
0x4f: {  	s31 =	sadd.s32 $0x5, s30;
	v6 =	vld [tilespmem:s29+$0xFFFFFF10]  }
0x50: {  	v4 =	vmov s31;
	v7 =	vld [tilespmem:s29+$0xFFFFFF20]  }
0x51: {  	v4 =	vand.u32 $0xFFFFFFFD, v4;
	v1 =	vld.idx.msk [tilespmem:v1+s22+$0x0], $0xffff  }
0x52: {  	v4 =	vbroadcast v4, $0x0;
	v2 =	vld.idx.msk [tilespmem:v2+s22+$0x0], $0xffff  }
0x53: {  	v8 =	vld [tilespmem:s29+$0xFFFFFF30]  }
0x54: {  	v9 =	vld [tilespmem:s29+$0xFFFFFF40]  }
0x55: {  	v10 =	vld [tilespmem:s29+$0xFFFFFF50]  }
0x56: {  	v11 =	vld [tilespmem:s29+$0xFFFFFF60];
	v3 =	vmul.f32 v3, v1  }
0x57: {  	v13 =	vld [tilespmem:s29+$0xFFFFFFD0];
	v5 =	vmul.f32 v5, v2  }
0x58: {  	v4 =	vld.idx.msk [tilespmem:v4+s22+$0x0], $0xffff;
	[tilespmem:s29+$0x70] =	vst v3;
	v3 =	vmul.f32 v7, v2  }
0x59: {  	[tilespmem:s29+$0xFFFFFF00] =	vst v5;
	v5 =	vmul.f32 v6, v2;
	v6 =	vld [tilespmem:s29+$0xFFFFFF70]  }
0x5a: {  	s30 =	sadd.s32 $0x7, s30;
	v7 =	vld [tilespmem:s29+$0xFFFFFF80];
	[tilespmem:s29+$0xFFFFFF20] =	vst v3;
	v3 =	vmul.f32 v9, v2  }
0x5b: {  	v12 =	vmov s30;
	[tilespmem:s29+$0xFFFFFF10] =	vst v5;
	v5 =	vmul.f32 v8, v2;
	v8 =	vld [tilespmem:s29+$0xFFFFFF90]  }
0x5c: {  	v9 =	vld [tilespmem:s29+$0xFFFFFFA0];
	[tilespmem:s29+$0xFFFFFF40] =	vst v3;
	v3 =	vmul.f32 v11, v2  }
0x5d: {  	v11 =	vld [tilespmem:s29+$0xFFFFFFC0];
	[tilespmem:s29+$0xFFFFFF30] =	vst v5;
	v5 =	vmul.f32 v10, v2  }
0x5e: {  	v10 =	vld [tilespmem:s29+$0xFFFFFFB0];
	v6 =	vmul.f32 v6, v2;
	[tilespmem:s29+$0xFFFFFF60] =	vst v3  }
0x5f: {  	v14 =	vld [tilespmem:s29+$0xFFFFFFE0];
	[tilespmem:s29+$0xFFFFFF50] =	vst v5;
	v5 =	vmul.f32 v7, v4  }
0x60: {  	v2 =	vld.idx.msk [tilespmem:v12+s22+$0x0], $0xffff;
	v3 =	vmul.f32 v8, v4;
	[tilespmem:s29+$0xFFFFFF70] =	vst v6  }
0x61: {  	v8 =	vld [tilespmem:s29+$0xFFFFFFF0];
	[tilespmem:s29+$0xFFFFFF80] =	vst v5;
	v5 =	vmul.f32 v9, v4  }
0x62: {  	v7 =	vld [tilespmem:s29+$0x0];
	v9 =	vmul.f32 v11, v4;
	[tilespmem:s29+$0xFFFFFF90] =	vst v3  }
0x63: {  	v6 =	vld [tilespmem:s29+$0x10];
	v3 =	vmul.f32 v10, v4;
	[tilespmem:s29+$0xFFFFFFA0] =	vst v5  }
0x64: {  	v10 =	vmul.f32 v13, v4;
	v5 =	vld [tilespmem:s29+$0x20];
	[tilespmem:s29+$0xFFFFFFC0] =	vst v9  }
0x65: {  	v9 =	vmul.f32 v14, v4;
	[tilespmem:s29+$0xFFFFFFB0] =	vst v3;
	v3 =	vld [tilespmem:s29+$0x30]  }
0x66: {  	s31 =	simm.s32 $0x0;
	s30 =	simm.s32 $0x2300;
	[tilespmem:s29+$0xFFFFFFD0] =	vst v10;
	v8 =	vmul.f32 v8, v4;
	v4 =	vld [tilespmem:s29+$0x40]  }
.LBB2_6:
0x67: {  	s0 =	sadd.s32 s31, s25;
	s31 =	sadd.s32 $0x4, s31;
	[tilespmem:s29+$0xFFFFFFE0] =	vst v9;
	v7 =	vmul.f32 v7, v1;
	v9 =	vld [tilespmem:s29+$0x50]  }
0x68: {  	s2 =	sadd.s32 $0x4, s0;
	s9 =	sadd.s32 $0x6, s0;
	p0 =	slt.u32 s31, $0x7C;
	[tilespmem:s29+$0xFFFFFFF0] =	vst v8;
	v6 =	vmul.f32 v6, v1;
	v8 =	vld [tilespmem:s29+$0x60]  }
0x69: {  	v10 =	vmov s2;
	s2 =	sadd.s32 $0x5, s0;
	v11 =	vmov s9;
	s0 =	sadd.s32 $0x7, s0;
	[tilespmem:s29+$0x0] =	vst v7;
	v5 =	vmul.f32 v5, v1;
	v7 =	vld [tilespmem:s29+$0x80]  }
0x6a: {  	v10 =	vand.u32 $0xFFFFFFFC, v10;
	v12 =	vmov s2;
	v11 =	vand.u32 $0xFFFFFFFE, v11;
	[tilespmem:s29+$0x10] =	vst v6;
	v6 =	vld [tilespmem:s29+$0x90]  }
0x6b: {  	v10 =	vbroadcast v10, $0x0;
	v12 =	vand.u32 $0xFFFFFFFD, v12;
	v11 =	vbroadcast v11, $0x0;
	[tilespmem:s29+$0x20] =	vst v5;
	v5 =	vld [tilespmem:s29+$0xA0]  }
0x6c: {  	v13 =	vmov s0;
	v3 =	vmul.f32 v3, v1;
	v12 =	vbroadcast v12, $0x0;
	v14 =	vld [tilespmem:s29+$0xB0]  }
0x6d: {  	v4 =	vmul.f32 v4, v1;
	v9 =	vmul.f32 v9, v1;
	v15 =	vld [tilespmem:s29+$0xC0]  }
0x6e: {  	[tilespmem:s29+$0x30] =	vst v3;
	v3 =	vmul.f32 v8, v1;
	v7 =	vmul.f32 v7, v2;
	v8 =	vld [tilespmem:s29+$0xD0]  }
0x6f: {  	[tilespmem:s29+$0x40] =	vst v4;
	v4 =	vmul.f32 v6, v2;
	v6 =	vld [tilespmem:s29+$0xE0]  }
0x70: {  	[tilespmem:s29+$0x50] =	vst v9;
	v5 =	vmul.f32 v5, v2;
	v9 =	vld [tilespmem:s29+$0xF0]  }
0x71: {  	s29 =	sadd.s32 $0x200, s29;
	v1 =	vld.idx.msk [tilespmem:v11+s22+$0x0], $0xffff;
	[tilespmem:s30+$0x60] =	vst v3;
	v3 =	vmul.f32 v14, v2  }
0x72: {  	v11 =	vld [tilespmem:s29+$0x70];
	[tilespmem:s30+$0x80] =	vst v7;
	v7 =	vmul.f32 v15, v2  }
0x73: {  	v10 =	vld.idx.msk [tilespmem:v10+s22+$0x0], $0xffff;
	[tilespmem:s30+$0x90] =	vst v4;
	v4 =	vmul.f32 v8, v2  }
0x74: {  	v8 =	vld.idx.msk [tilespmem:v12+s22+$0x0], $0xffff;
	[tilespmem:s30+$0xA0] =	vst v5;
	v5 =	vmul.f32 v6, v2  }
0x75: {  	[tilespmem:s30+$0xB0] =	vst v3;
	v3 =	vmul.f32 v9, v2;
	v2 =	vld.idx.msk [tilespmem:v13+s22+$0x0], $0xffff  }
0x76: {  	v6 =	vld [tilespmem:s29+$0xFFFFFF00];
	[tilespmem:s30+$0xC0] =	vst v7  }
0x77: {  	v7 =	vld [tilespmem:s29+$0xFFFFFF10];
	v9 =	vmul.f32 v11, v1;
	[tilespmem:s30+$0xD0] =	vst v4  }
0x78: {  	v4 =	vld [tilespmem:s29+$0xFFFFFF20];
	[tilespmem:s30+$0xE0] =	vst v5  }
0x79: {  	v5 =	vld [tilespmem:s29+$0xFFFFFF30];
	[tilespmem:s29+$0x70] =	vst v9  }
0x7a: {  	v9 =	vld [tilespmem:s29+$0xFFFFFF40];
	[tilespmem:s30+$0xF0] =	vst v3;
	s30 =	smov.u32 s29  }
0x7b: {  	v3 =	vmul.f32 v6, v10;
	v6 =	vld [tilespmem:s29+$0xFFFFFF50]  }
0x7c: {  	v7 =	vmul.f32 v7, v10;
	v11 =	vld [tilespmem:s29+$0xFFFFFF60]  }
0x7d: {  	[tilespmem:s29+$0xFFFFFF00] =	vst v3;
	v3 =	vmul.f32 v4, v10;
	v4 =	vld [tilespmem:s29+$0xFFFFFF70]  }
0x7e: {  	[tilespmem:s29+$0xFFFFFF10] =	vst v7;
	v5 =	vmul.f32 v5, v10;
	v7 =	vld [tilespmem:s29+$0xFFFFFF80]  }
0x7f: {  	[tilespmem:s29+$0xFFFFFF20] =	vst v3;
	v3 =	vmul.f32 v9, v10;
	v9 =	vld [tilespmem:s29+$0xFFFFFF90]  }
0x80: {  	[tilespmem:s29+$0xFFFFFF30] =	vst v5;
	v5 =	vmul.f32 v6, v10;
	v6 =	vld [tilespmem:s29+$0xFFFFFFA0]  }
0x81: {  	[tilespmem:s29+$0xFFFFFF40] =	vst v3;
	v3 =	vmul.f32 v11, v10;
	v11 =	vld [tilespmem:s29+$0xFFFFFFB0]  }
0x82: {  	[tilespmem:s29+$0xFFFFFF50] =	vst v5;
	v4 =	vmul.f32 v4, v10;
	v5 =	vld [tilespmem:s29+$0xFFFFFFC0]  }
0x83: {  	[tilespmem:s29+$0xFFFFFF60] =	vst v3;
	v3 =	vmul.f32 v7, v8;
	v10 =	vld [tilespmem:s29+$0xFFFFFFD0]  }
0x84: {  	[tilespmem:s29+$0xFFFFFF70] =	vst v4;
	v4 =	vmul.f32 v9, v8;
	v9 =	vld [tilespmem:s29+$0xFFFFFFE0]  }
0x85: {  	[tilespmem:s29+$0xFFFFFF80] =	vst v3;
	v3 =	vmul.f32 v6, v8;
	v12 =	vld [tilespmem:s29+$0xFFFFFFF0]  }
.Ltmp1:
0x86: {  	[tilespmem:s29+$0xFFFFFF90] =	vst v4;
	v4 =	vmul.f32 v11, v8;
	v7 =	vld [tilespmem:s29+$0x0];
	(pc) =	sbr.rel @p0 .LBB2_6-.Ltmp1, $4  }
0x87: {  	[tilespmem:s29+$0xFFFFFFA0] =	vst v3;
	v3 =	vmul.f32 v5, v8;
	v6 =	vld [tilespmem:s29+$0x10]  }
0x88: {  	[tilespmem:s29+$0xFFFFFFB0] =	vst v4;
	v4 =	vmul.f32 v10, v8;
	v5 =	vld [tilespmem:s29+$0x20]  }
0x89: {  	[tilespmem:s29+$0xFFFFFFC0] =	vst v3;
	v9 =	vmul.f32 v9, v8;
	v3 =	vld [tilespmem:s29+$0x30]  }
0x8a: {  	[tilespmem:s29+$0xFFFFFFD0] =	vst v4;
	v8 =	vmul.f32 v12, v8;
	v4 =	vld [tilespmem:s29+$0x40]  }
0x8b: {  	v10 =	vld [tilespmem:s29+$0x50]  }
0x8c: {  	[tilespmem:s29+$0xFFFFFFE0] =	vst v9;
	v7 =	vmul.f32 v7, v1;
	v54 =	vld [tilespmem:s29+$0x60]  }
0x8d: {  	v55 =	vld [tilespmem:s29+$0x80];
	[tilespmem:s29+$0xFFFFFFF0] =	vst v8;
	v6 =	vmul.f32 v6, v1  }
0x8e: {  	v56 =	vld [tilespmem:s29+$0x90];
	[tilespmem:s29+$0x0] =	vst v7;
	v5 =	vmul.f32 v5, v1  }
0x8f: {  	v57 =	vld [tilespmem:s29+$0xA0];
	[tilespmem:s29+$0x10] =	vst v6;
	v3 =	vmul.f32 v3, v1  }
0x90: {  	v58 =	vld [tilespmem:s29+$0xB0];
	[tilespmem:s29+$0x20] =	vst v5;
	v4 =	vmul.f32 v4, v1  }
0x91: {  	v11 =	vld [tilespmem:s29+$0xC0];
	v10 =	vmul.f32 v10, v1;
	[tilespmem:s29+$0x30] =	vst v3  }
0x92: {  	v60 =	vld [tilespmem:s29+$0xE0];
	v59 =	vmul.f32 v55, v2;
	[tilespmem:s29+$0x40] =	vst v4  }
0x93: {  	v3 =	vld [tilespmem:s29+$0xD0];
	v7 =	vmul.f32 v56, v2;
	[tilespmem:s29+$0x50] =	vst v10  }
0x94: {  	v61 =	vld [tilespmem:s29+$0xF0];
	v1 =	vmul.f32 v54, v1;
	[tilespmem:s30+$0x80] =	vst v59  }
0x95: {  	v62 =	vmul.f32 v58, v2;
	[tilespmem:s30+$0x90] =	vst v7  }
0x96: {  	[tilespmem:s30+$0x60] =	vst v1;
	v1 =	vmul.f32 v57, v2  }
0x97: {  	v63 =	vmul.f32 v11, v2;
	[tilespmem:s30+$0xB0] =	vst v62  }
0x98: {  	[tilespmem:s30+$0xA0] =	vst v1;
	v1 =	vmul.f32 v3, v2  }
0x99: {  	[tilespmem:s30+$0xC0] =	vst v63;
	v3 =	vmul.f32 v60, v2  }
0x9a: {  	s26 =	sadd.s32 $0x1, s26;
	v2 =	vmul.f32 v61, v2;
	[tilespmem:s30+$0xD0] =	vst v1  }
0x9b: {  	p0 =	sne.s32 s26, $0x14;
	[tilespmem:s30+$0xE0] =	vst v3  }
.Ltmp2:
0x9c: {  	s0 =	sadd.s32 $0xC00, s28;
	[tilespmem:s30+$0xF0] =	vst v2;
	(pc) =	sbr.rel @p0 .LBB2_5-.Ltmp2, $4  }
0x9d: {  	[spmem:s1] =	stream.indirect.scatter.add.f32 [tilespmem:s17], [sflag:$0x1], $0x80, s0, s20, $0xb8;
	[tilespmem:$0x1A200] =	vst v63  }
0x9e: {  	_ =	swait.ge [sflag:s18], $0x4000  }
0x9f: {  	[sflag:s18] =	ssyncset.done $0x0  }
0xa0: {  	s25 =	sadd.s32 $0x80, s25;
	[sflag:s18] =	ssyncadd.s32 $0xFFFFC000  }
0xa1: {  	s24 =	sadd.s32 $0x1, s24  }
0xa2: {  	p0 =	sne.s32 s24, $0x4  }
.Ltmp3:
0xa3: {  	_ = 	snop;
	(pc) =	sbr.rel @p0 .LBB2_4-.Ltmp3, $1  }
0xa4: {  	_ =	sdelay $0x3  }
0xa5: {  	s0 =	stileid.u32;
	s3 =	sadd.s32 $0x1, s3  }
0xa6: {  	[bflag:$0x0] =	sbarrier.arrive $0xFFFF;
	s0 =	sshll.u32 s0, $0x6;
	p0 =	sne.s32 s3, s16  }
.Ltmp4:
0xa7: {  	s2 =	sshrl.u32 s8, $0x3;
	s0 =	sor.u32 $0x1C01, s0;
	(pc) =	sbr.rel @p0 .LBB2_1-.Ltmp4, $4  }
0xa8: {  	[hbm:s15], [sflag:s0] =	dma.local [spmem:s2], $0x2800  }
0xa9: {  	_ =	swait.ge [sflag:s18], $0x2800  }
0xaa: {  	[sflag:s18] =	ssyncset.done $0x0  }
0xab: {  	[sflag:s18] =	ssyncadd.s32 $0xFFFFD800  }
0xac: {  	_ =	sfence.sel $0x180000  }
0xad: {  	[bflag:$0x0] =	sbarrier.arrive $0xFFFF  }
0xae: {  	_ =	strace $0x9000004D  }
0xaf: {  	s0 =	stileid.u32;
	[bflag:$0x2] =	sbarrier.arrive $0xFFFF  }
0xb0: {  	p0 =	sne.s32 s0, $0x0;
	s0 =	rddreg [dreg:$0x2]  }
0xb1: {  	s0 =	sadd.s32 @!p0 $0x100000, s0  }
0xb2: {  	[sflag:s0] =	ssyncadd.tile.s32 @!p0 $0x1;
	_ =	shalt  }
.Lfunc_end2:
_tile_overlayer_lowered:
.L_overlay_start_2:
0xb3: {  	(tag) =	ssettag $0x2  }
0xb4: {  	s0 =	rddreg [dreg:$0x0];
	s2 =	stileid.u32  }
0xb5: {  	s1 =	rddreg [dreg:$0x1];
	p0 =	sne.s32 s2, $0x0  }
0xb6: {  	s3 =	rddreg [dreg:$0x2];
	[bflag:$0x3] =	sbarrier.arrive $0xFFFF;
	s2 =	simm.s32 @!p0 $0x1C01  }
0xb7: {  	[timem:s3], [sflag:s2] =	dma.local @!p0 [hbm:s0], s1  }
0xb8: {  	s0 =	simm.s32 @!p0 $0x1  }
0xb9: {  	_ =	swait.ge @!p0 [sflag:s0], s1  }
0xba: {  	s1 =	ssub.s32 @!p0 $0x0, s1;
	[sflag:s0] =	ssyncset.done @!p0 $0x0  }
0xbb: {  	[sflag:s0] =	ssyncadd.s32 @!p0 s1  }
0xbc: {  	[bflag:$0x3] =	sbarrier.arrive $0xFFFF  }
0xbd: {  	_ =	shalt  }

// kernel: kernel.8.cloned.1.call-start
scs
__scs_entry_jumppad:
0x0: {  	(pc) =	sbr.rel $0x88, $3  }
0x1: {  	(tag) =	ssettag $0x0;
	lr =	simm.s32 $0x1  }
0x2: {  	[smem:$0x3F90] =	sst lr;
	_ =	strace $0xD0000000  }
0x3: {  	_ = 	snop  }
0x4: {  	_ = 	snop  }
0x5: {  	_ = 	snop  }
0x6: {  	_ = 	snop  }
0x7: {  	_ = 	snop  }
__scs_overlays_trampoline_lowered:
0x8: {  	[smem:$0x3F9F] =	sst s0  }
0x9: {  	[smem:$0x3FA0] =	sst s1  }
0xa: {  	[smem:$0x3FA1] =	sst s2  }
0xb: {  	[smem:$0x3FA2] =	sst s3  }
0xc: {  	[smem:$0x3FA3] =	sst s4  }
0xd: {  	[smem:$0x3FA4] =	sst s5  }
0xe: {  	[smem:$0x3FA5] =	sst s6  }
0xf: {  	[smem:$0x3FA6] =	sst s7  }
0x10: {  	[smem:$0x3FA7] =	sst s8  }
0x11: {  	[smem:$0x3FA8] =	sst s9;
	s0 =	simm.s32 @!p0 $0x0  }
0x12: {  	s1 =	sld [smem:$0x3F8E];
	s0 =	simm.s32 @p0 $0x1  }
0x13: {  	[smem:$0x3FA9] =	sst s0;
	s0 =	simm.s32 @!p1 $0x0  }
0x14: {  	s2 =	sld [smem:$0x3F8D];
	s0 =	simm.s32 @p1 $0x1  }
0x15: {  	[smem:$0x3FAA] =	sst s0;
	s0 =	simm.s32 @!p2 $0x0  }
0x16: {  	s3 =	sld [smem:$0x3FDB];
	s0 =	simm.s32 @p2 $0x1  }
0x17: {  	s4 =	simm.s32 $0x1BF5;
	[smem:$0x3FAC] =	sst s0  }
0x18: {  	s0 =	sld [smem:$0x3F8F];
	_ =	swait.ge [sflag:s4], $0x0  }
0x19: {  	s7 =	sld [smem:$0x3F90]  }
0x1a: {  	s8 =	sadd.s32 $0xFFFFE003, lr  }
0x1b: {  	s9 =	sadd.s32 $0xFFFFFEF7, lr;
	s5 =	simm.s32 $0xFFFFFFFF;
	p2 =	slt.u32 s8, $0xFFFFF086  }
0x1c: {  	p1 =	slt.u32 s9, $0xF7A;
	s5 =	simm.s32 @!p2 $0x0  }
0x1d: {  	s5 =	simm.s32 @p1 $0x1;
	p0 =	seq.s32 s7, s2  }
0x1e: {  	s7 =	smul.u32 @!p0 $0xF7A, s2;
	p2 =	seq.s32 @!p0 s5, $0x0  }
0x1f: {  	s9 =	smul.u32 $0xF7A, s1;
	s8 =	simm.s32 @!p0 $0x1BF5;
	p2 =	por !p2, p0  }
0x20: {  	[sflag:s8] =	ssyncset.s32 @!p0 $0xFFFFF086;
	s6 =	sadd.s32 @!p0 s3, s7;
	s7 =	simm.s32 @!p0 $0x108  }
0x21: {  	s3 =	sadd.s32 s3, s9;
	s6 =	sadd.s32 @!p0 $0x88, s6;
	s7 =	simm.s32 @p2 $0x1082  }
0x22: {  	[simem:s7], [sflag:s8] =	dma.local @!p0 [hbm:s6], $0xF7A  }
0x23: {  	s9 =	sor.u32 $0xD0000000, s2;
	s6 =	simm.s32 $0x108;
	_ =	swait.ge @!p0 [sflag:s8], $0x0  }
0x24: {  	s3 =	sadd.s32 $0x88, s3;
	s6 =	simm.s32 @!p1 $0x1082;
	[sflag:s4] =	ssyncset.s32 $0xFFFFF086  }
0x25: {  	[simem:s6], [sflag:s4] =	dma.local [hbm:s3], $0xF7A  }
0x26: {  	[smem:$0x3F90] =	sst s1;
	(tag) =	ssettag s2;
	_ =	strace s9  }
0x27: {  	s1 =	sld [smem:$0x3FA0]  }
0x28: {  	s2 =	sld [smem:$0x3FA1]  }
0x29: {  	s4 =	sld [smem:$0x3FA3]  }
0x2a: {  	p0 =	seq.s32 s5, $0x0;
	s5 =	sld [smem:$0x3FA4]  }
0x2b: {  	s6 =	sld [smem:$0x3FA5]  }
0x2c: {  	s7 =	sld [smem:$0x3FA6]  }
0x2d: {  	s3 =	simm.s32 $0x108;
	s8 =	sld [smem:$0x3FA7]  }
0x2e: {  	s3 =	simm.s32 @!p0 $0x1082;
	s9 =	sld [smem:$0x3FA8]  }
0x2f: {  	lr =	sadd.s32 s0, s3;
	s0 =	sld [smem:$0x3F9F]  }
0x30: {  	s3 =	sld [smem:$0x3FA2]  }
0x31: {  	[smem:$0x3FAB] =	sst s10  }
0x32: {  	s10 =	sld [smem:$0x3FA9];
	_ =	sdelay $0x3  }
0x33: {  	p0 =	seq.s32 s10, $0x1;
	s10 =	sld [smem:$0x3FAB];
	_ =	sdelay $0x3  }
0x34: {  	[smem:$0x3FAB] =	sst s10  }
0x35: {  	s10 =	sld [smem:$0x3FAA];
	_ =	sdelay $0x3  }
0x36: {  	p1 =	seq.s32 s10, $0x1;
	s10 =	sld [smem:$0x3FAB];
	_ =	sdelay $0x3  }
0x37: {  	[smem:$0x3FAB] =	sst s10  }
0x38: {  	s10 =	sld [smem:$0x3FAC]  }
0x39: {  	_ = 	snop;
	(pc) =	sbr.ind lr, $3  }
0x3a: {  	_ = 	snop  }
0x3b: {  	_ = 	snop  }
0x3c: {  	p2 =	seq.s32 s10, $0x1;
	s10 =	sld [smem:$0x3FAB]  }
0x3d: {  	_ =	shalt  }
0x3e: {  	_ =	shalt  }
0x3f: {  	_ =	shalt  }
0x40: {  	_ =	shalt  }
0x41: {  	_ =	shalt  }
0x42: {  	_ =	shalt  }
0x43: {  	_ =	shalt  }
0x44: {  	_ =	shalt  }
0x45: {  	_ =	shalt  }
0x46: {  	_ =	shalt  }
0x47: {  	_ =	shalt  }
0x48: {  	_ =	shalt  }
0x49: {  	_ =	shalt  }
0x4a: {  	_ =	shalt  }
0x4b: {  	_ =	shalt  }
0x4c: {  	_ =	shalt  }
0x4d: {  	_ =	shalt  }
0x4e: {  	_ =	shalt  }
0x4f: {  	_ =	shalt  }
0x50: {  	_ =	shalt  }
0x51: {  	_ =	shalt  }
0x52: {  	_ =	shalt  }
0x53: {  	_ =	shalt  }
0x54: {  	_ =	shalt  }
0x55: {  	_ =	shalt  }
0x56: {  	_ =	shalt  }
0x57: {  	_ =	shalt  }
0x58: {  	_ =	shalt  }
0x59: {  	_ =	shalt  }
0x5a: {  	_ =	shalt  }
0x5b: {  	_ =	shalt  }
0x5c: {  	_ =	shalt  }
0x5d: {  	_ =	shalt  }
0x5e: {  	_ =	shalt  }
0x5f: {  	_ =	shalt  }
0x60: {  	_ =	shalt  }
0x61: {  	_ =	shalt  }
0x62: {  	_ =	shalt  }
0x63: {  	_ =	shalt  }
0x64: {  	_ =	shalt  }
0x65: {  	_ =	shalt  }
0x66: {  	_ =	shalt  }
0x67: {  	_ =	shalt  }
0x68: {  	_ =	shalt  }
0x69: {  	_ =	shalt  }
0x6a: {  	_ =	shalt  }
0x6b: {  	_ =	shalt  }
0x6c: {  	_ =	shalt  }
0x6d: {  	_ =	shalt  }
0x6e: {  	_ =	shalt  }
0x6f: {  	_ =	shalt  }
0x70: {  	_ =	shalt  }
0x71: {  	_ =	shalt  }
0x72: {  	_ =	shalt  }
0x73: {  	_ =	shalt  }
0x74: {  	_ =	shalt  }
0x75: {  	_ =	shalt  }
0x76: {  	_ =	shalt  }
0x77: {  	_ =	shalt  }
0x78: {  	_ =	shalt  }
0x79: {  	_ =	shalt  }
0x7a: {  	_ =	shalt  }
0x7b: {  	_ =	shalt  }
0x7c: {  	_ =	shalt  }
0x7d: {  	_ =	shalt  }
0x7e: {  	_ =	shalt  }
0x7f: {  	_ =	shalt  }
0x80: {  	_ =	shalt  }
0x81: {  	_ =	shalt  }
0x82: {  	_ =	shalt  }
0x83: {  	_ =	shalt  }
0x84: {  	_ =	shalt  }
0x85: {  	_ =	shalt  }
0x86: {  	_ =	shalt  }
0x87: {  	_ =	shalt  }
.Lfunc_end0:
.L_simem_size_0:
called_computation_lowered:
.L_overlay_start_0:
0x88: {  	s2 =	sld [smem:$0x3FD9]  }
0x89: {  	s3 =	sld [smem:$0x3FFE];
	_ =	sdelay $0x1  }
0x8a: {  	s1 =	srdreg.scid  }
0x8b: {  	s0 =	sand.u32 $0x1, s1  }
0x8c: {  	s17 =	sshll.u32 s0, $0xA;
	s2 =	sadd.s32 s3, s2  }
0x8d: {  	s2 =	sadd.s32 s2, s17  }
0x8e: {  	[smem:$0x3FB7] =	sst s2  }
0x8f: {  	_ = 	snop  }
0x90: {  	s2 =	sld [smem:$0x3FC5];
	(tm) =	ssettm $0x1  }
0x91: {  	s18 =	sld [smem:$0x3FFB];
	_ =	sdelay $0x3  }
0x92: {  	_ =	strace s18  }
0x93: {  	s3 =	sld [smem:$0x3FFC];
	_ =	sdelay $0x3  }
0x94: {  	_ =	strace s3  }
0x95: {  	s3 =	sld [smem:$0x3FFD];
	_ =	sdelay $0x3  }
0x96: {  	_ =	strace s3  }
0x97: {  	_ =	strace $0x8FFFFFFF  }
0x98: {  	s19 =	sld [smem:$0x3FDB];
	_ =	sdelay $0x1  }
0x99: {  	s4 =	simm.s32 $_scs_section_size  }
0x9a: {  	s5 =	simm.s32 $_size__tile_overlayer_lowered;
	s6 =	simm.s32 $_tile_overlayer_lowered  }
0x9b: {  	s22 =	simm.s32 $0x1BFF;
	s21 =	sshll.u32 s6, $0x1;
	s3 =	sadd.s32 s4, s19  }
0x9c: {  	s7 =	simm.s32 $0x0;
	s20 =	sshll.u32 s5, $0x1;
	s5 =	sadd.s32 s21, s3  }
0x9d: {  	[timem:s7], [sflag:s22] =	dma.local [hbm:s5], s20  }
0x9e: {  	_ =	swait.ge [sflag:s22], s20  }
0x9f: {  	s4 =	ssub.s32 $0x0, s20;
	[sflag:s22] =	ssyncset.done $0x0  }
0xa0: {  	[sflag:s22] =	ssyncadd.s32 s4;
	_ =	sdelay $0x1  }
0xa1: {  	s23 =	simm.s32 $0x1B8B  }
0xa2: {  	_ =	swait.ge [sflag:s23], $0x1  }
0xa3: {  	[sflag:s23] =	ssyncset.done $0x0  }
0xa4: {  	s25 =	simm.s32 $0x1B8E;
	s24 =	sld [smem:$0x3FFE];
	[sflag:s23] =	ssyncadd.s32 $0xFFFFFFFF  }
0xa5: {  	s26 =	simm.s32 $execute0_lowered;
	[smem:$0x3FD2] =	sst s25  }
0xa6: {  	s5 =	sshll.u32 s26, $0x1;
	_ =	strace $0x80000046;
	[dreg:$0x1] =	wrdreg $0xFFFFFFFF  }
0xa7: {  	s28 =	simm.s32 $_size_execute0_lowered;
	s3 =	sadd.s32 s3, s5;
	[dreg:$0x0] =	wrdreg $0x0  }
0xa8: {  	s5 =	sshll.u32 s28, $0x1;
	[dreg:$0x2] =	wrdreg s3  }
0xa9: {  	[dreg:$0x3] =	wrdreg s5  }
0xaa: {  	[dreg:$0x4] =	wrdreg $0xC0  }
0xab: {  	_ =	task [dreg:s7], $0x5FFFF  }
0xac: {  	[dreg:$0x1] =	wrdreg $0xFFFFFFFF  }
0xad: {  	[dreg:$0x0] =	wrdreg $0x60  }
0xae: {  	[dreg:$0x2] =	wrdreg s24  }
0xaf: {  	[dreg:$0x3] =	wrdreg s2  }
0xb0: {  	[dreg:$0x4] =	wrdreg $0x7A000  }
0xb1: {  	[dreg:$0x5] =	wrdreg $0x9  }
0xb2: {  	_ =	task.clear_ibuf [dreg:s7], $0x6FFFF;
	_ =	strace $0x90000046  }
0xb3: {  	s29 =	simm.s32 $0x9;
	_ =	strace $0x80000048  }
0xb4: {  	_ =	swait.ge [sflag:s29], $0x1  }
0xb5: {  	[sflag:s29] =	ssyncadd.s32 $0xFFFFFFFF  }
0xb6: {  	_ =	strace $0x90000048  }
0xb7: {  	_ =	sfence  }
0xb8: {  	s30 =	sld [smem:$0x0];
	_ =	sdelay $0x2  }
0xb9: {  	s31 =	sshll.u32 s1, $0xD;
	s1 =	sshrl.u32 s1, $0x2  }
0xba: {  	s3 =	sand.u32 $0x4000, s31;
	s1 =	sadd.s32 s1, s30  }
0xbb: {  	s0 =	sor.u32 s3, s0;
	s1 =	sshll.u32 s1, $0x11  }
0xbc: {  	s0 =	sor.u32 s1, s0  }
0xbd: {  	s0 =	sadd.s32 $0x8F2B, s0  }
0xbe: {  	[sflag:s0] =	ssyncadd.remote.s32 $0x1  }
0xbf: {  	_ =	sfence.sel $0xFFFF  }
0xc0: {  	[dreg:$0x0] =	wrdreg $0xFFFFFFFF;
	(pc) =	sbr.abs _section_cstart, $3  }
0xc1: {  	[dreg:$0x1] =	wrdreg $0xFFFFFFFF  }
0xc2: {  	_ =	task.clear_ibuf [dreg:s7], $0x2FFFF;
	_ =	strace $0x9FFFFFFF  }
0xc3: {  	(tm) =	ssettm $0x7FFFFFFF  }
tec
execute0_lowered:
.L_overlay_start_1:
0x0: {  	(tag) =	ssettag $0x1  }
0x1: {  	s0 =	rddreg [dreg:$0x0]  }
0x2: {  	s1 =	rddreg [dreg:$0x1];
	s2 =	srdreg.scid  }
0x3: {  	s3 =	rddreg [dreg:$0x2];
	s11 =	stileid.u32  }
0x4: {  	s4 =	simm.s32 $0x0;
	s30 =	simm.s32 $0x200;
	s31 =	simm.s32 $0x2400  }
0x5: {  	s2 =	sand.u32 $0x1, s2;
	[smem:$0x7FF] =	sst s4;
	s9 =	smul.u32 $0x14000, s11  }
0x6: {  	s6 =	sadd.s32 $0xFA00, s0;
	s21 =	smul.u32 $0x50000, s11;
	s5 =	sshll.u32 s2, $0x4  }
0x7: {  	s22 =	sadd.s32 $0x1AA00, s0;
	s7 =	smul.u32 $0x140000, s2;
	s8 =	sor.u32 s11, s5  }
0x8: {  	_ =	strace $0x80000047;
	s2 =	ssub.s32 $0x2, s2;
	s24 =	smul.u32 $0xA000, s8  }
0x9: {  	s23 =	sshrl.u32 s2, $0x1;
	s5 =	sshll.u32 s8, $0x7;
	s26 =	smul.u32 $0x1400, s8  }
0xa: {  	s7 =	sadd.s32 s9, s7;
	s9 =	sshrl.u32 s21, $0x2;
	s16 =	smul.u32 $0x3000, s8  }
0xb: {  	s2 =	ssub.s32 s2, s23;
	s19 =	smul.u32 $0x2800, s8;
	s23 =	simm.s32 $0x1  }
0xc: {  	s10 =	sadd.s32 s5, s0;
	s5 =	sadd.s32 $0x3A00, s0;
	s7 =	sshrl.u32 s7, $0x3  }
0xd: {  	s21 =	smax.u32 s2, $0x1;
	s0 =	sadd.s32 s7, s0;
	s7 =	sadd.s32 s9, s3  }
0xe: {  	s9 =	sshrl.u32 s24, $0x3;
	s10 =	sadd.s32 $0x19A00, s10;
	s29 =	sadd.s32 s22, s26  }
0xf: {  	s24 =	simm.s32 $0x40;
	s26 =	simm.s32 $0x80;
	[dreg:$0x8] =	wrdreg s10  }
0x10: {  	s12 =	sadd.s32 $0x4000, s7;
	s25 =	sadd.s32 $0x8000, s7;
	[dreg:$0x9] =	wrdreg s29  }
0x11: {  	s13 =	sadd.s32 $0xC000, s7;
	s28 =	sadd.s32 $0x10000, s7;
	[dreg:$0x4] =	wrdreg s12  }
0x12: {  	s9 =	sadd.s32 s22, s9;
	s20 =	sadd.s32 $0x42A00, s0;
	[dreg:$0x5] =	wrdreg s25  }
0x13: {  	s22 =	simm.s32 $0x3A00;
	s0 =	simm.s32 $0x3000;
	[dreg:$0x6] =	wrdreg s13  }
0x14: {  	[dreg:$0x7] =	wrdreg s28;
	s14 =	sadd.s32 $0x400, s9;
	s15 =	sadd.s32 $0x800, s9  }
0x15: {  	v0 =	vimm.f32 $0.0e+00;
	s17 =	sadd.s32 $0xC00, s9;
	s18 =	sadd.s32 $0x1000, s9;
	s25 =	simm.s32 $0x400  }
.LBB2_1:
0x16: {  	s2 =	simm.s32 $0x200;
	s8 =	simm.s32 $0x0  }
.LBB2_2:
0x17: {  	p0 =	sne.s32 s2, $0xFE00;
	[tilespmem:s8+$0x3A00] =	vst v0;
	s8 =	smov.u32 s2;
	s2 =	sadd.s32 $0x200, s2  }
.Ltmp0:
0x18: {  	(pc) =	sbr.rel @p0 .LBB2_2-.Ltmp0, $2  }
0x19: {  	_ =	sdelay $0x2  }
0x1a: {  	s8 =	sshra.s32 s8, $0x2  }
0x1b: {  	[tilespmem:s8+$0x3A00] =	vst v0  }
0x1c: {  	[spmem:s7] =	stream.linear.scatter [tilespmem:s22], [sflag:$0x1], $0x4000, $0x38;
	[tilespmem:$0xA200] =	vst v63  }
0x1d: {  	_ =	swait.ge [sflag:s23], $0x4000  }
0x1e: {  	[sflag:s23] =	ssyncset.done $0x0  }
0x1f: {  	s2 =	rddreg [dreg:$0x4];
	[sflag:s23] =	ssyncadd.s32 $0xFFFFC000  }
0x20: {  	[spmem:s2] =	stream.linear.scatter [tilespmem:s22], [sflag:$0x1], $0x4000, $0x38;
	[tilespmem:$0xA200] =	vst v63  }
0x21: {  	_ =	swait.ge [sflag:s23], $0x4000  }
0x22: {  	[sflag:s23] =	ssyncset.done $0x0  }
0x23: {  	s8 =	rddreg [dreg:$0x5];
	[sflag:s23] =	ssyncadd.s32 $0xFFFFC000  }
0x24: {  	[spmem:s8] =	stream.linear.scatter [tilespmem:s22], [sflag:$0x1], $0x4000, $0x38;
	[tilespmem:$0xA200] =	vst v63  }
0x25: {  	_ =	swait.ge [sflag:s23], $0x4000  }
0x26: {  	[sflag:s23] =	ssyncset.done $0x0  }
0x27: {  	s9 =	rddreg [dreg:$0x6];
	[sflag:s23] =	ssyncadd.s32 $0xFFFFC000  }
0x28: {  	[spmem:s9] =	stream.linear.scatter [tilespmem:s22], [sflag:$0x1], $0x4000, $0x38;
	[tilespmem:$0xA200] =	vst v63  }
0x29: {  	_ =	swait.ge [sflag:s23], $0x4000  }
0x2a: {  	[sflag:s23] =	ssyncset.done $0x0  }
0x2b: {  	s10 =	rddreg [dreg:$0x7];
	[sflag:s23] =	ssyncadd.s32 $0xFFFFC000  }
0x2c: {  	[spmem:s10] =	stream.linear.scatter [tilespmem:s22], [sflag:$0x1], $0x4000, $0x38;
	[tilespmem:$0xA200] =	vst v63  }
0x2d: {  	_ =	swait.ge [sflag:s23], $0x4000  }
0x2e: {  	[sflag:s23] =	ssyncset.done $0x0  }
0x2f: {  	[sflag:s23] =	ssyncadd.s32 $0xFFFFC000  }
0x30: {  	[bflag:$0x0] =	sbarrier.arrive $0xFFFF  }
0x31: {  	s2 =	simm.s32 $0x0;
	s11 =	rddreg [dreg:$0x8]  }
0x32: {  	[tilespmem:s2], [sflag:$0x1] =	stream.linear.gather [hbm4b:s11+s2], $0x280, $0x38;
	[tilespmem:$0xA200] =	vst v63  }
0x33: {  	_ =	swait.ge [sflag:s23], $0x280  }
0x34: {  	[sflag:s23] =	ssyncset.done $0x0  }
0x35: {  	[sflag:s23] =	ssyncadd.s32 $0xFFFFFD80  }
0x36: {  	[tilespmem:s25], [sflag:$0x1] =	stream.indirect.gather [hbm4b:s1+s24], $0x80, s2, s24, $0xb8;
	[tilespmem:$0xA200] =	vst v63  }
0x37: {  	_ =	swait.ge [sflag:s23], $0x2000  }
0x38: {  	[sflag:s23] =	ssyncset.done $0x0  }
0x39: {  	s12 =	rddreg [dreg:$0x9];
	[sflag:s23] =	ssyncadd.s32 $0xFFFFE000  }
0x3a: {  	[hbm4b:s12+s2] =	stream.linear.scatter [tilespmem:s25], [sflag:$0x1], $0x2000, $0x38;
	[tilespmem:$0xA200] =	vst v63  }
0x3b: {  	_ =	swait.ge [sflag:s23], $0x2000  }
0x3c: {  	[sflag:s23] =	ssyncset.done $0x0  }
0x3d: {  	[sflag:s23] =	ssyncadd.s32 $0xFFFFE000  }
0x3e: {  	[tilespmem:s25], [sflag:$0x1] =	stream.indirect.gather [hbm4b:s1+s24], $0x80, s26, s24, $0xb8;
	[tilespmem:$0xA200] =	vst v63  }
0x3f: {  	_ =	swait.ge [sflag:s23], $0x2000  }
0x40: {  	[sflag:s23] =	ssyncset.done $0x0  }
0x41: {  	[sflag:s23] =	ssyncadd.s32 $0xFFFFE000  }
0x42: {  	[hbm4b:s14+s2] =	stream.linear.scatter [tilespmem:s25], [sflag:$0x1], $0x2000, $0x38;
	[tilespmem:$0xA200] =	vst v63  }
0x43: {  	_ =	swait.ge [sflag:s23], $0x2000  }
0x44: {  	[sflag:s23] =	ssyncset.done $0x0  }
0x45: {  	s13 =	simm.s32 $0x100;
	[sflag:s23] =	ssyncadd.s32 $0xFFFFE000  }
0x46: {  	[tilespmem:s25], [sflag:$0x1] =	stream.indirect.gather [hbm4b:s1+s24], $0x80, s13, s24, $0xb8;
	[tilespmem:$0xA200] =	vst v63  }
0x47: {  	_ =	swait.ge [sflag:s23], $0x2000  }
0x48: {  	[sflag:s23] =	ssyncset.done $0x0  }
0x49: {  	[sflag:s23] =	ssyncadd.s32 $0xFFFFE000  }
0x4a: {  	[hbm4b:s15+s2] =	stream.linear.scatter [tilespmem:s25], [sflag:$0x1], $0x2000, $0x38;
	[tilespmem:$0xA200] =	vst v63  }
0x4b: {  	_ =	swait.ge [sflag:s23], $0x2000  }
0x4c: {  	[sflag:s23] =	ssyncset.done $0x0  }
0x4d: {  	s29 =	simm.s32 $0x180;
	[sflag:s23] =	ssyncadd.s32 $0xFFFFE000  }
0x4e: {  	[tilespmem:s25], [sflag:$0x1] =	stream.indirect.gather [hbm4b:s1+s24], $0x80, s29, s24, $0xb8;
	[tilespmem:$0xA200] =	vst v63  }
0x4f: {  	_ =	swait.ge [sflag:s23], $0x2000  }
0x50: {  	[sflag:s23] =	ssyncset.done $0x0  }
0x51: {  	[sflag:s23] =	ssyncadd.s32 $0xFFFFE000  }
0x52: {  	[hbm4b:s17+s2] =	stream.linear.scatter [tilespmem:s25], [sflag:$0x1], $0x2000, $0x38;
	[tilespmem:$0xA200] =	vst v63  }
0x53: {  	_ =	swait.ge [sflag:s23], $0x2000  }
0x54: {  	[sflag:s23] =	ssyncset.done $0x0  }
0x55: {  	[sflag:s23] =	ssyncadd.s32 $0xFFFFE000  }
0x56: {  	[tilespmem:s25], [sflag:$0x1] =	stream.indirect.gather [hbm4b:s1+s24], $0x80, s30, s24, $0xb8;
	[tilespmem:$0xA200] =	vst v63  }
0x57: {  	_ =	swait.ge [sflag:s23], $0x2000  }
0x58: {  	[sflag:s23] =	ssyncset.done $0x0  }
0x59: {  	[sflag:s23] =	ssyncadd.s32 $0xFFFFE000  }
0x5a: {  	[hbm4b:s18+s2] =	stream.linear.scatter [tilespmem:s25], [sflag:$0x1], $0x2000, $0x38;
	[tilespmem:$0xA200] =	vst v63  }
0x5b: {  	_ =	swait.ge [sflag:s23], $0x2000  }
0x5c: {  	[sflag:s23] =	ssyncset.done $0x0  }
0x5d: {  	s28 =	simm.s32 $0x0;
	[sflag:s23] =	ssyncadd.s32 $0xFFFFE000  }
.LBB2_4:
0x5e: {  	s8 =	smul.u32 $0xC00, s28;
	_ =	sdelay $0x1  }
0x5f: {  	s8 =	sadd.s32 s16, s8  }
0x60: {  	s8 =	sshrl.u32 s8, $0x3  }
0x61: {  	s13 =	sshll.u32 s28, $0x7;
	s8 =	sadd.s32 s5, s8  }
0x62: {  	[tilespmem:s31], [sflag:$0x1] =	stream.linear.gather [hbm4b:s8+s2], $0xA00, $0x38;
	[tilespmem:$0xA200] =	vst v63  }
0x63: {  	s8 =	sadd.s32 s19, s13;
	_ =	swait.ge [sflag:s23], $0xA00  }
0x64: {  	s8 =	sshrl.u32 s8, $0x3;
	[sflag:s23] =	ssyncset.done $0x0  }
0x65: {  	s8 =	sadd.s32 s6, s8;
	[sflag:s23] =	ssyncadd.s32 $0xFFFFF600  }
0x66: {  	[tilespmem:s0], [sflag:$0x1] =	stream.strided.gather [hbm4b:s8+s26], $0xA00, s30, s26, $0x38;
	[tilespmem:$0xA200] =	vst v63  }
0x67: {  	_ =	swait.ge [sflag:s23], $0xA00  }
0x68: {  	[sflag:s23] =	ssyncset.done $0x0  }
0x69: {  	s29 =	simm.s32 $0x0;
	s8 =	simm.s32 $0x0;
	[sflag:s23] =	ssyncadd.s32 $0xFFFFF600  }
.LBB2_5:
0x6a: {  	v1 =	vmov s29;
	_ =	sdelay $0x4  }
0x6b: {  	s10 =	sadd.s32 $0x1, s29;
	v1 =	vld.idx.msk [tilespmem:v1+s0+$0x0], $0xffff  }
0x6c: {  	s11 =	simm.s32 $0x0;
	s9 =	simm.s32 $0x200;
	s12 =	simm.s32 $0x400;
	v2 =	vmov s10  }
.LBB2_6:
0x6d: {  	p0 =	sne.s32 s12, $0xFE00;
	_ =	sdelay $0x1  }
.Ltmp1:
0x6e: {  	s13 =	sshra.s32 s11, $0x2;
	s11 =	smov.u32 s9;
	(pc) =	sbr.rel @p0 .LBB2_6-.Ltmp1, $4  }
0x6f: {  	s9 =	smov.u32 s12;
	[tilespmem:s13+$0x3A00] =	vst v1  }
0x70: {  	v1 =	vld.idx.msk [tilespmem:v2+s0+$0x0], $0xffff  }
0x71: {  	s10 =	sadd.s32 $0x1, s10  }
0x72: {  	s12 =	sadd.s32 $0x200, s12;
	v2 =	vmov s10  }
0x73: {  	_ =	sdelay $0x1  }
0x74: {  	s10 =	sshra.s32 s11, $0x2  }
0x75: {  	[tilespmem:s10+$0x3A00] =	vst v1  }
0x76: {  	v1 =	vld.idx.msk [tilespmem:v2+s0+$0x0], $0xffff;
	_ =	sdelay $0x2  }
0x77: {  	s12 =	sshll.u32 s8, $0x7;
	s8 =	sadd.s32 $0x1, s8  }
0x78: {  	s9 =	sshra.s32 s9, $0x2;
	p0 =	sne.s32 s8, $0x14;
	s10 =	sand.u32 $0x3FFFFF80, s12  }
.Ltmp2:
0x79: {  	s13 =	sadd.s32 $0x2400, s10;
	[tilespmem:s9+$0x3A00] =	vst v1;
	(pc) =	sbr.rel @p0 .LBB2_5-.Ltmp2, $4  }
0x7a: {  	[spmem:s3] =	stream.indirect.scatter.add.f32 [tilespmem:s22], [sflag:$0x1], $0x10, s13, s26, $0xb8;
	[tilespmem:$0xA200] =	vst v63  }
0x7b: {  	_ =	swait.ge [sflag:s23], $0x800  }
0x7c: {  	[sflag:s23] =	ssyncset.done $0x0  }
0x7d: {  	s29 =	sadd.s32 $0x80, s29;
	[sflag:s23] =	ssyncadd.s32 $0xFFFFF800  }
0x7e: {  	s28 =	sadd.s32 $0x1, s28  }
0x7f: {  	p0 =	sne.s32 s28, $0x4  }
.Ltmp3:
0x80: {  	_ = 	snop;
	(pc) =	sbr.rel @p0 .LBB2_4-.Ltmp3, $1  }
0x81: {  	_ =	sdelay $0x3  }
0x82: {  	s2 =	stileid.u32;
	s4 =	sadd.s32 $0x1, s4  }
0x83: {  	[bflag:$0x0] =	sbarrier.arrive $0xFFFF;
	s2 =	sshll.u32 s2, $0x6;
	p0 =	sne.s32 s4, s21  }
.Ltmp4:
0x84: {  	s8 =	sshrl.u32 s7, $0x3;
	s2 =	sor.u32 $0x1C01, s2;
	(pc) =	sbr.rel @p0 .LBB2_1-.Ltmp4, $4  }
0x85: {  	[hbm:s20], [sflag:s2] =	dma.local [spmem:s8], $0x2800  }
0x86: {  	_ =	swait.ge [sflag:s23], $0x2800  }
0x87: {  	[sflag:s23] =	ssyncset.done $0x0  }
0x88: {  	[sflag:s23] =	ssyncadd.s32 $0xFFFFD800  }
0x89: {  	_ =	sfence.sel $0x180000  }
0x8a: {  	[bflag:$0x0] =	sbarrier.arrive $0xFFFF  }
0x8b: {  	_ =	strace $0x90000047  }
0x8c: {  	s0 =	stileid.u32;
	[bflag:$0x2] =	sbarrier.arrive $0xFFFF  }
0x8d: {  	p0 =	sne.s32 s0, $0x0;
	s0 =	rddreg [dreg:$0x3]  }
0x8e: {  	s0 =	sadd.s32 @!p0 $0x100000, s0  }
0x8f: {  	[sflag:s0] =	ssyncadd.tile.s32 @!p0 $0x1;
	_ =	shalt  }
.Lfunc_end2:
_tile_overlayer_lowered:
.L_overlay_start_2:
0x90: {  	(tag) =	ssettag $0x2  }
0x91: {  	s0 =	rddreg [dreg:$0x0];
	s2 =	stileid.u32  }
0x92: {  	s1 =	rddreg [dreg:$0x1];
	p0 =	sne.s32 s2, $0x0  }
0x93: {  	s3 =	rddreg [dreg:$0x2];
	[bflag:$0x3] =	sbarrier.arrive $0xFFFF;
	s2 =	simm.s32 @!p0 $0x1C01  }
0x94: {  	[timem:s3], [sflag:s2] =	dma.local @!p0 [hbm:s0], s1  }
0x95: {  	s0 =	simm.s32 @!p0 $0x1  }
0x96: {  	_ =	swait.ge @!p0 [sflag:s0], s1  }
0x97: {  	s1 =	ssub.s32 @!p0 $0x0, s1;
	[sflag:s0] =	ssyncset.done @!p0 $0x0  }
0x98: {  	[sflag:s0] =	ssyncadd.s32 @!p0 s1  }
0x99: {  	[bflag:$0x3] =	sbarrier.arrive $0xFFFF  }
0x9a: {  	_ =	shalt  }

</sc_bundles>
